<compile_context>
chip_gen: v7x
topology: tpu7x:2x2x1
jax: 0.10.2.dev20260603
libtpu: 0.0.44.dev20260713+nightly
codegen_flags: <defaults>
</compile_context>

<pallas_src>
import functools

import jax
import jax.numpy as jnp
from jax import lax
from jax.experimental import pallas as pl
from jax.experimental.pallas import tpu as pltpu
from jax.experimental.pallas import tpu_sc as plsc

N = 10000
E = 320000
D = 128

NC = 2
NS = 16
L = 16

CHUNK = 128
EPC = ((E + NS * CHUNK - 1) // (NS * CHUNK)) * NS * CHUNK
PADE = EPC - E
EPT = EPC // NS
NPAD = 10240
RPT = NPAD // NS
DEG_LEN = 2 * NPAD
DPT = DEG_LEN // NS

BLK = 2000
NB = N // BLK


def _vsc_mesh():
    return plsc.VectorSubcoreMesh(core_axis_name="c", subcore_axis_name="s",
                                  num_cores=NC, num_subcores=NS)


def _deg_body(didx_hbm, out_hbm, idx_v, ones_v, zb_v, deg_sh, sem):
    c = lax.axis_index("c")
    s = lax.axis_index("s")
    for i in range(CHUNK // L):
        ones_v[pl.ds(i * L, L)] = jnp.ones((L,), jnp.float32)
        zb_v[pl.ds(i * L, L)] = jnp.zeros((L,), jnp.float32)
    for k in range(DPT // CHUNK):
        pltpu.sync_copy(zb_v, deg_sh.at[pl.ds(s * DPT + k * CHUNK, CHUNK)])
    plsc.subcore_barrier()

    tpt = 2 * EPT
    base = c * (2 * EPC) + s * tpt

    def body(j, carry):
        off = base + j * CHUNK
        pltpu.sync_copy(didx_hbm.at[pl.ds(off, CHUNK)], idx_v)
        pltpu.sync_copy(ones_v, deg_sh.at[idx_v], add=True)
        return carry

    lax.fori_loop(0, tpt // CHUNK, body, 0)
    plsc.subcore_barrier()
    for k in range(DPT // CHUNK):
        pltpu.sync_copy(deg_sh.at[pl.ds(s * DPT + k * CHUNK, CHUNK)], zb_v)
        pltpu.sync_copy(zb_v, out_hbm.at[pl.ds(c * DEG_LEN + s * DPT + k * CHUNK, CHUNK)])


@functools.cache
def _deg_call():
    return pl.kernel(
        _deg_body,
        out_type=jax.ShapeDtypeStruct((2 * DEG_LEN,), jnp.float32),
        mesh=_vsc_mesh(),
        scratch_types=[
            pltpu.VMEM((CHUNK,), jnp.int32),
            pltpu.VMEM((CHUNK,), jnp.float32),
            pltpu.VMEM((CHUNK,), jnp.float32),
            pltpu.VMEM_SHARED((DEG_LEN,), jnp.float32),
            pltpu.SemaphoreType.DMA,
        ],
    )


def _agg_body(h_hbm, gsrc_hbm, gdst_hbm, out_hbm,
              idxs_v, idxd_v, rows_v, agg_sh, sem):
    c = lax.axis_index("c")
    s = lax.axis_index("s")

    def zbody(r, carry):
        for i in range(D // L):
            rows_v[r, pl.ds(i * L, L)] = jnp.zeros((L,), jnp.float32)
        return carry

    lax.fori_loop(0, CHUNK, zbody, 0)
    for k in range(RPT // CHUNK):
        pltpu.sync_copy(rows_v, agg_sh.at[pl.ds(s * RPT + k * CHUNK, CHUNK)])
    plsc.subcore_barrier()

    base = c * EPC + s * EPT

    def body(j, carry):
        off = base + j * CHUNK
        pltpu.sync_copy(gsrc_hbm.at[pl.ds(off, CHUNK)], idxs_v)
        pltpu.sync_copy(gdst_hbm.at[pl.ds(off, CHUNK)], idxd_v)
        pltpu.async_copy(h_hbm.at[idxs_v], rows_v, sem).wait()
        pltpu.sync_copy(rows_v, agg_sh.at[idxd_v], add=True)
        return carry

    lax.fori_loop(0, EPT // CHUNK, body, 0)
    plsc.subcore_barrier()
    for k in range(RPT // CHUNK):
        pltpu.sync_copy(agg_sh.at[pl.ds(s * RPT + k * CHUNK, CHUNK)], rows_v)
        pltpu.sync_copy(rows_v, out_hbm.at[pl.ds(c * NPAD + s * RPT + k * CHUNK, CHUNK)])


@functools.cache
def _agg_call():
    return pl.kernel(
        _agg_body,
        out_type=jax.ShapeDtypeStruct((2 * NPAD, D), jnp.float32),
        mesh=_vsc_mesh(),
        scratch_types=[
            pltpu.VMEM((CHUNK,), jnp.int32),
            pltpu.VMEM((CHUNK,), jnp.int32),
            pltpu.VMEM((CHUNK, D), jnp.float32),
            pltpu.VMEM_SHARED((NPAD, D), jnp.float32),
            pltpu.SemaphoreType.DMA,
        ],
    )


def _inv_sqrt_deg(d):
    return lax.rsqrt(jnp.where(d > 0, d, 1.0))


def _prescale_body(x_ref, dego_ref, out_ref):
    out_ref[0] = x_ref[0] * _inv_sqrt_deg(dego_ref[0])


def _prescale(xs, dego):
    return pl.pallas_call(
        _prescale_body,
        grid=(2, NB),
        in_specs=[
            pl.BlockSpec((1, BLK, D), lambda c, r: (c, r, 0)),
            pl.BlockSpec((1, BLK, 1), lambda c, r: (c, r, 0)),
        ],
        out_specs=pl.BlockSpec((1, BLK, D), lambda c, r: (c, r, 0)),
        out_shape=jax.ShapeDtypeStruct((2, N, D), jnp.float32),
    )(xs, dego)


def _dense_mid_body(agg_ref, degi_ref, dego_ref, w_ref, b_ref, out_ref):
    a = agg_ref[0] * _inv_sqrt_deg(degi_ref[0])
    z = jnp.dot(a, w_ref[...], preferred_element_type=jnp.float32) + b_ref[...]
    z = jnp.maximum(z, 0.0)
    out_ref[0] = z * _inv_sqrt_deg(dego_ref[0])


def _dense_mid(agg, degi, dego, w, b):
    return pl.pallas_call(
        _dense_mid_body,
        grid=(2, NB),
        in_specs=[
            pl.BlockSpec((1, BLK, D), lambda c, r: (c, r, 0)),
            pl.BlockSpec((1, BLK, 1), lambda c, r: (c, r, 0)),
            pl.BlockSpec((1, BLK, 1), lambda c, r: (c, r, 0)),
            pl.BlockSpec((D, D), lambda c, r: (0, 0)),
            pl.BlockSpec((1, D), lambda c, r: (0, 0)),
        ],
        out_specs=pl.BlockSpec((1, BLK, D), lambda c, r: (c, r, 0)),
        out_shape=jax.ShapeDtypeStruct((2, N, D), jnp.float32),
    )(agg, degi, dego, w, b)


def _dense_out_body(agg_ref, degi_ref, w_ref, b_ref, out_ref):
    a = agg_ref[0] * _inv_sqrt_deg(degi_ref[0])
    y = jnp.dot(a, w_ref[...], preferred_element_type=jnp.float32) + b_ref[...]
    nrm = jnp.sqrt(jnp.sum(y * y, axis=-1, keepdims=True))
    out_ref[0] = y / jnp.maximum(nrm, 1e-12)


def _dense_out(agg, degi, w, b):
    return pl.pallas_call(
        _dense_out_body,
        grid=(2, NB),
        in_specs=[
            pl.BlockSpec((1, BLK, D), lambda c, r: (c, r, 0)),
            pl.BlockSpec((1, BLK, 1), lambda c, r: (c, r, 0)),
            pl.BlockSpec((D, D), lambda c, r: (0, 0)),
            pl.BlockSpec((1, D), lambda c, r: (0, 0)),
        ],
        out_specs=pl.BlockSpec((1, BLK, D), lambda c, r: (c, r, 0)),
        out_shape=jax.ShapeDtypeStruct((2, N, D), jnp.float32),
    )(agg, degi, w, b)


def kernel(graph, feat, graph_neg, input_features_neg, input_features_nei,
           W1, b1, W2, b2):
    del input_features_nei
    src0, dst0 = graph[0], graph[1]
    src1, dst1 = graph_neg[0], graph_neg[1]

    padz = jnp.zeros((PADE,), jnp.int32)
    padb = jnp.full((PADE,), N, jnp.int32)
    padb2 = jnp.full((PADE,), NPAD + N, jnp.int32)

    gsrc = jnp.concatenate([src0, padz, src1 + N, padz])
    gdst = jnp.concatenate([dst0, padb, dst1, padb])
    didx = jnp.concatenate([
        src0, padb, dst0 + NPAD, padb2,
        src1, padb, dst1 + NPAD, padb2,
    ])

    deg = _deg_call()(didx).reshape(2, 2, NPAD)
    dego = deg[:, 0, :N].reshape(2, N, 1)
    degi = deg[:, 1, :N].reshape(2, N, 1)

    xs = jnp.stack([feat, input_features_neg])
    h1 = _prescale(xs, dego)
    agg1 = _agg_call()(h1.reshape(2 * N, D), gsrc, gdst).reshape(2, NPAD, D)
    h2 = _dense_mid(agg1, degi, dego, W1, b1.reshape(1, D))
    agg2 = _agg_call()(h2.reshape(2 * N, D), gsrc, gdst).reshape(2, NPAD, D)
    out = _dense_out(agg2, degi, W2, b2.reshape(1, D))
    return out[0], out[1]

# --- scband reference (transcript-rebuilt; emitter-appended) ---
"""Pipeline reference for scband-modelmini-59090160058437 (READ-ONLY COPY).

The authoritative reference and input builder live on the scoring server;
editing this copy changes nothing except your own understanding.
"""

import jax, jax.numpy as jnp
import numpy as np

N = 10000
E = 320000
D = 128


def gcn_conv(x, src, dst, W, b, n_nodes):
    # DGL GraphConv with norm='both': D_out^{-1/2} A D_in^{-1/2} x W + b
    ones = jnp.ones((src.shape[0],), dtype=x.dtype)
    deg_out = jax.ops.segment_sum(ones, src, num_segments=n_nodes)
    deg_in = jax.ops.segment_sum(ones, dst, num_segments=n_nodes)
    norm_src = jnp.where(deg_out > 0, deg_out, 1.0) ** -0.5
    norm_dst = jnp.where(deg_in > 0, deg_in, 1.0) ** -0.5
    h = x * norm_src[:, None]
    msg = h[src]                     # gather (SparseCore)
    agg = jax.ops.segment_sum(msg, dst, num_segments=n_nodes)  # scatter-add
    agg = agg * norm_dst[:, None]
    return agg @ W + b


def l2normalize(x, eps=1e-12):
    n = jnp.linalg.norm(x, axis=-1, keepdims=True)
    return x / jnp.clip(n, eps)


def encoder(x, edge_index, W1, b1, W2, b2, n_nodes):
    # GCNmini with n_layers=2, use_ln=False: relu(conv0) -> conv1
    src, dst = edge_index[0], edge_index[1]
    h = jax.nn.relu(gcn_conv(x, src, dst, W1, b1, n_nodes))
    h = gcn_conv(h, src, dst, W2, b2, n_nodes)
    return h


def setup_inputs(seed: int = 0) -> dict:
    key = jax.random.key(seed)
    ks = jax.random.split(key, 10)
    feat = jax.random.normal(ks[0], (N, D), dtype=jnp.float32)
    graph = jax.random.randint(ks[1], (2, E), 0, N, dtype=jnp.int32)
    graph_neg = jax.random.randint(ks[2], (2, E), 0, N, dtype=jnp.int32)
    input_features_neg = jax.random.normal(ks[3], (N, D), dtype=jnp.float32)
    input_features_nei = jax.random.normal(ks[4], (N, D), dtype=jnp.float32)
    # GCN encoder weights (shared between positive and negative graph passes)
    W1 = jax.random.normal(ks[5], (D, D), dtype=jnp.float32) * (1.0 / np.sqrt(D))
    b1 = jnp.zeros((D,), dtype=jnp.float32)
    W2 = jax.random.normal(ks[6], (D, D), dtype=jnp.float32) * (1.0 / np.sqrt(D))
    b2 = jnp.zeros((D,), dtype=jnp.float32)
    return {
        'graph': graph,
        'feat': feat,
        'graph_neg': graph_neg,
        'input_features_neg': input_features_neg,
        'input_features_nei': input_features_nei,
        'W1': W1, 'b1': b1, 'W2': W2, 'b2': b2,
    }


def reference(graph, feat, graph_neg, input_features_neg, input_features_nei, W1, b1, W2, b2):
    # Modelmini.forward (visible portion):
    #   GNN_emb = F.normalize(self.encoder(graph, feat), dim=-1)
    #   h_neg   = F.normalize(self.encoder(graph_neg, input_features_neg), dim=-1)
    GNN_emb = l2normalize(encoder(feat, graph, W1, b1, W2, b2, N))
    h_neg = l2normalize(encoder(input_features_neg, graph_neg, W1, b1, W2, b2, N))
    return (GNN_emb, h_neg)

if __name__ == "__main__":
    import jax
    _d = setup_inputs()
    print(jax.jit(kernel)(*tuple(_d.values())))

</pallas_src>

<mosaic_0001>
#map = affine_map<(d0, d1) -> (0)>
module attributes {stable_mosaic.version = 14 : i64} {
  func.func @_deg_body(%arg0: i32, %arg1: i32, %arg2: memref<1286144xi32, #tpu.memory_space<hbm>>, %arg3: memref<40960xf32, #tpu.memory_space<hbm>>, %arg4: memref<128xi32, #tpu.memory_space<vmem>>, %arg5: memref<128xf32, #tpu.memory_space<vmem>>, %arg6: memref<128xf32, #tpu.memory_space<vmem>>, %arg7: memref<20480xf32, #tpu.memory_space<vmem_shared>>, %arg8: memref<!tpu.dma_semaphore, #tpu.memory_space<semaphore_mem>>) attributes {dimension_semantics = [#tpu.dimension_semantics<core_parallel>, #tpu.dimension_semantics<subcore_parallel>], iteration_bounds = array<i64: 2, 16>, scalar_prefetch = 0 : i64, scratch_operands = 5 : i64, tpu.core_type = #tpu.core_type<sc_vector_subcore>, window_params = [{transform_indices = #map}, {transform_indices = #map}]} {
    %broadcast_in_dim3A = arith.constant 1.000000e+00 : f32
    %broadcast_in_dim3A_0 = vector.broadcast %broadcast_in_dim3A : f32 to vector<16xf32>
    %swap3A = arith.constant 0 : index
    %swap3A_1 = tpu.vector_load %arg5[%swap3A] {strides = array<i32>} : memref<128xf32, #tpu.memory_space<vmem>>, vector<16xf32>,
    %swap3A_2 = vector.shape_cast %swap3A_1 : vector<16xf32> to vector<16xf32>
    %swap3A_3 = vector.shape_cast %broadcast_in_dim3A_0 : vector<16xf32> to vector<16xf32>
    tpu.vector_store %arg5[%swap3A], %swap3A_3 {strides = array<i32>} : memref<128xf32, #tpu.memory_space<vmem>>, vector<16xf32>,
    %broadcast_in_dim3A_4 = arith.constant 0.000000e+00 : f32
    %broadcast_in_dim3A_5 = vector.broadcast %broadcast_in_dim3A_4 : f32 to vector<16xf32>
    %swap3A_6 = arith.constant 0 : index
    %swap3A_7 = tpu.vector_load %arg6[%swap3A_6] {strides = array<i32>} : memref<128xf32, #tpu.memory_space<vmem>>, vector<16xf32>,
    %swap3A_8 = vector.shape_cast %swap3A_7 : vector<16xf32> to vector<16xf32>
    %swap3A_9 = vector.shape_cast %broadcast_in_dim3A_5 : vector<16xf32> to vector<16xf32>
    tpu.vector_store %arg6[%swap3A_6], %swap3A_9 {strides = array<i32>} : memref<128xf32, #tpu.memory_space<vmem>>, vector<16xf32>,
    %broadcast_in_dim3A_10 = arith.constant 1.000000e+00 : f32
    %broadcast_in_dim3A_11 = vector.broadcast %broadcast_in_dim3A_10 : f32 to vector<16xf32>
    %swap3A_12 = arith.constant 16 : index
    %swap3A_13 = tpu.vector_load %arg5[%swap3A_12] {strides = array<i32>} : memref<128xf32, #tpu.memory_space<vmem>>, vector<16xf32>,
    %swap3A_14 = vector.shape_cast %swap3A_13 : vector<16xf32> to vector<16xf32>
    %swap3A_15 = vector.shape_cast %broadcast_in_dim3A_11 : vector<16xf32> to vector<16xf32>
    tpu.vector_store %arg5[%swap3A_12], %swap3A_15 {strides = array<i32>} : memref<128xf32, #tpu.memory_space<vmem>>, vector<16xf32>,
    %broadcast_in_dim3A_16 = arith.constant 0.000000e+00 : f32
    %broadcast_in_dim3A_17 = vector.broadcast %broadcast_in_dim3A_16 : f32 to vector<16xf32>
    %swap3A_18 = arith.constant 16 : index
    %swap3A_19 = tpu.vector_load %arg6[%swap3A_18] {strides = array<i32>} : memref<128xf32, #tpu.memory_space<vmem>>, vector<16xf32>,
    %swap3A_20 = vector.shape_cast %swap3A_19 : vector<16xf32> to vector<16xf32>
    %swap3A_21 = vector.shape_cast %broadcast_in_dim3A_17 : vector<16xf32> to vector<16xf32>
    tpu.vector_store %arg6[%swap3A_18], %swap3A_21 {strides = array<i32>} : memref<128xf32, #tpu.memory_space<vmem>>, vector<16xf32>,
    %broadcast_in_dim3A_22 = arith.constant 1.000000e+00 : f32
    %broadcast_in_dim3A_23 = vector.broadcast %broadcast_in_dim3A_22 : f32 to vector<16xf32>
    %swap3A_24 = arith.constant 32 : index
    %swap3A_25 = tpu.vector_load %arg5[%swap3A_24] {strides = array<i32>} : memref<128xf32, #tpu.memory_space<vmem>>, vector<16xf32>,
    %swap3A_26 = vector.shape_cast %swap3A_25 : vector<16xf32> to vector<16xf32>
    %swap3A_27 = vector.shape_cast %broadcast_in_dim3A_23 : vector<16xf32> to vector<16xf32>
    tpu.vector_store %arg5[%swap3A_24], %swap3A_27 {strides = array<i32>} : memref<128xf32, #tpu.memory_space<vmem>>, vector<16xf32>,
    %broadcast_in_dim3A_28 = arith.constant 0.000000e+00 : f32
    %broadcast_in_dim3A_29 = vector.broadcast %broadcast_in_dim3A_28 : f32 to vector<16xf32>
    %swap3A_30 = arith.constant 32 : index
    %swap3A_31 = tpu.vector_load %arg6[%swap3A_30] {strides = array<i32>} : memref<128xf32, #tpu.memory_space<vmem>>, vector<16xf32>,
    %swap3A_32 = vector.shape_cast %swap3A_31 : vector<16xf32> to vector<16xf32>
    %swap3A_33 = vector.shape_cast %broadcast_in_dim3A_29 : vector<16xf32> to vector<16xf32>
    tpu.vector_store %arg6[%swap3A_30], %swap3A_33 {strides = array<i32>} : memref<128xf32, #tpu.memory_space<vmem>>, vector<16xf32>,
    %broadcast_in_dim3A_34 = arith.constant 1.000000e+00 : f32
    %broadcast_in_dim3A_35 = vector.broadcast %broadcast_in_dim3A_34 : f32 to vector<16xf32>
    %swap3A_36 = arith.constant 48 : index
    %swap3A_37 = tpu.vector_load %arg5[%swap3A_36] {strides = array<i32>} : memref<128xf32, #tpu.memory_space<vmem>>, vector<16xf32>,
    %swap3A_38 = vector.shape_cast %swap3A_37 : vector<16xf32> to vector<16xf32>
    %swap3A_39 = vector.shape_cast %broadcast_in_dim3A_35 : vector<16xf32> to vector<16xf32>
    tpu.vector_store %arg5[%swap3A_36], %swap3A_39 {strides = array<i32>} : memref<128xf32, #tpu.memory_space<vmem>>, vector<16xf32>,
    %broadcast_in_dim3A_40 = arith.constant 0.000000e+00 : f32
    %broadcast_in_dim3A_41 = vector.broadcast %broadcast_in_dim3A_40 : f32 to vector<16xf32>
    %swap3A_42 = arith.constant 48 : index
    %swap3A_43 = tpu.vector_load %arg6[%swap3A_42] {strides = array<i32>} : memref<128xf32, #tpu.memory_space<vmem>>, vector<16xf32>,
    %swap3A_44 = vector.shape_cast %swap3A_43 : vector<16xf32> to vector<16xf32>
    %swap3A_45 = vector.shape_cast %broadcast_in_dim3A_41 : vector<16xf32> to vector<16xf32>
    tpu.vector_store %arg6[%swap3A_42], %swap3A_45 {strides = array<i32>} : memref<128xf32, #tpu.memory_space<vmem>>, vector<16xf32>,
    %broadcast_in_dim3A_46 = arith.constant 1.000000e+00 : f32
    %broadcast_in_dim3A_47 = vector.broadcast %broadcast_in_dim3A_46 : f32 to vector<16xf32>
    %swap3A_48 = arith.constant 64 : index
    %swap3A_49 = tpu.vector_load %arg5[%swap3A_48] {strides = array<i32>} : memref<128xf32, #tpu.memory_space<vmem>>, vector<16xf32>,
    %swap3A_50 = vector.shape_cast %swap3A_49 : vector<16xf32> to vector<16xf32>
    %swap3A_51 = vector.shape_cast %broadcast_in_dim3A_47 : vector<16xf32> to vector<16xf32>
    tpu.vector_store %arg5[%swap3A_48], %swap3A_51 {strides = array<i32>} : memref<128xf32, #tpu.memory_space<vmem>>, vector<16xf32>,
    %broadcast_in_dim3A_52 = arith.constant 0.000000e+00 : f32
    %broadcast_in_dim3A_53 = vector.broadcast %broadcast_in_dim3A_52 : f32 to vector<16xf32>
    %swap3A_54 = arith.constant 64 : index
    %swap3A_55 = tpu.vector_load %arg6[%swap3A_54] {strides = array<i32>} : memref<128xf32, #tpu.memory_space<vmem>>, vector<16xf32>,
    %swap3A_56 = vector.shape_cast %swap3A_55 : vector<16xf32> to vector<16xf32>
    %swap3A_57 = vector.shape_cast %broadcast_in_dim3A_53 : vector<16xf32> to vector<16xf32>
    tpu.vector_store %arg6[%swap3A_54], %swap3A_57 {strides = array<i32>} : memref<128xf32, #tpu.memory_space<vmem>>, vector<16xf32>,
    %broadcast_in_dim3A_58 = arith.constant 1.000000e+00 : f32
    %broadcast_in_dim3A_59 = vector.broadcast %broadcast_in_dim3A_58 : f32 to vector<16xf32>
    %swap3A_60 = arith.constant 80 : index
    %swap3A_61 = tpu.vector_load %arg5[%swap3A_60] {strides = array<i32>} : memref<128xf32, #tpu.memory_space<vmem>>, vector<16xf32>,
    %swap3A_62 = vector.shape_cast %swap3A_61 : vector<16xf32> to vector<16xf32>
    %swap3A_63 = vector.shape_cast %broadcast_in_dim3A_59 : vector<16xf32> to vector<16xf32>
    tpu.vector_store %arg5[%swap3A_60], %swap3A_63 {strides = array<i32>} : memref<128xf32, #tpu.memory_space<vmem>>, vector<16xf32>,
    %broadcast_in_dim3A_64 = arith.constant 0.000000e+00 : f32
    %broadcast_in_dim3A_65 = vector.broadcast %broadcast_in_dim3A_64 : f32 to vector<16xf32>
    %swap3A_66 = arith.constant 80 : index
    %swap3A_67 = tpu.vector_load %arg6[%swap3A_66] {strides = array<i32>} : memref<128xf32, #tpu.memory_space<vmem>>, vector<16xf32>,
    %swap3A_68 = vector.shape_cast %swap3A_67 : vector<16xf32> to vector<16xf32>
    %swap3A_69 = vector.shape_cast %broadcast_in_dim3A_65 : vector<16xf32> to vector<16xf32>
    tpu.vector_store %arg6[%swap3A_66], %swap3A_69 {strides = array<i32>} : memref<128xf32, #tpu.memory_space<vmem>>, vector<16xf32>,
    %broadcast_in_dim3A_70 = arith.constant 1.000000e+00 : f32
    %broadcast_in_dim3A_71 = vector.broadcast %broadcast_in_dim3A_70 : f32 to vector<16xf32>
    %swap3A_72 = arith.constant 96 : index
    %swap3A_73 = tpu.vector_load %arg5[%swap3A_72] {strides = array<i32>} : memref<128xf32, #tpu.memory_space<vmem>>, vector<16xf32>,
    %swap3A_74 = vector.shape_cast %swap3A_73 : vector<16xf32> to vector<16xf32>
    %swap3A_75 = vector.shape_cast %broadcast_in_dim3A_71 : vector<16xf32> to vector<16xf32>
    tpu.vector_store %arg5[%swap3A_72], %swap3A_75 {strides = array<i32>} : memref<128xf32, #tpu.memory_space<vmem>>, vector<16xf32>,
    %broadcast_in_dim3A_76 = arith.constant 0.000000e+00 : f32
    %broadcast_in_dim3A_77 = vector.broadcast %broadcast_in_dim3A_76 : f32 to vector<16xf32>
    %swap3A_78 = arith.constant 96 : index
    %swap3A_79 = tpu.vector_load %arg6[%swap3A_78] {strides = array<i32>} : memref<128xf32, #tpu.memory_space<vmem>>, vector<16xf32>,
    %swap3A_80 = vector.shape_cast %swap3A_79 : vector<16xf32> to vector<16xf32>
    %swap3A_81 = vector.shape_cast %broadcast_in_dim3A_77 : vector<16xf32> to vector<16xf32>
    tpu.vector_store %arg6[%swap3A_78], %swap3A_81 {strides = array<i32>} : memref<128xf32, #tpu.memory_space<vmem>>, vector<16xf32>,
    %broadcast_in_dim3A_82 = arith.constant 1.000000e+00 : f32
    %broadcast_in_dim3A_83 = vector.broadcast %broadcast_in_dim3A_82 : f32 to vector<16xf32>
    %swap3A_84 = arith.constant 112 : index
    %swap3A_85 = tpu.vector_load %arg5[%swap3A_84] {strides = array<i32>} : memref<128xf32, #tpu.memory_space<vmem>>, vector<16xf32>,
    %swap3A_86 = vector.shape_cast %swap3A_85 : vector<16xf32> to vector<16xf32>
    %swap3A_87 = vector.shape_cast %broadcast_in_dim3A_83 : vector<16xf32> to vector<16xf32>
    tpu.vector_store %arg5[%swap3A_84], %swap3A_87 {strides = array<i32>} : memref<128xf32, #tpu.memory_space<vmem>>, vector<16xf32>,
    %broadcast_in_dim3A_88 = arith.constant 0.000000e+00 : f32
    %broadcast_in_dim3A_89 = vector.broadcast %broadcast_in_dim3A_88 : f32 to vector<16xf32>
    %swap3A_90 = arith.constant 112 : index
    %swap3A_91 = tpu.vector_load %arg6[%swap3A_90] {strides = array<i32>} : memref<128xf32, #tpu.memory_space<vmem>>, vector<16xf32>,
    %swap3A_92 = vector.shape_cast %swap3A_91 : vector<16xf32> to vector<16xf32>
    %swap3A_93 = vector.shape_cast %broadcast_in_dim3A_89 : vector<16xf32> to vector<16xf32>
    tpu.vector_store %arg6[%swap3A_90], %swap3A_93 {strides = array<i32>} : memref<128xf32, #tpu.memory_space<vmem>>, vector<16xf32>,
    %mul3A = arith.constant 1280 : i32
    %mul3A_94 = arith.muli %arg1, %mul3A : i32
    %add3A = arith.constant 0 : i32
    %add3A_95 = arith.addi %mul3A_94, %add3A : i32
    "tpu.region"() ({
      %run_scoped3A = tpu.sem_alloc : memref<!tpu.dma_semaphore, #tpu.memory_space<semaphore_mem>>
      %dma_start3A = tpu.memref_slice %arg7[%add3A_95] : memref<20480xf32, #tpu.memory_space<vmem_shared>> -> memref<128xf32, #tpu.memory_space<vmem_shared>>
      %dma_start3A_253 = tpu.memref_slice %arg7[%add3A_95] : memref<20480xf32, #tpu.memory_space<vmem_shared>> -> memref<128xf32, #tpu.memory_space<vmem_shared>>
      tpu.enqueue_dma source(%arg6 : memref<128xf32, #tpu.memory_space<vmem>>) target(%dma_start3A_253 : memref<128xf32, #tpu.memory_space<vmem_shared>>) target_semaphore(%run_scoped3A : memref<!tpu.dma_semaphore, #tpu.memory_space<semaphore_mem>>)
      %dma_wait3A = tpu.memref_slice %arg7[%add3A_95] : memref<20480xf32, #tpu.memory_space<vmem_shared>> -> memref<128xf32, #tpu.memory_space<vmem_shared>>
      %dma_wait3A_254 = tpu.memref_slice %arg7[%add3A_95] : memref<20480xf32, #tpu.memory_space<vmem_shared>> -> memref<128xf32, #tpu.memory_space<vmem_shared>>
      tpu.wait_dma2 semaphore(%run_scoped3A : memref<!tpu.dma_semaphore, #tpu.memory_space<semaphore_mem>>) src(%arg6 : memref<128xf32, #tpu.memory_space<vmem>>) dst(%dma_wait3A_254 : memref<128xf32, #tpu.memory_space<vmem_shared>>)
      tpu.yield
    }) : () -> ()
    %mul3A_96 = arith.constant 1280 : i32
    %mul3A_97 = arith.muli %arg1, %mul3A_96 : i32
    %add3A_98 = arith.constant 128 : i32
    %add3A_99 = arith.addi %mul3A_97, %add3A_98 : i32
    "tpu.region"() ({
      %run_scoped3A = tpu.sem_alloc : memref<!tpu.dma_semaphore, #tpu.memory_space<semaphore_mem>>
      %dma_start3A = tpu.memref_slice %arg7[%add3A_99] : memref<20480xf32, #tpu.memory_space<vmem_shared>> -> memref<128xf32, #tpu.memory_space<vmem_shared>>
      %dma_start3A_253 = tpu.memref_slice %arg7[%add3A_99] : memref<20480xf32, #tpu.memory_space<vmem_shared>> -> memref<128xf32, #tpu.memory_space<vmem_shared>>
      tpu.enqueue_dma source(%arg6 : memref<128xf32, #tpu.memory_space<vmem>>) target(%dma_start3A_253 : memref<128xf32, #tpu.memory_space<vmem_shared>>) target_semaphore(%run_scoped3A : memref<!tpu.dma_semaphore, #tpu.memory_space<semaphore_mem>>)
      %dma_wait3A = tpu.memref_slice %arg7[%add3A_99] : memref<20480xf32, #tpu.memory_space<vmem_shared>> -> memref<128xf32, #tpu.memory_space<vmem_shared>>
      %dma_wait3A_254 = tpu.memref_slice %arg7[%add3A_99] : memref<20480xf32, #tpu.memory_space<vmem_shared>> -> memref<128xf32, #tpu.memory_space<vmem_shared>>
      tpu.wait_dma2 semaphore(%run_scoped3A : memref<!tpu.dma_semaphore, #tpu.memory_space<semaphore_mem>>) src(%arg6 : memref<128xf32, #tpu.memory_space<vmem>>) dst(%dma_wait3A_254 : memref<128xf32, #tpu.memory_space<vmem_shared>>)
      tpu.yield
    }) : () -> ()
    %mul3A_100 = arith.constant 1280 : i32
    %mul3A_101 = arith.muli %arg1, %mul3A_100 : i32
    %add3A_102 = arith.constant 256 : i32
    %add3A_103 = arith.addi %mul3A_101, %add3A_102 : i32
    "tpu.region"() ({
      %run_scoped3A = tpu.sem_alloc : memref<!tpu.dma_semaphore, #tpu.memory_space<semaphore_mem>>
      %dma_start3A = tpu.memref_slice %arg7[%add3A_103] : memref<20480xf32, #tpu.memory_space<vmem_shared>> -> memref<128xf32, #tpu.memory_space<vmem_shared>>
      %dma_start3A_253 = tpu.memref_slice %arg7[%add3A_103] : memref<20480xf32, #tpu.memory_space<vmem_shared>> -> memref<128xf32, #tpu.memory_space<vmem_shared>>
      tpu.enqueue_dma source(%arg6 : memref<128xf32, #tpu.memory_space<vmem>>) target(%dma_start3A_253 : memref<128xf32, #tpu.memory_space<vmem_shared>>) target_semaphore(%run_scoped3A : memref<!tpu.dma_semaphore, #tpu.memory_space<semaphore_mem>>)
      %dma_wait3A = tpu.memref_slice %arg7[%add3A_103] : memref<20480xf32, #tpu.memory_space<vmem_shared>> -> memref<128xf32, #tpu.memory_space<vmem_shared>>
      %dma_wait3A_254 = tpu.memref_slice %arg7[%add3A_103] : memref<20480xf32, #tpu.memory_space<vmem_shared>> -> memref<128xf32, #tpu.memory_space<vmem_shared>>
      tpu.wait_dma2 semaphore(%run_scoped3A : memref<!tpu.dma_semaphore, #tpu.memory_space<semaphore_mem>>) src(%arg6 : memref<128xf32, #tpu.memory_space<vmem>>) dst(%dma_wait3A_254 : memref<128xf32, #tpu.memory_space<vmem_shared>>)
      tpu.yield
    }) : () -> ()
    %mul3A_104 = arith.constant 1280 : i32
    %mul3A_105 = arith.muli %arg1, %mul3A_104 : i32
    %add3A_106 = arith.constant 384 : i32
    %add3A_107 = arith.addi %mul3A_105, %add3A_106 : i32
    "tpu.region"() ({
      %run_scoped3A = tpu.sem_alloc : memref<!tpu.dma_semaphore, #tpu.memory_space<semaphore_mem>>
      %dma_start3A = tpu.memref_slice %arg7[%add3A_107] : memref<20480xf32, #tpu.memory_space<vmem_shared>> -> memref<128xf32, #tpu.memory_space<vmem_shared>>
      %dma_start3A_253 = tpu.memref_slice %arg7[%add3A_107] : memref<20480xf32, #tpu.memory_space<vmem_shared>> -> memref<128xf32, #tpu.memory_space<vmem_shared>>
      tpu.enqueue_dma source(%arg6 : memref<128xf32, #tpu.memory_space<vmem>>) target(%dma_start3A_253 : memref<128xf32, #tpu.memory_space<vmem_shared>>) target_semaphore(%run_scoped3A : memref<!tpu.dma_semaphore, #tpu.memory_space<semaphore_mem>>)
      %dma_wait3A = tpu.memref_slice %arg7[%add3A_107] : memref<20480xf32, #tpu.memory_space<vmem_shared>> -> memref<128xf32, #tpu.memory_space<vmem_shared>>
      %dma_wait3A_254 = tpu.memref_slice %arg7[%add3A_107] : memref<20480xf32, #tpu.memory_space<vmem_shared>> -> memref<128xf32, #tpu.memory_space<vmem_shared>>
      tpu.wait_dma2 semaphore(%run_scoped3A : memref<!tpu.dma_semaphore, #tpu.memory_space<semaphore_mem>>) src(%arg6 : memref<128xf32, #tpu.memory_space<vmem>>) dst(%dma_wait3A_254 : memref<128xf32, #tpu.memory_space<vmem_shared>>)
      tpu.yield
    }) : () -> ()
    %mul3A_108 = arith.constant 1280 : i32
    %mul3A_109 = arith.muli %arg1, %mul3A_108 : i32
    %add3A_110 = arith.constant 512 : i32
    %add3A_111 = arith.addi %mul3A_109, %add3A_110 : i32
    "tpu.region"() ({
      %run_scoped3A = tpu.sem_alloc : memref<!tpu.dma_semaphore, #tpu.memory_space<semaphore_mem>>
      %dma_start3A = tpu.memref_slice %arg7[%add3A_111] : memref<20480xf32, #tpu.memory_space<vmem_shared>> -> memref<128xf32, #tpu.memory_space<vmem_shared>>
      %dma_start3A_253 = tpu.memref_slice %arg7[%add3A_111] : memref<20480xf32, #tpu.memory_space<vmem_shared>> -> memref<128xf32, #tpu.memory_space<vmem_shared>>
      tpu.enqueue_dma source(%arg6 : memref<128xf32, #tpu.memory_space<vmem>>) target(%dma_start3A_253 : memref<128xf32, #tpu.memory_space<vmem_shared>>) target_semaphore(%run_scoped3A : memref<!tpu.dma_semaphore, #tpu.memory_space<semaphore_mem>>)
      %dma_wait3A = tpu.memref_slice %arg7[%add3A_111] : memref<20480xf32, #tpu.memory_space<vmem_shared>> -> memref<128xf32, #tpu.memory_space<vmem_shared>>
      %dma_wait3A_254 = tpu.memref_slice %arg7[%add3A_111] : memref<20480xf32, #tpu.memory_space<vmem_shared>> -> memref<128xf32, #tpu.memory_space<vmem_shared>>
      tpu.wait_dma2 semaphore(%run_scoped3A : memref<!tpu.dma_semaphore, #tpu.memory_space<semaphore_mem>>) src(%arg6 : memref<128xf32, #tpu.memory_space<vmem>>) dst(%dma_wait3A_254 : memref<128xf32, #tpu.memory_space<vmem_shared>>)
      tpu.yield
    }) : () -> ()
    %mul3A_112 = arith.constant 1280 : i32
    %mul3A_113 = arith.muli %arg1, %mul3A_112 : i32
    %add3A_114 = arith.constant 640 : i32
    %add3A_115 = arith.addi %mul3A_113, %add3A_114 : i32
    "tpu.region"() ({
      %run_scoped3A = tpu.sem_alloc : memref<!tpu.dma_semaphore, #tpu.memory_space<semaphore_mem>>
      %dma_start3A = tpu.memref_slice %arg7[%add3A_115] : memref<20480xf32, #tpu.memory_space<vmem_shared>> -> memref<128xf32, #tpu.memory_space<vmem_shared>>
      %dma_start3A_253 = tpu.memref_slice %arg7[%add3A_115] : memref<20480xf32, #tpu.memory_space<vmem_shared>> -> memref<128xf32, #tpu.memory_space<vmem_shared>>
      tpu.enqueue_dma source(%arg6 : memref<128xf32, #tpu.memory_space<vmem>>) target(%dma_start3A_253 : memref<128xf32, #tpu.memory_space<vmem_shared>>) target_semaphore(%run_scoped3A : memref<!tpu.dma_semaphore, #tpu.memory_space<semaphore_mem>>)
      %dma_wait3A = tpu.memref_slice %arg7[%add3A_115] : memref<20480xf32, #tpu.memory_space<vmem_shared>> -> memref<128xf32, #tpu.memory_space<vmem_shared>>
      %dma_wait3A_254 = tpu.memref_slice %arg7[%add3A_115] : memref<20480xf32, #tpu.memory_space<vmem_shared>> -> memref<128xf32, #tpu.memory_space<vmem_shared>>
      tpu.wait_dma2 semaphore(%run_scoped3A : memref<!tpu.dma_semaphore, #tpu.memory_space<semaphore_mem>>) src(%arg6 : memref<128xf32, #tpu.memory_space<vmem>>) dst(%dma_wait3A_254 : memref<128xf32, #tpu.memory_space<vmem_shared>>)
      tpu.yield
    }) : () -> ()
    %mul3A_116 = arith.constant 1280 : i32
    %mul3A_117 = arith.muli %arg1, %mul3A_116 : i32
    %add3A_118 = arith.constant 768 : i32
    %add3A_119 = arith.addi %mul3A_117, %add3A_118 : i32
    "tpu.region"() ({
      %run_scoped3A = tpu.sem_alloc : memref<!tpu.dma_semaphore, #tpu.memory_space<semaphore_mem>>
      %dma_start3A = tpu.memref_slice %arg7[%add3A_119] : memref<20480xf32, #tpu.memory_space<vmem_shared>> -> memref<128xf32, #tpu.memory_space<vmem_shared>>
      %dma_start3A_253 = tpu.memref_slice %arg7[%add3A_119] : memref<20480xf32, #tpu.memory_space<vmem_shared>> -> memref<128xf32, #tpu.memory_space<vmem_shared>>
      tpu.enqueue_dma source(%arg6 : memref<128xf32, #tpu.memory_space<vmem>>) target(%dma_start3A_253 : memref<128xf32, #tpu.memory_space<vmem_shared>>) target_semaphore(%run_scoped3A : memref<!tpu.dma_semaphore, #tpu.memory_space<semaphore_mem>>)
      %dma_wait3A = tpu.memref_slice %arg7[%add3A_119] : memref<20480xf32, #tpu.memory_space<vmem_shared>> -> memref<128xf32, #tpu.memory_space<vmem_shared>>
      %dma_wait3A_254 = tpu.memref_slice %arg7[%add3A_119] : memref<20480xf32, #tpu.memory_space<vmem_shared>> -> memref<128xf32, #tpu.memory_space<vmem_shared>>
      tpu.wait_dma2 semaphore(%run_scoped3A : memref<!tpu.dma_semaphore, #tpu.memory_space<semaphore_mem>>) src(%arg6 : memref<128xf32, #tpu.memory_space<vmem>>) dst(%dma_wait3A_254 : memref<128xf32, #tpu.memory_space<vmem_shared>>)
      tpu.yield
    }) : () -> ()
    %mul3A_120 = arith.constant 1280 : i32
    %mul3A_121 = arith.muli %arg1, %mul3A_120 : i32
    %add3A_122 = arith.constant 896 : i32
    %add3A_123 = arith.addi %mul3A_121, %add3A_122 : i32
    "tpu.region"() ({
      %run_scoped3A = tpu.sem_alloc : memref<!tpu.dma_semaphore, #tpu.memory_space<semaphore_mem>>
      %dma_start3A = tpu.memref_slice %arg7[%add3A_123] : memref<20480xf32, #tpu.memory_space<vmem_shared>> -> memref<128xf32, #tpu.memory_space<vmem_shared>>
      %dma_start3A_253 = tpu.memref_slice %arg7[%add3A_123] : memref<20480xf32, #tpu.memory_space<vmem_shared>> -> memref<128xf32, #tpu.memory_space<vmem_shared>>
      tpu.enqueue_dma source(%arg6 : memref<128xf32, #tpu.memory_space<vmem>>) target(%dma_start3A_253 : memref<128xf32, #tpu.memory_space<vmem_shared>>) target_semaphore(%run_scoped3A : memref<!tpu.dma_semaphore, #tpu.memory_space<semaphore_mem>>)
      %dma_wait3A = tpu.memref_slice %arg7[%add3A_123] : memref<20480xf32, #tpu.memory_space<vmem_shared>> -> memref<128xf32, #tpu.memory_space<vmem_shared>>
      %dma_wait3A_254 = tpu.memref_slice %arg7[%add3A_123] : memref<20480xf32, #tpu.memory_space<vmem_shared>> -> memref<128xf32, #tpu.memory_space<vmem_shared>>
      tpu.wait_dma2 semaphore(%run_scoped3A : memref<!tpu.dma_semaphore, #tpu.memory_space<semaphore_mem>>) src(%arg6 : memref<128xf32, #tpu.memory_space<vmem>>) dst(%dma_wait3A_254 : memref<128xf32, #tpu.memory_space<vmem_shared>>)
      tpu.yield
    }) : () -> ()
    %mul3A_124 = arith.constant 1280 : i32
    %mul3A_125 = arith.muli %arg1, %mul3A_124 : i32
    %add3A_126 = arith.constant 1024 : i32
    %add3A_127 = arith.addi %mul3A_125, %add3A_126 : i32
    "tpu.region"() ({
      %run_scoped3A = tpu.sem_alloc : memref<!tpu.dma_semaphore, #tpu.memory_space<semaphore_mem>>
      %dma_start3A = tpu.memref_slice %arg7[%add3A_127] : memref<20480xf32, #tpu.memory_space<vmem_shared>> -> memref<128xf32, #tpu.memory_space<vmem_shared>>
      %dma_start3A_253 = tpu.memref_slice %arg7[%add3A_127] : memref<20480xf32, #tpu.memory_space<vmem_shared>> -> memref<128xf32, #tpu.memory_space<vmem_shared>>
      tpu.enqueue_dma source(%arg6 : memref<128xf32, #tpu.memory_space<vmem>>) target(%dma_start3A_253 : memref<128xf32, #tpu.memory_space<vmem_shared>>) target_semaphore(%run_scoped3A : memref<!tpu.dma_semaphore, #tpu.memory_space<semaphore_mem>>)
      %dma_wait3A = tpu.memref_slice %arg7[%add3A_127] : memref<20480xf32, #tpu.memory_space<vmem_shared>> -> memref<128xf32, #tpu.memory_space<vmem_shared>>
      %dma_wait3A_254 = tpu.memref_slice %arg7[%add3A_127] : memref<20480xf32, #tpu.memory_space<vmem_shared>> -> memref<128xf32, #tpu.memory_space<vmem_shared>>
      tpu.wait_dma2 semaphore(%run_scoped3A : memref<!tpu.dma_semaphore, #tpu.memory_space<semaphore_mem>>) src(%arg6 : memref<128xf32, #tpu.memory_space<vmem>>) dst(%dma_wait3A_254 : memref<128xf32, #tpu.memory_space<vmem_shared>>)
      tpu.yield
    }) : () -> ()
    %mul3A_128 = arith.constant 1280 : i32
    %mul3A_129 = arith.muli %arg1, %mul3A_128 : i32
    %add3A_130 = arith.constant 1152 : i32
    %add3A_131 = arith.addi %mul3A_129, %add3A_130 : i32
    "tpu.region"() ({
      %run_scoped3A = tpu.sem_alloc : memref<!tpu.dma_semaphore, #tpu.memory_space<semaphore_mem>>
      %dma_start3A = tpu.memref_slice %arg7[%add3A_131] : memref<20480xf32, #tpu.memory_space<vmem_shared>> -> memref<128xf32, #tpu.memory_space<vmem_shared>>
      %dma_start3A_253 = tpu.memref_slice %arg7[%add3A_131] : memref<20480xf32, #tpu.memory_space<vmem_shared>> -> memref<128xf32, #tpu.memory_space<vmem_shared>>
      tpu.enqueue_dma source(%arg6 : memref<128xf32, #tpu.memory_space<vmem>>) target(%dma_start3A_253 : memref<128xf32, #tpu.memory_space<vmem_shared>>) target_semaphore(%run_scoped3A : memref<!tpu.dma_semaphore, #tpu.memory_space<semaphore_mem>>)
      %dma_wait3A = tpu.memref_slice %arg7[%add3A_131] : memref<20480xf32, #tpu.memory_space<vmem_shared>> -> memref<128xf32, #tpu.memory_space<vmem_shared>>
      %dma_wait3A_254 = tpu.memref_slice %arg7[%add3A_131] : memref<20480xf32, #tpu.memory_space<vmem_shared>> -> memref<128xf32, #tpu.memory_space<vmem_shared>>
      tpu.wait_dma2 semaphore(%run_scoped3A : memref<!tpu.dma_semaphore, #tpu.memory_space<semaphore_mem>>) src(%arg6 : memref<128xf32, #tpu.memory_space<vmem>>) dst(%dma_wait3A_254 : memref<128xf32, #tpu.memory_space<vmem_shared>>)
      tpu.yield
    }) : () -> ()
    %barrier3A = arith.constant 0 : index
    tpu.barrier barrier_id(%barrier3A)
    %mul3A_132 = arith.constant 643072 : i32
    %mul3A_133 = arith.muli %arg0, %mul3A_132 : i32
    %mul3A_134 = arith.constant 40192 : i32
    %mul3A_135 = arith.muli %arg1, %mul3A_134 : i32
    %add3A_136 = arith.addi %mul3A_133, %mul3A_135 : i32
    %scan3A = arith.constant 0 : i32
    %scan3A_137 = arith.constant 0 : i32
    %scan3A_138 = arith.constant 314 : i32
    %scan3A_139 = arith.addi %scan3A_137, %scan3A_138 : i32
    %scan3A_140 = arith.constant 1 : i32
    scf.for %scan3A_253 = %scan3A_137 to %scan3A_139 step %scan3A_140  : i32 {
      %mul3A_254 = arith.constant 128 : i32
      %mul3A_255 = arith.muli %scan3A_253, %mul3A_254 : i32
      %add3A_256 = arith.addi %add3A_136, %mul3A_255 : i32
      "tpu.region"() ({
        %run_scoped3A = tpu.sem_alloc : memref<!tpu.dma_semaphore, #tpu.memory_space<semaphore_mem>>
        %dma_start3A = tpu.memref_slice %arg2[%add3A_256] : memref<1286144xi32, #tpu.memory_space<hbm>> -> memref<128xi32, #tpu.memory_space<hbm>>
        %dma_start3A_257 = tpu.memref_slice %arg2[%add3A_256] : memref<1286144xi32, #tpu.memory_space<hbm>> -> memref<128xi32, #tpu.memory_space<hbm>>
        tpu.enqueue_dma source(%dma_start3A_257 : memref<128xi32, #tpu.memory_space<hbm>>) target(%arg4 : memref<128xi32, #tpu.memory_space<vmem>>) target_semaphore(%run_scoped3A : memref<!tpu.dma_semaphore, #tpu.memory_space<semaphore_mem>>)
        %dma_wait3A = tpu.memref_slice %arg2[%add3A_256] : memref<1286144xi32, #tpu.memory_space<hbm>> -> memref<128xi32, #tpu.memory_space<hbm>>
        %dma_wait3A_258 = tpu.memref_slice %arg2[%add3A_256] : memref<1286144xi32, #tpu.memory_space<hbm>> -> memref<128xi32, #tpu.memory_space<hbm>>
        tpu.wait_dma2 semaphore(%run_scoped3A : memref<!tpu.dma_semaphore, #tpu.memory_space<semaphore_mem>>) src(%dma_wait3A_258 : memref<128xi32, #tpu.memory_space<hbm>>) dst(%arg4 : memref<128xi32, #tpu.memory_space<vmem>>)
        tpu.yield
      }) : () -> ()
      "tpu.region"() ({
        %run_scoped3A = tpu.sem_alloc : memref<!tpu.dma_semaphore, #tpu.memory_space<semaphore_mem>>
        %dma_start3A = arith.constant 0 : i32
        %dma_start3A_257 = tpu.memref_slice %arg7[%dma_start3A] : memref<20480xf32, #tpu.memory_space<vmem_shared>> -> memref<20480xf32, #tpu.memory_space<vmem_shared>>
        tpu.enqueue_indirect_dma source(%arg5 : memref<128xf32, #tpu.memory_space<vmem>>) target(%dma_start3A_257 : memref<20480xf32, #tpu.memory_space<vmem_shared>>) offsets(%arg4 : memref<128xi32, #tpu.memory_space<vmem>>) semaphore(%run_scoped3A : memref<!tpu.dma_semaphore, #tpu.memory_space<semaphore_mem>>) {add = true}
        %dma_wait3A = arith.constant 0 : i32
        %dma_wait3A_258 = tpu.memref_slice %arg7[%dma_wait3A] : memref<20480xf32, #tpu.memory_space<vmem_shared>> -> memref<20480xf32, #tpu.memory_space<vmem_shared>>
        tpu.wait_indirect_dma semaphore(%run_scoped3A : memref<!tpu.dma_semaphore, #tpu.memory_space<semaphore_mem>>) src(%arg5 : memref<128xf32, #tpu.memory_space<vmem>>) dst(%dma_wait3A_258 : memref<20480xf32, #tpu.memory_space<vmem_shared>>)
        tpu.yield
      }) : () -> ()
    }
    %scan3A_141 = arith.constant 314 : i32
    %barrier3A_142 = arith.constant 0 : index
    tpu.barrier barrier_id(%barrier3A_142)
    %mul3A_143 = arith.constant 1280 : i32
    %mul3A_144 = arith.muli %arg1, %mul3A_143 : i32
    %add3A_145 = arith.constant 0 : i32
    %add3A_146 = arith.addi %mul3A_144, %add3A_145 : i32
    "tpu.region"() ({
      %run_scoped3A = tpu.sem_alloc : memref<!tpu.dma_semaphore, #tpu.memory_space<semaphore_mem>>
      %dma_start3A = tpu.memref_slice %arg7[%add3A_146] : memref<20480xf32, #tpu.memory_space<vmem_shared>> -> memref<128xf32, #tpu.memory_space<vmem_shared>>
      %dma_start3A_253 = tpu.memref_slice %arg7[%add3A_146] : memref<20480xf32, #tpu.memory_space<vmem_shared>> -> memref<128xf32, #tpu.memory_space<vmem_shared>>
      tpu.enqueue_dma source(%dma_start3A_253 : memref<128xf32, #tpu.memory_space<vmem_shared>>) target(%arg6 : memref<128xf32, #tpu.memory_space<vmem>>) target_semaphore(%run_scoped3A : memref<!tpu.dma_semaphore, #tpu.memory_space<semaphore_mem>>)
      %dma_wait3A = tpu.memref_slice %arg7[%add3A_146] : memref<20480xf32, #tpu.memory_space<vmem_shared>> -> memref<128xf32, #tpu.memory_space<vmem_shared>>
      %dma_wait3A_254 = tpu.memref_slice %arg7[%add3A_146] : memref<20480xf32, #tpu.memory_space<vmem_shared>> -> memref<128xf32, #tpu.memory_space<vmem_shared>>
      tpu.wait_dma2 semaphore(%run_scoped3A : memref<!tpu.dma_semaphore, #tpu.memory_space<semaphore_mem>>) src(%dma_wait3A_254 : memref<128xf32, #tpu.memory_space<vmem_shared>>) dst(%arg6 : memref<128xf32, #tpu.memory_space<vmem>>)
      tpu.yield
    }) : () -> ()
    %mul3A_147 = arith.constant 20480 : i32
    %mul3A_148 = arith.muli %arg0, %mul3A_147 : i32
    %mul3A_149 = arith.constant 1280 : i32
    %mul3A_150 = arith.muli %arg1, %mul3A_149 : i32
    %add3A_151 = arith.addi %mul3A_148, %mul3A_150 : i32
    %add3A_152 = arith.constant 0 : i32
    %add3A_153 = arith.addi %add3A_151, %add3A_152 : i32
    "tpu.region"() ({
      %run_scoped3A = tpu.sem_alloc : memref<!tpu.dma_semaphore, #tpu.memory_space<semaphore_mem>>
      %dma_start3A = tpu.memref_slice %arg3[%add3A_153] : memref<40960xf32, #tpu.memory_space<hbm>> -> memref<128xf32, #tpu.memory_space<hbm>>
      %dma_start3A_253 = tpu.memref_slice %arg3[%add3A_153] : memref<40960xf32, #tpu.memory_space<hbm>> -> memref<128xf32, #tpu.memory_space<hbm>>
      tpu.enqueue_dma source(%arg6 : memref<128xf32, #tpu.memory_space<vmem>>) target(%dma_start3A_253 : memref<128xf32, #tpu.memory_space<hbm>>) target_semaphore(%run_scoped3A : memref<!tpu.dma_semaphore, #tpu.memory_space<semaphore_mem>>)
      %dma_wait3A = tpu.memref_slice %arg3[%add3A_153] : memref<40960xf32, #tpu.memory_space<hbm>> -> memref<128xf32, #tpu.memory_space<hbm>>
      %dma_wait3A_254 = tpu.memref_slice %arg3[%add3A_153] : memref<40960xf32, #tpu.memory_space<hbm>> -> memref<128xf32, #tpu.memory_space<hbm>>
      tpu.wait_dma2 semaphore(%run_scoped3A : memref<!tpu.dma_semaphore, #tpu.memory_space<semaphore_mem>>) src(%arg6 : memref<128xf32, #tpu.memory_space<vmem>>) dst(%dma_wait3A_254 : memref<128xf32, #tpu.memory_space<hbm>>)
      tpu.yield
    }) : () -> ()
    %mul3A_154 = arith.constant 1280 : i32
    %mul3A_155 = arith.muli %arg1, %mul3A_154 : i32
    %add3A_156 = arith.constant 128 : i32
    %add3A_157 = arith.addi %mul3A_155, %add3A_156 : i32
    "tpu.region"() ({
      %run_scoped3A = tpu.sem_alloc : memref<!tpu.dma_semaphore, #tpu.memory_space<semaphore_mem>>
      %dma_start3A = tpu.memref_slice %arg7[%add3A_157] : memref<20480xf32, #tpu.memory_space<vmem_shared>> -> memref<128xf32, #tpu.memory_space<vmem_shared>>
      %dma_start3A_253 = tpu.memref_slice %arg7[%add3A_157] : memref<20480xf32, #tpu.memory_space<vmem_shared>> -> memref<128xf32, #tpu.memory_space<vmem_shared>>
      tpu.enqueue_dma source(%dma_start3A_253 : memref<128xf32, #tpu.memory_space<vmem_shared>>) target(%arg6 : memref<128xf32, #tpu.memory_space<vmem>>) target_semaphore(%run_scoped3A : memref<!tpu.dma_semaphore, #tpu.memory_space<semaphore_mem>>)
      %dma_wait3A = tpu.memref_slice %arg7[%add3A_157] : memref<20480xf32, #tpu.memory_space<vmem_shared>> -> memref<128xf32, #tpu.memory_space<vmem_shared>>
      %dma_wait3A_254 = tpu.memref_slice %arg7[%add3A_157] : memref<20480xf32, #tpu.memory_space<vmem_shared>> -> memref<128xf32, #tpu.memory_space<vmem_shared>>
      tpu.wait_dma2 semaphore(%run_scoped3A : memref<!tpu.dma_semaphore, #tpu.memory_space<semaphore_mem>>) src(%dma_wait3A_254 : memref<128xf32, #tpu.memory_space<vmem_shared>>) dst(%arg6 : memref<128xf32, #tpu.memory_space<vmem>>)
      tpu.yield
    }) : () -> ()
    %mul3A_158 = arith.constant 20480 : i32
    %mul3A_159 = arith.muli %arg0, %mul3A_158 : i32
    %mul3A_160 = arith.constant 1280 : i32
    %mul3A_161 = arith.muli %arg1, %mul3A_160 : i32
    %add3A_162 = arith.addi %mul3A_159, %mul3A_161 : i32
    %add3A_163 = arith.constant 128 : i32
    %add3A_164 = arith.addi %add3A_162, %add3A_163 : i32
    "tpu.region"() ({
      %run_scoped3A = tpu.sem_alloc : memref<!tpu.dma_semaphore, #tpu.memory_space<semaphore_mem>>
      %dma_start3A = tpu.memref_slice %arg3[%add3A_164] : memref<40960xf32, #tpu.memory_space<hbm>> -> memref<128xf32, #tpu.memory_space<hbm>>
      %dma_start3A_253 = tpu.memref_slice %arg3[%add3A_164] : memref<40960xf32, #tpu.memory_space<hbm>> -> memref<128xf32, #tpu.memory_space<hbm>>
      tpu.enqueue_dma source(%arg6 : memref<128xf32, #tpu.memory_space<vmem>>) target(%dma_start3A_253 : memref<128xf32, #tpu.memory_space<hbm>>) target_semaphore(%run_scoped3A : memref<!tpu.dma_semaphore, #tpu.memory_space<semaphore_mem>>)
      %dma_wait3A = tpu.memref_slice %arg3[%add3A_164] : memref<40960xf32, #tpu.memory_space<hbm>> -> memref<128xf32, #tpu.memory_space<hbm>>
      %dma_wait3A_254 = tpu.memref_slice %arg3[%add3A_164] : memref<40960xf32, #tpu.memory_space<hbm>> -> memref<128xf32, #tpu.memory_space<hbm>>
      tpu.wait_dma2 semaphore(%run_scoped3A : memref<!tpu.dma_semaphore, #tpu.memory_space<semaphore_mem>>) src(%arg6 : memref<128xf32, #tpu.memory_space<vmem>>) dst(%dma_wait3A_254 : memref<128xf32, #tpu.memory_space<hbm>>)
      tpu.yield
    }) : () -> ()
    %mul3A_165 = arith.constant 1280 : i32
    %mul3A_166 = arith.muli %arg1, %mul3A_165 : i32
    %add3A_167 = arith.constant 256 : i32
    %add3A_168 = arith.addi %mul3A_166, %add3A_167 : i32
    "tpu.region"() ({
      %run_scoped3A = tpu.sem_alloc : memref<!tpu.dma_semaphore, #tpu.memory_space<semaphore_mem>>
      %dma_start3A = tpu.memref_slice %arg7[%add3A_168] : memref<20480xf32, #tpu.memory_space<vmem_shared>> -> memref<128xf32, #tpu.memory_space<vmem_shared>>
      %dma_start3A_253 = tpu.memref_slice %arg7[%add3A_168] : memref<20480xf32, #tpu.memory_space<vmem_shared>> -> memref<128xf32, #tpu.memory_space<vmem_shared>>
      tpu.enqueue_dma source(%dma_start3A_253 : memref<128xf32, #tpu.memory_space<vmem_shared>>) target(%arg6 : memref<128xf32, #tpu.memory_space<vmem>>) target_semaphore(%run_scoped3A : memref<!tpu.dma_semaphore, #tpu.memory_space<semaphore_mem>>)
      %dma_wait3A = tpu.memref_slice %arg7[%add3A_168] : memref<20480xf32, #tpu.memory_space<vmem_shared>> -> memref<128xf32, #tpu.memory_space<vmem_shared>>
      %dma_wait3A_254 = tpu.memref_slice %arg7[%add3A_168] : memref<20480xf32, #tpu.memory_space<vmem_shared>> -> memref<128xf32, #tpu.memory_space<vmem_shared>>
      tpu.wait_dma2 semaphore(%run_scoped3A : memref<!tpu.dma_semaphore, #tpu.memory_space<semaphore_mem>>) src(%dma_wait3A_254 : memref<128xf32, #tpu.memory_space<vmem_shared>>) dst(%arg6 : memref<128xf32, #tpu.memory_space<vmem>>)
      tpu.yield
    }) : () -> ()
    %mul3A_169 = arith.constant 20480 : i32
    %mul3A_170 = arith.muli %arg0, %mul3A_169 : i32
    %mul3A_171 = arith.constant 1280 : i32
    %mul3A_172 = arith.muli %arg1, %mul3A_171 : i32
    %add3A_173 = arith.addi %mul3A_170, %mul3A_172 : i32
    %add3A_174 = arith.constant 256 : i32
    %add3A_175 = arith.addi %add3A_173, %add3A_174 : i32
    "tpu.region"() ({
      %run_scoped3A = tpu.sem_alloc : memref<!tpu.dma_semaphore, #tpu.memory_space<semaphore_mem>>
      %dma_start3A = tpu.memref_slice %arg3[%add3A_175] : memref<40960xf32, #tpu.memory_space<hbm>> -> memref<128xf32, #tpu.memory_space<hbm>>
      %dma_start3A_253 = tpu.memref_slice %arg3[%add3A_175] : memref<40960xf32, #tpu.memory_space<hbm>> -> memref<128xf32, #tpu.memory_space<hbm>>
      tpu.enqueue_dma source(%arg6 : memref<128xf32, #tpu.memory_space<vmem>>) target(%dma_start3A_253 : memref<128xf32, #tpu.memory_space<hbm>>) target_semaphore(%run_scoped3A : memref<!tpu.dma_semaphore, #tpu.memory_space<semaphore_mem>>)
      %dma_wait3A = tpu.memref_slice %arg3[%add3A_175] : memref<40960xf32, #tpu.memory_space<hbm>> -> memref<128xf32, #tpu.memory_space<hbm>>
      %dma_wait3A_254 = tpu.memref_slice %arg3[%add3A_175] : memref<40960xf32, #tpu.memory_space<hbm>> -> memref<128xf32, #tpu.memory_space<hbm>>
      tpu.wait_dma2 semaphore(%run_scoped3A : memref<!tpu.dma_semaphore, #tpu.memory_space<semaphore_mem>>) src(%arg6 : memref<128xf32, #tpu.memory_space<vmem>>) dst(%dma_wait3A_254 : memref<128xf32, #tpu.memory_space<hbm>>)
      tpu.yield
    }) : () -> ()
    %mul3A_176 = arith.constant 1280 : i32
    %mul3A_177 = arith.muli %arg1, %mul3A_176 : i32
    %add3A_178 = arith.constant 384 : i32
    %add3A_179 = arith.addi %mul3A_177, %add3A_178 : i32
    "tpu.region"() ({
      %run_scoped3A = tpu.sem_alloc : memref<!tpu.dma_semaphore, #tpu.memory_space<semaphore_mem>>
      %dma_start3A = tpu.memref_slice %arg7[%add3A_179] : memref<20480xf32, #tpu.memory_space<vmem_shared>> -> memref<128xf32, #tpu.memory_space<vmem_shared>>
      %dma_start3A_253 = tpu.memref_slice %arg7[%add3A_179] : memref<20480xf32, #tpu.memory_space<vmem_shared>> -> memref<128xf32, #tpu.memory_space<vmem_shared>>
      tpu.enqueue_dma source(%dma_start3A_253 : memref<128xf32, #tpu.memory_space<vmem_shared>>) target(%arg6 : memref<128xf32, #tpu.memory_space<vmem>>) target_semaphore(%run_scoped3A : memref<!tpu.dma_semaphore, #tpu.memory_space<semaphore_mem>>)
      %dma_wait3A = tpu.memref_slice %arg7[%add3A_179] : memref<20480xf32, #tpu.memory_space<vmem_shared>> -> memref<128xf32, #tpu.memory_space<vmem_shared>>
      %dma_wait3A_254 = tpu.memref_slice %arg7[%add3A_179] : memref<20480xf32, #tpu.memory_space<vmem_shared>> -> memref<128xf32, #tpu.memory_space<vmem_shared>>
      tpu.wait_dma2 semaphore(%run_scoped3A : memref<!tpu.dma_semaphore, #tpu.memory_space<semaphore_mem>>) src(%dma_wait3A_254 : memref<128xf32, #tpu.memory_space<vmem_shared>>) dst(%arg6 : memref<128xf32, #tpu.memory_space<vmem>>)
      tpu.yield
    }) : () -> ()
    %mul3A_180 = arith.constant 20480 : i32
    %mul3A_181 = arith.muli %arg0, %mul3A_180 : i32
    %mul3A_182 = arith.constant 1280 : i32
    %mul3A_183 = arith.muli %arg1, %mul3A_182 : i32
    %add3A_184 = arith.addi %mul3A_181, %mul3A_183 : i32
    %add3A_185 = arith.constant 384 : i32
    %add3A_186 = arith.addi %add3A_184, %add3A_185 : i32
    "tpu.region"() ({
      %run_scoped3A = tpu.sem_alloc : memref<!tpu.dma_semaphore, #tpu.memory_space<semaphore_mem>>
      %dma_start3A = tpu.memref_slice %arg3[%add3A_186] : memref<40960xf32, #tpu.memory_space<hbm>> -> memref<128xf32, #tpu.memory_space<hbm>>
      %dma_start3A_253 = tpu.memref_slice %arg3[%add3A_186] : memref<40960xf32, #tpu.memory_space<hbm>> -> memref<128xf32, #tpu.memory_space<hbm>>
      tpu.enqueue_dma source(%arg6 : memref<128xf32, #tpu.memory_space<vmem>>) target(%dma_start3A_253 : memref<128xf32, #tpu.memory_space<hbm>>) target_semaphore(%run_scoped3A : memref<!tpu.dma_semaphore, #tpu.memory_space<semaphore_mem>>)
      %dma_wait3A = tpu.memref_slice %arg3[%add3A_186] : memref<40960xf32, #tpu.memory_space<hbm>> -> memref<128xf32, #tpu.memory_space<hbm>>
      %dma_wait3A_254 = tpu.memref_slice %arg3[%add3A_186] : memref<40960xf32, #tpu.memory_space<hbm>> -> memref<128xf32, #tpu.memory_space<hbm>>
      tpu.wait_dma2 semaphore(%run_scoped3A : memref<!tpu.dma_semaphore, #tpu.memory_space<semaphore_mem>>) src(%arg6 : memref<128xf32, #tpu.memory_space<vmem>>) dst(%dma_wait3A_254 : memref<128xf32, #tpu.memory_space<hbm>>)
      tpu.yield
    }) : () -> ()
    %mul3A_187 = arith.constant 1280 : i32
    %mul3A_188 = arith.muli %arg1, %mul3A_187 : i32
    %add3A_189 = arith.constant 512 : i32
    %add3A_190 = arith.addi %mul3A_188, %add3A_189 : i32
    "tpu.region"() ({
      %run_scoped3A = tpu.sem_alloc : memref<!tpu.dma_semaphore, #tpu.memory_space<semaphore_mem>>
      %dma_start3A = tpu.memref_slice %arg7[%add3A_190] : memref<20480xf32, #tpu.memory_space<vmem_shared>> -> memref<128xf32, #tpu.memory_space<vmem_shared>>
      %dma_start3A_253 = tpu.memref_slice %arg7[%add3A_190] : memref<20480xf32, #tpu.memory_space<vmem_shared>> -> memref<128xf32, #tpu.memory_space<vmem_shared>>
      tpu.enqueue_dma source(%dma_start3A_253 : memref<128xf32, #tpu.memory_space<vmem_shared>>) target(%arg6 : memref<128xf32, #tpu.memory_space<vmem>>) target_semaphore(%run_scoped3A : memref<!tpu.dma_semaphore, #tpu.memory_space<semaphore_mem>>)
      %dma_wait3A = tpu.memref_slice %arg7[%add3A_190] : memref<20480xf32, #tpu.memory_space<vmem_shared>> -> memref<128xf32, #tpu.memory_space<vmem_shared>>
      %dma_wait3A_254 = tpu.memref_slice %arg7[%add3A_190] : memref<20480xf32, #tpu.memory_space<vmem_shared>> -> memref<128xf32, #tpu.memory_space<vmem_shared>>
      tpu.wait_dma2 semaphore(%run_scoped3A : memref<!tpu.dma_semaphore, #tpu.memory_space<semaphore_mem>>) src(%dma_wait3A_254 : memref<128xf32, #tpu.memory_space<vmem_shared>>) dst(%arg6 : memref<128xf32, #tpu.memory_space<vmem>>)
      tpu.yield
    }) : () -> ()
    %mul3A_191 = arith.constant 20480 : i32
    %mul3A_192 = arith.muli %arg0, %mul3A_191 : i32
    %mul3A_193 = arith.constant 1280 : i32
    %mul3A_194 = arith.muli %arg1, %mul3A_193 : i32
    %add3A_195 = arith.addi %mul3A_192, %mul3A_194 : i32
    %add3A_196 = arith.constant 512 : i32
    %add3A_197 = arith.addi %add3A_195, %add3A_196 : i32
    "tpu.region"() ({
      %run_scoped3A = tpu.sem_alloc : memref<!tpu.dma_semaphore, #tpu.memory_space<semaphore_mem>>
      %dma_start3A = tpu.memref_slice %arg3[%add3A_197] : memref<40960xf32, #tpu.memory_space<hbm>> -> memref<128xf32, #tpu.memory_space<hbm>>
      %dma_start3A_253 = tpu.memref_slice %arg3[%add3A_197] : memref<40960xf32, #tpu.memory_space<hbm>> -> memref<128xf32, #tpu.memory_space<hbm>>
      tpu.enqueue_dma source(%arg6 : memref<128xf32, #tpu.memory_space<vmem>>) target(%dma_start3A_253 : memref<128xf32, #tpu.memory_space<hbm>>) target_semaphore(%run_scoped3A : memref<!tpu.dma_semaphore, #tpu.memory_space<semaphore_mem>>)
      %dma_wait3A = tpu.memref_slice %arg3[%add3A_197] : memref<40960xf32, #tpu.memory_space<hbm>> -> memref<128xf32, #tpu.memory_space<hbm>>
      %dma_wait3A_254 = tpu.memref_slice %arg3[%add3A_197] : memref<40960xf32, #tpu.memory_space<hbm>> -> memref<128xf32, #tpu.memory_space<hbm>>
      tpu.wait_dma2 semaphore(%run_scoped3A : memref<!tpu.dma_semaphore, #tpu.memory_space<semaphore_mem>>) src(%arg6 : memref<128xf32, #tpu.memory_space<vmem>>) dst(%dma_wait3A_254 : memref<128xf32, #tpu.memory_space<hbm>>)
      tpu.yield
    }) : () -> ()
    %mul3A_198 = arith.constant 1280 : i32
    %mul3A_199 = arith.muli %arg1, %mul3A_198 : i32
    %add3A_200 = arith.constant 640 : i32
    %add3A_201 = arith.addi %mul3A_199, %add3A_200 : i32
    "tpu.region"() ({
      %run_scoped3A = tpu.sem_alloc : memref<!tpu.dma_semaphore, #tpu.memory_space<semaphore_mem>>
      %dma_start3A = tpu.memref_slice %arg7[%add3A_201] : memref<20480xf32, #tpu.memory_space<vmem_shared>> -> memref<128xf32, #tpu.memory_space<vmem_shared>>
      %dma_start3A_253 = tpu.memref_slice %arg7[%add3A_201] : memref<20480xf32, #tpu.memory_space<vmem_shared>> -> memref<128xf32, #tpu.memory_space<vmem_shared>>
      tpu.enqueue_dma source(%dma_start3A_253 : memref<128xf32, #tpu.memory_space<vmem_shared>>) target(%arg6 : memref<128xf32, #tpu.memory_space<vmem>>) target_semaphore(%run_scoped3A : memref<!tpu.dma_semaphore, #tpu.memory_space<semaphore_mem>>)
      %dma_wait3A = tpu.memref_slice %arg7[%add3A_201] : memref<20480xf32, #tpu.memory_space<vmem_shared>> -> memref<128xf32, #tpu.memory_space<vmem_shared>>
      %dma_wait3A_254 = tpu.memref_slice %arg7[%add3A_201] : memref<20480xf32, #tpu.memory_space<vmem_shared>> -> memref<128xf32, #tpu.memory_space<vmem_shared>>
      tpu.wait_dma2 semaphore(%run_scoped3A : memref<!tpu.dma_semaphore, #tpu.memory_space<semaphore_mem>>) src(%dma_wait3A_254 : memref<128xf32, #tpu.memory_space<vmem_shared>>) dst(%arg6 : memref<128xf32, #tpu.memory_space<vmem>>)
      tpu.yield
    }) : () -> ()
    %mul3A_202 = arith.constant 20480 : i32
    %mul3A_203 = arith.muli %arg0, %mul3A_202 : i32
    %mul3A_204 = arith.constant 1280 : i32
    %mul3A_205 = arith.muli %arg1, %mul3A_204 : i32
    %add3A_206 = arith.addi %mul3A_203, %mul3A_205 : i32
    %add3A_207 = arith.constant 640 : i32
    %add3A_208 = arith.addi %add3A_206, %add3A_207 : i32
    "tpu.region"() ({
      %run_scoped3A = tpu.sem_alloc : memref<!tpu.dma_semaphore, #tpu.memory_space<semaphore_mem>>
      %dma_start3A = tpu.memref_slice %arg3[%add3A_208] : memref<40960xf32, #tpu.memory_space<hbm>> -> memref<128xf32, #tpu.memory_space<hbm>>
      %dma_start3A_253 = tpu.memref_slice %arg3[%add3A_208] : memref<40960xf32, #tpu.memory_space<hbm>> -> memref<128xf32, #tpu.memory_space<hbm>>
      tpu.enqueue_dma source(%arg6 : memref<128xf32, #tpu.memory_space<vmem>>) target(%dma_start3A_253 : memref<128xf32, #tpu.memory_space<hbm>>) target_semaphore(%run_scoped3A : memref<!tpu.dma_semaphore, #tpu.memory_space<semaphore_mem>>)
      %dma_wait3A = tpu.memref_slice %arg3[%add3A_208] : memref<40960xf32, #tpu.memory_space<hbm>> -> memref<128xf32, #tpu.memory_space<hbm>>
      %dma_wait3A_254 = tpu.memref_slice %arg3[%add3A_208] : memref<40960xf32, #tpu.memory_space<hbm>> -> memref<128xf32, #tpu.memory_space<hbm>>
      tpu.wait_dma2 semaphore(%run_scoped3A : memref<!tpu.dma_semaphore, #tpu.memory_space<semaphore_mem>>) src(%arg6 : memref<128xf32, #tpu.memory_space<vmem>>) dst(%dma_wait3A_254 : memref<128xf32, #tpu.memory_space<hbm>>)
      tpu.yield
    }) : () -> ()
    %mul3A_209 = arith.constant 1280 : i32
    %mul3A_210 = arith.muli %arg1, %mul3A_209 : i32
    %add3A_211 = arith.constant 768 : i32
    %add3A_212 = arith.addi %mul3A_210, %add3A_211 : i32
    "tpu.region"() ({
      %run_scoped3A = tpu.sem_alloc : memref<!tpu.dma_semaphore, #tpu.memory_space<semaphore_mem>>
      %dma_start3A = tpu.memref_slice %arg7[%add3A_212] : memref<20480xf32, #tpu.memory_space<vmem_shared>> -> memref<128xf32, #tpu.memory_space<vmem_shared>>
      %dma_start3A_253 = tpu.memref_slice %arg7[%add3A_212] : memref<20480xf32, #tpu.memory_space<vmem_shared>> -> memref<128xf32, #tpu.memory_space<vmem_shared>>
      tpu.enqueue_dma source(%dma_start3A_253 : memref<128xf32, #tpu.memory_space<vmem_shared>>) target(%arg6 : memref<128xf32, #tpu.memory_space<vmem>>) target_semaphore(%run_scoped3A : memref<!tpu.dma_semaphore, #tpu.memory_space<semaphore_mem>>)
      %dma_wait3A = tpu.memref_slice %arg7[%add3A_212] : memref<20480xf32, #tpu.memory_space<vmem_shared>> -> memref<128xf32, #tpu.memory_space<vmem_shared>>
      %dma_wait3A_254 = tpu.memref_slice %arg7[%add3A_212] : memref<20480xf32, #tpu.memory_space<vmem_shared>> -> memref<128xf32, #tpu.memory_space<vmem_shared>>
      tpu.wait_dma2 semaphore(%run_scoped3A : memref<!tpu.dma_semaphore, #tpu.memory_space<semaphore_mem>>) src(%dma_wait3A_254 : memref<128xf32, #tpu.memory_space<vmem_shared>>) dst(%arg6 : memref<128xf32, #tpu.memory_space<vmem>>)
      tpu.yield
    }) : () -> ()
    %mul3A_213 = arith.constant 20480 : i32
    %mul3A_214 = arith.muli %arg0, %mul3A_213 : i32
    %mul3A_215 = arith.constant 1280 : i32
    %mul3A_216 = arith.muli %arg1, %mul3A_215 : i32
    %add3A_217 = arith.addi %mul3A_214, %mul3A_216 : i32
    %add3A_218 = arith.constant 768 : i32
    %add3A_219 = arith.addi %add3A_217, %add3A_218 : i32
    "tpu.region"() ({
      %run_scoped3A = tpu.sem_alloc : memref<!tpu.dma_semaphore, #tpu.memory_space<semaphore_mem>>
      %dma_start3A = tpu.memref_slice %arg3[%add3A_219] : memref<40960xf32, #tpu.memory_space<hbm>> -> memref<128xf32, #tpu.memory_space<hbm>>
      %dma_start3A_253 = tpu.memref_slice %arg3[%add3A_219] : memref<40960xf32, #tpu.memory_space<hbm>> -> memref<128xf32, #tpu.memory_space<hbm>>
      tpu.enqueue_dma source(%arg6 : memref<128xf32, #tpu.memory_space<vmem>>) target(%dma_start3A_253 : memref<128xf32, #tpu.memory_space<hbm>>) target_semaphore(%run_scoped3A : memref<!tpu.dma_semaphore, #tpu.memory_space<semaphore_mem>>)
      %dma_wait3A = tpu.memref_slice %arg3[%add3A_219] : memref<40960xf32, #tpu.memory_space<hbm>> -> memref<128xf32, #tpu.memory_space<hbm>>
      %dma_wait3A_254 = tpu.memref_slice %arg3[%add3A_219] : memref<40960xf32, #tpu.memory_space<hbm>> -> memref<128xf32, #tpu.memory_space<hbm>>
      tpu.wait_dma2 semaphore(%run_scoped3A : memref<!tpu.dma_semaphore, #tpu.memory_space<semaphore_mem>>) src(%arg6 : memref<128xf32, #tpu.memory_space<vmem>>) dst(%dma_wait3A_254 : memref<128xf32, #tpu.memory_space<hbm>>)
      tpu.yield
    }) : () -> ()
    %mul3A_220 = arith.constant 1280 : i32
    %mul3A_221 = arith.muli %arg1, %mul3A_220 : i32
    %add3A_222 = arith.constant 896 : i32
    %add3A_223 = arith.addi %mul3A_221, %add3A_222 : i32
    "tpu.region"() ({
      %run_scoped3A = tpu.sem_alloc : memref<!tpu.dma_semaphore, #tpu.memory_space<semaphore_mem>>
      %dma_start3A = tpu.memref_slice %arg7[%add3A_223] : memref<20480xf32, #tpu.memory_space<vmem_shared>> -> memref<128xf32, #tpu.memory_space<vmem_shared>>
      %dma_start3A_253 = tpu.memref_slice %arg7[%add3A_223] : memref<20480xf32, #tpu.memory_space<vmem_shared>> -> memref<128xf32, #tpu.memory_space<vmem_shared>>
      tpu.enqueue_dma source(%dma_start3A_253 : memref<128xf32, #tpu.memory_space<vmem_shared>>) target(%arg6 : memref<128xf32, #tpu.memory_space<vmem>>) target_semaphore(%run_scoped3A : memref<!tpu.dma_semaphore, #tpu.memory_space<semaphore_mem>>)
      %dma_wait3A = tpu.memref_slice %arg7[%add3A_223] : memref<20480xf32, #tpu.memory_space<vmem_shared>> -> memref<128xf32, #tpu.memory_space<vmem_shared>>
      %dma_wait3A_254 = tpu.memref_slice %arg7[%add3A_223] : memref<20480xf32, #tpu.memory_space<vmem_shared>> -> memref<128xf32, #tpu.memory_space<vmem_shared>>
      tpu.wait_dma2 semaphore(%run_scoped3A : memref<!tpu.dma_semaphore, #tpu.memory_space<semaphore_mem>>) src(%dma_wait3A_254 : memref<128xf32, #tpu.memory_space<vmem_shared>>) dst(%arg6 : memref<128xf32, #tpu.memory_space<vmem>>)
      tpu.yield
    }) : () -> ()
    %mul3A_224 = arith.constant 20480 : i32
    %mul3A_225 = arith.muli %arg0, %mul3A_224 : i32
    %mul3A_226 = arith.constant 1280 : i32
    %mul3A_227 = arith.muli %arg1, %mul3A_226 : i32
    %add3A_228 = arith.addi %mul3A_225, %mul3A_227 : i32
    %add3A_229 = arith.constant 896 : i32
    %add3A_230 = arith.addi %add3A_228, %add3A_229 : i32
    "tpu.region"() ({
      %run_scoped3A = tpu.sem_alloc : memref<!tpu.dma_semaphore, #tpu.memory_space<semaphore_mem>>
      %dma_start3A = tpu.memref_slice %arg3[%add3A_230] : memref<40960xf32, #tpu.memory_space<hbm>> -> memref<128xf32, #tpu.memory_space<hbm>>
      %dma_start3A_253 = tpu.memref_slice %arg3[%add3A_230] : memref<40960xf32, #tpu.memory_space<hbm>> -> memref<128xf32, #tpu.memory_space<hbm>>
      tpu.enqueue_dma source(%arg6 : memref<128xf32, #tpu.memory_space<vmem>>) target(%dma_start3A_253 : memref<128xf32, #tpu.memory_space<hbm>>) target_semaphore(%run_scoped3A : memref<!tpu.dma_semaphore, #tpu.memory_space<semaphore_mem>>)
      %dma_wait3A = tpu.memref_slice %arg3[%add3A_230] : memref<40960xf32, #tpu.memory_space<hbm>> -> memref<128xf32, #tpu.memory_space<hbm>>
      %dma_wait3A_254 = tpu.memref_slice %arg3[%add3A_230] : memref<40960xf32, #tpu.memory_space<hbm>> -> memref<128xf32, #tpu.memory_space<hbm>>
      tpu.wait_dma2 semaphore(%run_scoped3A : memref<!tpu.dma_semaphore, #tpu.memory_space<semaphore_mem>>) src(%arg6 : memref<128xf32, #tpu.memory_space<vmem>>) dst(%dma_wait3A_254 : memref<128xf32, #tpu.memory_space<hbm>>)
      tpu.yield
    }) : () -> ()
    %mul3A_231 = arith.constant 1280 : i32
    %mul3A_232 = arith.muli %arg1, %mul3A_231 : i32
    %add3A_233 = arith.constant 1024 : i32
    %add3A_234 = arith.addi %mul3A_232, %add3A_233 : i32
    "tpu.region"() ({
      %run_scoped3A = tpu.sem_alloc : memref<!tpu.dma_semaphore, #tpu.memory_space<semaphore_mem>>
      %dma_start3A = tpu.memref_slice %arg7[%add3A_234] : memref<20480xf32, #tpu.memory_space<vmem_shared>> -> memref<128xf32, #tpu.memory_space<vmem_shared>>
      %dma_start3A_253 = tpu.memref_slice %arg7[%add3A_234] : memref<20480xf32, #tpu.memory_space<vmem_shared>> -> memref<128xf32, #tpu.memory_space<vmem_shared>>
      tpu.enqueue_dma source(%dma_start3A_253 : memref<128xf32, #tpu.memory_space<vmem_shared>>) target(%arg6 : memref<128xf32, #tpu.memory_space<vmem>>) target_semaphore(%run_scoped3A : memref<!tpu.dma_semaphore, #tpu.memory_space<semaphore_mem>>)
      %dma_wait3A = tpu.memref_slice %arg7[%add3A_234] : memref<20480xf32, #tpu.memory_space<vmem_shared>> -> memref<128xf32, #tpu.memory_space<vmem_shared>>
      %dma_wait3A_254 = tpu.memref_slice %arg7[%add3A_234] : memref<20480xf32, #tpu.memory_space<vmem_shared>> -> memref<128xf32, #tpu.memory_space<vmem_shared>>
      tpu.wait_dma2 semaphore(%run_scoped3A : memref<!tpu.dma_semaphore, #tpu.memory_space<semaphore_mem>>) src(%dma_wait3A_254 : memref<128xf32, #tpu.memory_space<vmem_shared>>) dst(%arg6 : memref<128xf32, #tpu.memory_space<vmem>>)
      tpu.yield
    }) : () -> ()
    %mul3A_235 = arith.constant 20480 : i32
    %mul3A_236 = arith.muli %arg0, %mul3A_235 : i32
    %mul3A_237 = arith.constant 1280 : i32
    %mul3A_238 = arith.muli %arg1, %mul3A_237 : i32
    %add3A_239 = arith.addi %mul3A_236, %mul3A_238 : i32
    %add3A_240 = arith.constant 1024 : i32
    %add3A_241 = arith.addi %add3A_239, %add3A_240 : i32
    "tpu.region"() ({
      %run_scoped3A = tpu.sem_alloc : memref<!tpu.dma_semaphore, #tpu.memory_space<semaphore_mem>>
      %dma_start3A = tpu.memref_slice %arg3[%add3A_241] : memref<40960xf32, #tpu.memory_space<hbm>> -> memref<128xf32, #tpu.memory_space<hbm>>
      %dma_start3A_253 = tpu.memref_slice %arg3[%add3A_241] : memref<40960xf32, #tpu.memory_space<hbm>> -> memref<128xf32, #tpu.memory_space<hbm>>
      tpu.enqueue_dma source(%arg6 : memref<128xf32, #tpu.memory_space<vmem>>) target(%dma_start3A_253 : memref<128xf32, #tpu.memory_space<hbm>>) target_semaphore(%run_scoped3A : memref<!tpu.dma_semaphore, #tpu.memory_space<semaphore_mem>>)
      %dma_wait3A = tpu.memref_slice %arg3[%add3A_241] : memref<40960xf32, #tpu.memory_space<hbm>> -> memref<128xf32, #tpu.memory_space<hbm>>
      %dma_wait3A_254 = tpu.memref_slice %arg3[%add3A_241] : memref<40960xf32, #tpu.memory_space<hbm>> -> memref<128xf32, #tpu.memory_space<hbm>>
      tpu.wait_dma2 semaphore(%run_scoped3A : memref<!tpu.dma_semaphore, #tpu.memory_space<semaphore_mem>>) src(%arg6 : memref<128xf32, #tpu.memory_space<vmem>>) dst(%dma_wait3A_254 : memref<128xf32, #tpu.memory_space<hbm>>)
      tpu.yield
    }) : () -> ()
    %mul3A_242 = arith.constant 1280 : i32
    %mul3A_243 = arith.muli %arg1, %mul3A_242 : i32
    %add3A_244 = arith.constant 1152 : i32
    %add3A_245 = arith.addi %mul3A_243, %add3A_244 : i32
    "tpu.region"() ({
      %run_scoped3A = tpu.sem_alloc : memref<!tpu.dma_semaphore, #tpu.memory_space<semaphore_mem>>
      %dma_start3A = tpu.memref_slice %arg7[%add3A_245] : memref<20480xf32, #tpu.memory_space<vmem_shared>> -> memref<128xf32, #tpu.memory_space<vmem_shared>>
      %dma_start3A_253 = tpu.memref_slice %arg7[%add3A_245] : memref<20480xf32, #tpu.memory_space<vmem_shared>> -> memref<128xf32, #tpu.memory_space<vmem_shared>>
      tpu.enqueue_dma source(%dma_start3A_253 : memref<128xf32, #tpu.memory_space<vmem_shared>>) target(%arg6 : memref<128xf32, #tpu.memory_space<vmem>>) target_semaphore(%run_scoped3A : memref<!tpu.dma_semaphore, #tpu.memory_space<semaphore_mem>>)
      %dma_wait3A = tpu.memref_slice %arg7[%add3A_245] : memref<20480xf32, #tpu.memory_space<vmem_shared>> -> memref<128xf32, #tpu.memory_space<vmem_shared>>
      %dma_wait3A_254 = tpu.memref_slice %arg7[%add3A_245] : memref<20480xf32, #tpu.memory_space<vmem_shared>> -> memref<128xf32, #tpu.memory_space<vmem_shared>>
      tpu.wait_dma2 semaphore(%run_scoped3A : memref<!tpu.dma_semaphore, #tpu.memory_space<semaphore_mem>>) src(%dma_wait3A_254 : memref<128xf32, #tpu.memory_space<vmem_shared>>) dst(%arg6 : memref<128xf32, #tpu.memory_space<vmem>>)
      tpu.yield
    }) : () -> ()
    %mul3A_246 = arith.constant 20480 : i32
    %mul3A_247 = arith.muli %arg0, %mul3A_246 : i32
    %mul3A_248 = arith.constant 1280 : i32
    %mul3A_249 = arith.muli %arg1, %mul3A_248 : i32
    %add3A_250 = arith.addi %mul3A_247, %mul3A_249 : i32
    %add3A_251 = arith.constant 1152 : i32
    %add3A_252 = arith.addi %add3A_250, %add3A_251 : i32
    "tpu.region"() ({
      %run_scoped3A = tpu.sem_alloc : memref<!tpu.dma_semaphore, #tpu.memory_space<semaphore_mem>>
      %dma_start3A = tpu.memref_slice %arg3[%add3A_252] : memref<40960xf32, #tpu.memory_space<hbm>> -> memref<128xf32, #tpu.memory_space<hbm>>
      %dma_start3A_253 = tpu.memref_slice %arg3[%add3A_252] : memref<40960xf32, #tpu.memory_space<hbm>> -> memref<128xf32, #tpu.memory_space<hbm>>
      tpu.enqueue_dma source(%arg6 : memref<128xf32, #tpu.memory_space<vmem>>) target(%dma_start3A_253 : memref<128xf32, #tpu.memory_space<hbm>>) target_semaphore(%run_scoped3A : memref<!tpu.dma_semaphore, #tpu.memory_space<semaphore_mem>>)
      %dma_wait3A = tpu.memref_slice %arg3[%add3A_252] : memref<40960xf32, #tpu.memory_space<hbm>> -> memref<128xf32, #tpu.memory_space<hbm>>
      %dma_wait3A_254 = tpu.memref_slice %arg3[%add3A_252] : memref<40960xf32, #tpu.memory_space<hbm>> -> memref<128xf32, #tpu.memory_space<hbm>>
      tpu.wait_dma2 semaphore(%run_scoped3A : memref<!tpu.dma_semaphore, #tpu.memory_space<semaphore_mem>>) src(%arg6 : memref<128xf32, #tpu.memory_space<vmem>>) dst(%dma_wait3A_254 : memref<128xf32, #tpu.memory_space<hbm>>)
      tpu.yield
    }) : () -> ()
    return
  }
}

#map = affine_map<(d0, d1) -> (0, 0)>
#map1 = affine_map<(d0, d1) -> (0)>
module attributes {stable_mosaic.version = 14 : i64} {
  func.func @_agg_body(%arg0: i32, %arg1: i32, %arg2: memref<20000x128xf32, #tpu.memory_space<hbm>>, %arg3: memref<643072xi32, #tpu.memory_space<hbm>>, %arg4: memref<643072xi32, #tpu.memory_space<hbm>>, %arg5: memref<20480x128xf32, #tpu.memory_space<hbm>>, %arg6: memref<128xi32, #tpu.memory_space<vmem>>, %arg7: memref<128xi32, #tpu.memory_space<vmem>>, %arg8: memref<128x128xf32, #tpu.memory_space<vmem>>, %arg9: memref<10240x128xf32, #tpu.memory_space<vmem_shared>>, %arg10: memref<!tpu.dma_semaphore, #tpu.memory_space<semaphore_mem>>) attributes {dimension_semantics = [#tpu.dimension_semantics<core_parallel>, #tpu.dimension_semantics<subcore_parallel>], iteration_bounds = array<i64: 2, 16>, scalar_prefetch = 0 : i64, scratch_operands = 5 : i64, tpu.core_type = #tpu.core_type<sc_vector_subcore>, window_params = [{transform_indices = #map}, {transform_indices = #map1}, {transform_indices = #map1}, {transform_indices = #map}]} {
    %scan3A = arith.constant 0 : i32
    %scan3A_0 = arith.constant 0 : i32
    %scan3A_1 = arith.constant 128 : i32
    %scan3A_2 = arith.addi %scan3A_0, %scan3A_1 : i32
    %scan3A_3 = arith.constant 1 : i32
    scf.for %scan3A_90 = %scan3A_0 to %scan3A_2 step %scan3A_3  : i32 {
      %broadcast_in_dim3A = arith.constant 0.000000e+00 : f32
      %broadcast_in_dim3A_91 = vector.broadcast %broadcast_in_dim3A : f32 to vector<16xf32>
      %swap3A = arith.index_cast %scan3A_90 : i32 to index
      %swap3A_92 = arith.constant 0 : index
      %swap3A_93 = tpu.vector_load %arg8[%swap3A, %swap3A_92] {strides = array<i32>} : memref<128x128xf32, #tpu.memory_space<vmem>>, vector<1x16xf32>,
      %swap3A_94 = vector.shape_cast %swap3A_93 : vector<1x16xf32> to vector<16xf32>
      %swap3A_95 = vector.shape_cast %broadcast_in_dim3A_91 : vector<16xf32> to vector<1x16xf32>
      tpu.vector_store %arg8[%swap3A, %swap3A_92], %swap3A_95 {strides = array<i32>} : memref<128x128xf32, #tpu.memory_space<vmem>>, vector<1x16xf32>,
      %broadcast_in_dim3A_96 = arith.constant 0.000000e+00 : f32
      %broadcast_in_dim3A_97 = vector.broadcast %broadcast_in_dim3A_96 : f32 to vector<16xf32>
      %swap3A_98 = arith.index_cast %scan3A_90 : i32 to index
      %swap3A_99 = arith.constant 16 : index
      %swap3A_100 = tpu.vector_load %arg8[%swap3A_98, %swap3A_99] {strides = array<i32>} : memref<128x128xf32, #tpu.memory_space<vmem>>, vector<1x16xf32>,
      %swap3A_101 = vector.shape_cast %swap3A_100 : vector<1x16xf32> to vector<16xf32>
      %swap3A_102 = vector.shape_cast %broadcast_in_dim3A_97 : vector<16xf32> to vector<1x16xf32>
      tpu.vector_store %arg8[%swap3A_98, %swap3A_99], %swap3A_102 {strides = array<i32>} : memref<128x128xf32, #tpu.memory_space<vmem>>, vector<1x16xf32>,
      %broadcast_in_dim3A_103 = arith.constant 0.000000e+00 : f32
      %broadcast_in_dim3A_104 = vector.broadcast %broadcast_in_dim3A_103 : f32 to vector<16xf32>
      %swap3A_105 = arith.index_cast %scan3A_90 : i32 to index
      %swap3A_106 = arith.constant 32 : index
      %swap3A_107 = tpu.vector_load %arg8[%swap3A_105, %swap3A_106] {strides = array<i32>} : memref<128x128xf32, #tpu.memory_space<vmem>>, vector<1x16xf32>,
      %swap3A_108 = vector.shape_cast %swap3A_107 : vector<1x16xf32> to vector<16xf32>
      %swap3A_109 = vector.shape_cast %broadcast_in_dim3A_104 : vector<16xf32> to vector<1x16xf32>
      tpu.vector_store %arg8[%swap3A_105, %swap3A_106], %swap3A_109 {strides = array<i32>} : memref<128x128xf32, #tpu.memory_space<vmem>>, vector<1x16xf32>,
      %broadcast_in_dim3A_110 = arith.constant 0.000000e+00 : f32
      %broadcast_in_dim3A_111 = vector.broadcast %broadcast_in_dim3A_110 : f32 to vector<16xf32>
      %swap3A_112 = arith.index_cast %scan3A_90 : i32 to index
      %swap3A_113 = arith.constant 48 : index
      %swap3A_114 = tpu.vector_load %arg8[%swap3A_112, %swap3A_113] {strides = array<i32>} : memref<128x128xf32, #tpu.memory_space<vmem>>, vector<1x16xf32>,
      %swap3A_115 = vector.shape_cast %swap3A_114 : vector<1x16xf32> to vector<16xf32>
      %swap3A_116 = vector.shape_cast %broadcast_in_dim3A_111 : vector<16xf32> to vector<1x16xf32>
      tpu.vector_store %arg8[%swap3A_112, %swap3A_113], %swap3A_116 {strides = array<i32>} : memref<128x128xf32, #tpu.memory_space<vmem>>, vector<1x16xf32>,
      %broadcast_in_dim3A_117 = arith.constant 0.000000e+00 : f32
      %broadcast_in_dim3A_118 = vector.broadcast %broadcast_in_dim3A_117 : f32 to vector<16xf32>
      %swap3A_119 = arith.index_cast %scan3A_90 : i32 to index
      %swap3A_120 = arith.constant 64 : index
      %swap3A_121 = tpu.vector_load %arg8[%swap3A_119, %swap3A_120] {strides = array<i32>} : memref<128x128xf32, #tpu.memory_space<vmem>>, vector<1x16xf32>,
      %swap3A_122 = vector.shape_cast %swap3A_121 : vector<1x16xf32> to vector<16xf32>
      %swap3A_123 = vector.shape_cast %broadcast_in_dim3A_118 : vector<16xf32> to vector<1x16xf32>
      tpu.vector_store %arg8[%swap3A_119, %swap3A_120], %swap3A_123 {strides = array<i32>} : memref<128x128xf32, #tpu.memory_space<vmem>>, vector<1x16xf32>,
      %broadcast_in_dim3A_124 = arith.constant 0.000000e+00 : f32
      %broadcast_in_dim3A_125 = vector.broadcast %broadcast_in_dim3A_124 : f32 to vector<16xf32>
      %swap3A_126 = arith.index_cast %scan3A_90 : i32 to index
      %swap3A_127 = arith.constant 80 : index
      %swap3A_128 = tpu.vector_load %arg8[%swap3A_126, %swap3A_127] {strides = array<i32>} : memref<128x128xf32, #tpu.memory_space<vmem>>, vector<1x16xf32>,
      %swap3A_129 = vector.shape_cast %swap3A_128 : vector<1x16xf32> to vector<16xf32>
      %swap3A_130 = vector.shape_cast %broadcast_in_dim3A_125 : vector<16xf32> to vector<1x16xf32>
      tpu.vector_store %arg8[%swap3A_126, %swap3A_127], %swap3A_130 {strides = array<i32>} : memref<128x128xf32, #tpu.memory_space<vmem>>, vector<1x16xf32>,
      %broadcast_in_dim3A_131 = arith.constant 0.000000e+00 : f32
      %broadcast_in_dim3A_132 = vector.broadcast %broadcast_in_dim3A_131 : f32 to vector<16xf32>
      %swap3A_133 = arith.index_cast %scan3A_90 : i32 to index
      %swap3A_134 = arith.constant 96 : index
      %swap3A_135 = tpu.vector_load %arg8[%swap3A_133, %swap3A_134] {strides = array<i32>} : memref<128x128xf32, #tpu.memory_space<vmem>>, vector<1x16xf32>,
      %swap3A_136 = vector.shape_cast %swap3A_135 : vector<1x16xf32> to vector<16xf32>
      %swap3A_137 = vector.shape_cast %broadcast_in_dim3A_132 : vector<16xf32> to vector<1x16xf32>
      tpu.vector_store %arg8[%swap3A_133, %swap3A_134], %swap3A_137 {strides = array<i32>} : memref<128x128xf32, #tpu.memory_space<vmem>>, vector<1x16xf32>,
      %broadcast_in_dim3A_138 = arith.constant 0.000000e+00 : f32
      %broadcast_in_dim3A_139 = vector.broadcast %broadcast_in_dim3A_138 : f32 to vector<16xf32>
      %swap3A_140 = arith.index_cast %scan3A_90 : i32 to index
      %swap3A_141 = arith.constant 112 : index
      %swap3A_142 = tpu.vector_load %arg8[%swap3A_140, %swap3A_141] {strides = array<i32>} : memref<128x128xf32, #tpu.memory_space<vmem>>, vector<1x16xf32>,
      %swap3A_143 = vector.shape_cast %swap3A_142 : vector<1x16xf32> to vector<16xf32>
      %swap3A_144 = vector.shape_cast %broadcast_in_dim3A_139 : vector<16xf32> to vector<1x16xf32>
      tpu.vector_store %arg8[%swap3A_140, %swap3A_141], %swap3A_144 {strides = array<i32>} : memref<128x128xf32, #tpu.memory_space<vmem>>, vector<1x16xf32>,
    }
    %scan3A_4 = arith.constant 128 : i32
    %mul3A = arith.constant 640 : i32
    %mul3A_5 = arith.muli %arg1, %mul3A : i32
    %add3A = arith.constant 0 : i32
    %add3A_6 = arith.addi %mul3A_5, %add3A : i32
    "tpu.region"() ({
      %run_scoped3A = tpu.sem_alloc : memref<!tpu.dma_semaphore, #tpu.memory_space<semaphore_mem>>
      %dma_start3A = arith.constant 0 : i32
      %dma_start3A_90 = tpu.memref_slice %arg9[%add3A_6, %dma_start3A] : memref<10240x128xf32, #tpu.memory_space<vmem_shared>> -> memref<128x128xf32, #tpu.memory_space<vmem_shared>>
      %dma_start3A_91 = arith.constant 0 : i32
      %dma_start3A_92 = tpu.memref_slice %arg9[%add3A_6, %dma_start3A_91] : memref<10240x128xf32, #tpu.memory_space<vmem_shared>> -> memref<128x128xf32, #tpu.memory_space<vmem_shared>>
      tpu.enqueue_dma source(%arg8 : memref<128x128xf32, #tpu.memory_space<vmem>>) target(%dma_start3A_92 : memref<128x128xf32, #tpu.memory_space<vmem_shared>>) target_semaphore(%run_scoped3A : memref<!tpu.dma_semaphore, #tpu.memory_space<semaphore_mem>>)
      %dma_wait3A = arith.constant 0 : i32
      %dma_wait3A_93 = tpu.memref_slice %arg9[%add3A_6, %dma_wait3A] : memref<10240x128xf32, #tpu.memory_space<vmem_shared>> -> memref<128x128xf32, #tpu.memory_space<vmem_shared>>
      %dma_wait3A_94 = arith.constant 0 : i32
      %dma_wait3A_95 = tpu.memref_slice %arg9[%add3A_6, %dma_wait3A_94] : memref<10240x128xf32, #tpu.memory_space<vmem_shared>> -> memref<128x128xf32, #tpu.memory_space<vmem_shared>>
      tpu.wait_dma2 semaphore(%run_scoped3A : memref<!tpu.dma_semaphore, #tpu.memory_space<semaphore_mem>>) src(%arg8 : memref<128x128xf32, #tpu.memory_space<vmem>>) dst(%dma_wait3A_95 : memref<128x128xf32, #tpu.memory_space<vmem_shared>>)
      tpu.yield
    }) : () -> ()
    %mul3A_7 = arith.constant 640 : i32
    %mul3A_8 = arith.muli %arg1, %mul3A_7 : i32
    %add3A_9 = arith.constant 128 : i32
    %add3A_10 = arith.addi %mul3A_8, %add3A_9 : i32
    "tpu.region"() ({
      %run_scoped3A = tpu.sem_alloc : memref<!tpu.dma_semaphore, #tpu.memory_space<semaphore_mem>>
      %dma_start3A = arith.constant 0 : i32
      %dma_start3A_90 = tpu.memref_slice %arg9[%add3A_10, %dma_start3A] : memref<10240x128xf32, #tpu.memory_space<vmem_shared>> -> memref<128x128xf32, #tpu.memory_space<vmem_shared>>
      %dma_start3A_91 = arith.constant 0 : i32
      %dma_start3A_92 = tpu.memref_slice %arg9[%add3A_10, %dma_start3A_91] : memref<10240x128xf32, #tpu.memory_space<vmem_shared>> -> memref<128x128xf32, #tpu.memory_space<vmem_shared>>
      tpu.enqueue_dma source(%arg8 : memref<128x128xf32, #tpu.memory_space<vmem>>) target(%dma_start3A_92 : memref<128x128xf32, #tpu.memory_space<vmem_shared>>) target_semaphore(%run_scoped3A : memref<!tpu.dma_semaphore, #tpu.memory_space<semaphore_mem>>)
      %dma_wait3A = arith.constant 0 : i32
      %dma_wait3A_93 = tpu.memref_slice %arg9[%add3A_10, %dma_wait3A] : memref<10240x128xf32, #tpu.memory_space<vmem_shared>> -> memref<128x128xf32, #tpu.memory_space<vmem_shared>>
      %dma_wait3A_94 = arith.constant 0 : i32
      %dma_wait3A_95 = tpu.memref_slice %arg9[%add3A_10, %dma_wait3A_94] : memref<10240x128xf32, #tpu.memory_space<vmem_shared>> -> memref<128x128xf32, #tpu.memory_space<vmem_shared>>
      tpu.wait_dma2 semaphore(%run_scoped3A : memref<!tpu.dma_semaphore, #tpu.memory_space<semaphore_mem>>) src(%arg8 : memref<128x128xf32, #tpu.memory_space<vmem>>) dst(%dma_wait3A_95 : memref<128x128xf32, #tpu.memory_space<vmem_shared>>)
      tpu.yield
    }) : () -> ()
    %mul3A_11 = arith.constant 640 : i32
    %mul3A_12 = arith.muli %arg1, %mul3A_11 : i32
    %add3A_13 = arith.constant 256 : i32
    %add3A_14 = arith.addi %mul3A_12, %add3A_13 : i32
    "tpu.region"() ({
      %run_scoped3A = tpu.sem_alloc : memref<!tpu.dma_semaphore, #tpu.memory_space<semaphore_mem>>
      %dma_start3A = arith.constant 0 : i32
      %dma_start3A_90 = tpu.memref_slice %arg9[%add3A_14, %dma_start3A] : memref<10240x128xf32, #tpu.memory_space<vmem_shared>> -> memref<128x128xf32, #tpu.memory_space<vmem_shared>>
      %dma_start3A_91 = arith.constant 0 : i32
      %dma_start3A_92 = tpu.memref_slice %arg9[%add3A_14, %dma_start3A_91] : memref<10240x128xf32, #tpu.memory_space<vmem_shared>> -> memref<128x128xf32, #tpu.memory_space<vmem_shared>>
      tpu.enqueue_dma source(%arg8 : memref<128x128xf32, #tpu.memory_space<vmem>>) target(%dma_start3A_92 : memref<128x128xf32, #tpu.memory_space<vmem_shared>>) target_semaphore(%run_scoped3A : memref<!tpu.dma_semaphore, #tpu.memory_space<semaphore_mem>>)
      %dma_wait3A = arith.constant 0 : i32
      %dma_wait3A_93 = tpu.memref_slice %arg9[%add3A_14, %dma_wait3A] : memref<10240x128xf32, #tpu.memory_space<vmem_shared>> -> memref<128x128xf32, #tpu.memory_space<vmem_shared>>
      %dma_wait3A_94 = arith.constant 0 : i32
      %dma_wait3A_95 = tpu.memref_slice %arg9[%add3A_14, %dma_wait3A_94] : memref<10240x128xf32, #tpu.memory_space<vmem_shared>> -> memref<128x128xf32, #tpu.memory_space<vmem_shared>>
      tpu.wait_dma2 semaphore(%run_scoped3A : memref<!tpu.dma_semaphore, #tpu.memory_space<semaphore_mem>>) src(%arg8 : memref<128x128xf32, #tpu.memory_space<vmem>>) dst(%dma_wait3A_95 : memref<128x128xf32, #tpu.memory_space<vmem_shared>>)
      tpu.yield
    }) : () -> ()
    %mul3A_15 = arith.constant 640 : i32
    %mul3A_16 = arith.muli %arg1, %mul3A_15 : i32
    %add3A_17 = arith.constant 384 : i32
    %add3A_18 = arith.addi %mul3A_16, %add3A_17 : i32
    "tpu.region"() ({
      %run_scoped3A = tpu.sem_alloc : memref<!tpu.dma_semaphore, #tpu.memory_space<semaphore_mem>>
      %dma_start3A = arith.constant 0 : i32
      %dma_start3A_90 = tpu.memref_slice %arg9[%add3A_18, %dma_start3A] : memref<10240x128xf32, #tpu.memory_space<vmem_shared>> -> memref<128x128xf32, #tpu.memory_space<vmem_shared>>
      %dma_start3A_91 = arith.constant 0 : i32
      %dma_start3A_92 = tpu.memref_slice %arg9[%add3A_18, %dma_start3A_91] : memref<10240x128xf32, #tpu.memory_space<vmem_shared>> -> memref<128x128xf32, #tpu.memory_space<vmem_shared>>
      tpu.enqueue_dma source(%arg8 : memref<128x128xf32, #tpu.memory_space<vmem>>) target(%dma_start3A_92 : memref<128x128xf32, #tpu.memory_space<vmem_shared>>) target_semaphore(%run_scoped3A : memref<!tpu.dma_semaphore, #tpu.memory_space<semaphore_mem>>)
      %dma_wait3A = arith.constant 0 : i32
      %dma_wait3A_93 = tpu.memref_slice %arg9[%add3A_18, %dma_wait3A] : memref<10240x128xf32, #tpu.memory_space<vmem_shared>> -> memref<128x128xf32, #tpu.memory_space<vmem_shared>>
      %dma_wait3A_94 = arith.constant 0 : i32
      %dma_wait3A_95 = tpu.memref_slice %arg9[%add3A_18, %dma_wait3A_94] : memref<10240x128xf32, #tpu.memory_space<vmem_shared>> -> memref<128x128xf32, #tpu.memory_space<vmem_shared>>
      tpu.wait_dma2 semaphore(%run_scoped3A : memref<!tpu.dma_semaphore, #tpu.memory_space<semaphore_mem>>) src(%arg8 : memref<128x128xf32, #tpu.memory_space<vmem>>) dst(%dma_wait3A_95 : memref<128x128xf32, #tpu.memory_space<vmem_shared>>)
      tpu.yield
    }) : () -> ()
    %mul3A_19 = arith.constant 640 : i32
    %mul3A_20 = arith.muli %arg1, %mul3A_19 : i32
    %add3A_21 = arith.constant 512 : i32
    %add3A_22 = arith.addi %mul3A_20, %add3A_21 : i32
    "tpu.region"() ({
      %run_scoped3A = tpu.sem_alloc : memref<!tpu.dma_semaphore, #tpu.memory_space<semaphore_mem>>
      %dma_start3A = arith.constant 0 : i32
      %dma_start3A_90 = tpu.memref_slice %arg9[%add3A_22, %dma_start3A] : memref<10240x128xf32, #tpu.memory_space<vmem_shared>> -> memref<128x128xf32, #tpu.memory_space<vmem_shared>>
      %dma_start3A_91 = arith.constant 0 : i32
      %dma_start3A_92 = tpu.memref_slice %arg9[%add3A_22, %dma_start3A_91] : memref<10240x128xf32, #tpu.memory_space<vmem_shared>> -> memref<128x128xf32, #tpu.memory_space<vmem_shared>>
      tpu.enqueue_dma source(%arg8 : memref<128x128xf32, #tpu.memory_space<vmem>>) target(%dma_start3A_92 : memref<128x128xf32, #tpu.memory_space<vmem_shared>>) target_semaphore(%run_scoped3A : memref<!tpu.dma_semaphore, #tpu.memory_space<semaphore_mem>>)
      %dma_wait3A = arith.constant 0 : i32
      %dma_wait3A_93 = tpu.memref_slice %arg9[%add3A_22, %dma_wait3A] : memref<10240x128xf32, #tpu.memory_space<vmem_shared>> -> memref<128x128xf32, #tpu.memory_space<vmem_shared>>
      %dma_wait3A_94 = arith.constant 0 : i32
      %dma_wait3A_95 = tpu.memref_slice %arg9[%add3A_22, %dma_wait3A_94] : memref<10240x128xf32, #tpu.memory_space<vmem_shared>> -> memref<128x128xf32, #tpu.memory_space<vmem_shared>>
      tpu.wait_dma2 semaphore(%run_scoped3A : memref<!tpu.dma_semaphore, #tpu.memory_space<semaphore_mem>>) src(%arg8 : memref<128x128xf32, #tpu.memory_space<vmem>>) dst(%dma_wait3A_95 : memref<128x128xf32, #tpu.memory_space<vmem_shared>>)
      tpu.yield
    }) : () -> ()
    %barrier3A = arith.constant 0 : index
    tpu.barrier barrier_id(%barrier3A)
    %mul3A_23 = arith.constant 321536 : i32
    %mul3A_24 = arith.muli %arg0, %mul3A_23 : i32
    %mul3A_25 = arith.constant 20096 : i32
    %mul3A_26 = arith.muli %arg1, %mul3A_25 : i32
    %add3A_27 = arith.addi %mul3A_24, %mul3A_26 : i32
    %scan3A_28 = arith.constant 0 : i32
    %scan3A_29 = arith.constant 0 : i32
    %scan3A_30 = arith.constant 157 : i32
    %scan3A_31 = arith.addi %scan3A_29, %scan3A_30 : i32
    %scan3A_32 = arith.constant 1 : i32
    scf.for %scan3A_90 = %scan3A_29 to %scan3A_31 step %scan3A_32  : i32 {
      %mul3A_91 = arith.constant 128 : i32
      %mul3A_92 = arith.muli %scan3A_90, %mul3A_91 : i32
      %add3A_93 = arith.addi %add3A_27, %mul3A_92 : i32
      "tpu.region"() ({
        %run_scoped3A = tpu.sem_alloc : memref<!tpu.dma_semaphore, #tpu.memory_space<semaphore_mem>>
        %dma_start3A_98 = tpu.memref_slice %arg3[%add3A_93] : memref<643072xi32, #tpu.memory_space<hbm>> -> memref<128xi32, #tpu.memory_space<hbm>>
        %dma_start3A_99 = tpu.memref_slice %arg3[%add3A_93] : memref<643072xi32, #tpu.memory_space<hbm>> -> memref<128xi32, #tpu.memory_space<hbm>>
        tpu.enqueue_dma source(%dma_start3A_99 : memref<128xi32, #tpu.memory_space<hbm>>) target(%arg6 : memref<128xi32, #tpu.memory_space<vmem>>) target_semaphore(%run_scoped3A : memref<!tpu.dma_semaphore, #tpu.memory_space<semaphore_mem>>)
        %dma_wait3A_100 = tpu.memref_slice %arg3[%add3A_93] : memref<643072xi32, #tpu.memory_space<hbm>> -> memref<128xi32, #tpu.memory_space<hbm>>
        %dma_wait3A_101 = tpu.memref_slice %arg3[%add3A_93] : memref<643072xi32, #tpu.memory_space<hbm>> -> memref<128xi32, #tpu.memory_space<hbm>>
        tpu.wait_dma2 semaphore(%run_scoped3A : memref<!tpu.dma_semaphore, #tpu.memory_space<semaphore_mem>>) src(%dma_wait3A_101 : memref<128xi32, #tpu.memory_space<hbm>>) dst(%arg6 : memref<128xi32, #tpu.memory_space<vmem>>)
        tpu.yield
      }) : () -> ()
      "tpu.region"() ({
        %run_scoped3A = tpu.sem_alloc : memref<!tpu.dma_semaphore, #tpu.memory_space<semaphore_mem>>
        %dma_start3A_98 = tpu.memref_slice %arg4[%add3A_93] : memref<643072xi32, #tpu.memory_space<hbm>> -> memref<128xi32, #tpu.memory_space<hbm>>
        %dma_start3A_99 = tpu.memref_slice %arg4[%add3A_93] : memref<643072xi32, #tpu.memory_space<hbm>> -> memref<128xi32, #tpu.memory_space<hbm>>
        tpu.enqueue_dma source(%dma_start3A_99 : memref<128xi32, #tpu.memory_space<hbm>>) target(%arg7 : memref<128xi32, #tpu.memory_space<vmem>>) target_semaphore(%run_scoped3A : memref<!tpu.dma_semaphore, #tpu.memory_space<semaphore_mem>>)
        %dma_wait3A_100 = tpu.memref_slice %arg4[%add3A_93] : memref<643072xi32, #tpu.memory_space<hbm>> -> memref<128xi32, #tpu.memory_space<hbm>>
        %dma_wait3A_101 = tpu.memref_slice %arg4[%add3A_93] : memref<643072xi32, #tpu.memory_space<hbm>> -> memref<128xi32, #tpu.memory_space<hbm>>
        tpu.wait_dma2 semaphore(%run_scoped3A : memref<!tpu.dma_semaphore, #tpu.memory_space<semaphore_mem>>) src(%dma_wait3A_101 : memref<128xi32, #tpu.memory_space<hbm>>) dst(%arg7 : memref<128xi32, #tpu.memory_space<vmem>>)
        tpu.yield
      }) : () -> ()
      %dma_start3A = arith.constant 0 : i32
      %dma_start3A_94 = arith.constant 0 : i32
      %dma_start3A_95 = tpu.memref_slice %arg2[%dma_start3A, %dma_start3A_94] : memref<20000x128xf32, #tpu.memory_space<hbm>> -> memref<20000x128xf32, #tpu.memory_space<hbm>>
      tpu.enqueue_indirect_dma source(%dma_start3A_95 : memref<20000x128xf32, #tpu.memory_space<hbm>>) target(%arg8 : memref<128x128xf32, #tpu.memory_space<vmem>>) offsets(%arg6 : memref<128xi32, #tpu.memory_space<vmem>>) semaphore(%arg10 : memref<!tpu.dma_semaphore, #tpu.memory_space<semaphore_mem>>)
      %dma_wait3A = arith.constant 0 : i32
      %dma_wait3A_96 = arith.constant 0 : i32
      %dma_wait3A_97 = tpu.memref_slice %arg2[%dma_wait3A, %dma_wait3A_96] : memref<20000x128xf32, #tpu.memory_space<hbm>> -> memref<20000x128xf32, #tpu.memory_space<hbm>>
      tpu.wait_indirect_dma semaphore(%arg10 : memref<!tpu.dma_semaphore, #tpu.memory_space<semaphore_mem>>) src(%dma_wait3A_97 : memref<20000x128xf32, #tpu.memory_space<hbm>>) dst(%arg8 : memref<128x128xf32, #tpu.memory_space<vmem>>)
      "tpu.region"() ({
        %run_scoped3A = tpu.sem_alloc : memref<!tpu.dma_semaphore, #tpu.memory_space<semaphore_mem>>
        %dma_start3A_98 = arith.constant 0 : i32
        %dma_start3A_99 = arith.constant 0 : i32
        %dma_start3A_100 = tpu.memref_slice %arg9[%dma_start3A_98, %dma_start3A_99] : memref<10240x128xf32, #tpu.memory_space<vmem_shared>> -> memref<10240x128xf32, #tpu.memory_space<vmem_shared>>
        tpu.enqueue_indirect_dma source(%arg8 : memref<128x128xf32, #tpu.memory_space<vmem>>) target(%dma_start3A_100 : memref<10240x128xf32, #tpu.memory_space<vmem_shared>>) offsets(%arg7 : memref<128xi32, #tpu.memory_space<vmem>>) semaphore(%run_scoped3A : memref<!tpu.dma_semaphore, #tpu.memory_space<semaphore_mem>>) {add = true}
        %dma_wait3A_101 = arith.constant 0 : i32
        %dma_wait3A_102 = arith.constant 0 : i32
        %dma_wait3A_103 = tpu.memref_slice %arg9[%dma_wait3A_101, %dma_wait3A_102] : memref<10240x128xf32, #tpu.memory_space<vmem_shared>> -> memref<10240x128xf32, #tpu.memory_space<vmem_shared>>
        tpu.wait_indirect_dma semaphore(%run_scoped3A : memref<!tpu.dma_semaphore, #tpu.memory_space<semaphore_mem>>) src(%arg8 : memref<128x128xf32, #tpu.memory_space<vmem>>) dst(%dma_wait3A_103 : memref<10240x128xf32, #tpu.memory_space<vmem_shared>>)
        tpu.yield
      }) : () -> ()
    }
    %scan3A_33 = arith.constant 157 : i32
    %barrier3A_34 = arith.constant 0 : index
    tpu.barrier barrier_id(%barrier3A_34)
    %mul3A_35 = arith.constant 640 : i32
    %mul3A_36 = arith.muli %arg1, %mul3A_35 : i32
    %add3A_37 = arith.constant 0 : i32
    %add3A_38 = arith.addi %mul3A_36, %add3A_37 : i32
    "tpu.region"() ({
      %run_scoped3A = tpu.sem_alloc : memref<!tpu.dma_semaphore, #tpu.memory_space<semaphore_mem>>
      %dma_start3A = arith.constant 0 : i32
      %dma_start3A_90 = tpu.memref_slice %arg9[%add3A_38, %dma_start3A] : memref<10240x128xf32, #tpu.memory_space<vmem_shared>> -> memref<128x128xf32, #tpu.memory_space<vmem_shared>>
      %dma_start3A_91 = arith.constant 0 : i32
      %dma_start3A_92 = tpu.memref_slice %arg9[%add3A_38, %dma_start3A_91] : memref<10240x128xf32, #tpu.memory_space<vmem_shared>> -> memref<128x128xf32, #tpu.memory_space<vmem_shared>>
      tpu.enqueue_dma source(%dma_start3A_92 : memref<128x128xf32, #tpu.memory_space<vmem_shared>>) target(%arg8 : memref<128x128xf32, #tpu.memory_space<vmem>>) target_semaphore(%run_scoped3A : memref<!tpu.dma_semaphore, #tpu.memory_space<semaphore_mem>>)
      %dma_wait3A = arith.constant 0 : i32
      %dma_wait3A_93 = tpu.memref_slice %arg9[%add3A_38, %dma_wait3A] : memref<10240x128xf32, #tpu.memory_space<vmem_shared>> -> memref<128x128xf32, #tpu.memory_space<vmem_shared>>
      %dma_wait3A_94 = arith.constant 0 : i32
      %dma_wait3A_95 = tpu.memref_slice %arg9[%add3A_38, %dma_wait3A_94] : memref<10240x128xf32, #tpu.memory_space<vmem_shared>> -> memref<128x128xf32, #tpu.memory_space<vmem_shared>>
      tpu.wait_dma2 semaphore(%run_scoped3A : memref<!tpu.dma_semaphore, #tpu.memory_space<semaphore_mem>>) src(%dma_wait3A_95 : memref<128x128xf32, #tpu.memory_space<vmem_shared>>) dst(%arg8 : memref<128x128xf32, #tpu.memory_space<vmem>>)
      tpu.yield
    }) : () -> ()
    %mul3A_39 = arith.constant 10240 : i32
    %mul3A_40 = arith.muli %arg0, %mul3A_39 : i32
    %mul3A_41 = arith.constant 640 : i32
    %mul3A_42 = arith.muli %arg1, %mul3A_41 : i32
    %add3A_43 = arith.addi %mul3A_40, %mul3A_42 : i32
    %add3A_44 = arith.constant 0 : i32
    %add3A_45 = arith.addi %add3A_43, %add3A_44 : i32
    "tpu.region"() ({
      %run_scoped3A = tpu.sem_alloc : memref<!tpu.dma_semaphore, #tpu.memory_space<semaphore_mem>>
      %dma_start3A = arith.constant 0 : i32
      %dma_start3A_90 = tpu.memref_slice %arg5[%add3A_45, %dma_start3A] : memref<20480x128xf32, #tpu.memory_space<hbm>> -> memref<128x128xf32, #tpu.memory_space<hbm>>
      %dma_start3A_91 = arith.constant 0 : i32
      %dma_start3A_92 = tpu.memref_slice %arg5[%add3A_45, %dma_start3A_91] : memref<20480x128xf32, #tpu.memory_space<hbm>> -> memref<128x128xf32, #tpu.memory_space<hbm>>
      tpu.enqueue_dma source(%arg8 : memref<128x128xf32, #tpu.memory_space<vmem>>) target(%dma_start3A_92 : memref<128x128xf32, #tpu.memory_space<hbm>>) target_semaphore(%run_scoped3A : memref<!tpu.dma_semaphore, #tpu.memory_space<semaphore_mem>>)
      %dma_wait3A = arith.constant 0 : i32
      %dma_wait3A_93 = tpu.memref_slice %arg5[%add3A_45, %dma_wait3A] : memref<20480x128xf32, #tpu.memory_space<hbm>> -> memref<128x128xf32, #tpu.memory_space<hbm>>
      %dma_wait3A_94 = arith.constant 0 : i32
      %dma_wait3A_95 = tpu.memref_slice %arg5[%add3A_45, %dma_wait3A_94] : memref<20480x128xf32, #tpu.memory_space<hbm>> -> memref<128x128xf32, #tpu.memory_space<hbm>>
      tpu.wait_dma2 semaphore(%run_scoped3A : memref<!tpu.dma_semaphore, #tpu.memory_space<semaphore_mem>>) src(%arg8 : memref<128x128xf32, #tpu.memory_space<vmem>>) dst(%dma_wait3A_95 : memref<128x128xf32, #tpu.memory_space<hbm>>)
      tpu.yield
    }) : () -> ()
    %mul3A_46 = arith.constant 640 : i32
    %mul3A_47 = arith.muli %arg1, %mul3A_46 : i32
    %add3A_48 = arith.constant 128 : i32
    %add3A_49 = arith.addi %mul3A_47, %add3A_48 : i32
    "tpu.region"() ({
      %run_scoped3A = tpu.sem_alloc : memref<!tpu.dma_semaphore, #tpu.memory_space<semaphore_mem>>
      %dma_start3A = arith.constant 0 : i32
      %dma_start3A_90 = tpu.memref_slice %arg9[%add3A_49, %dma_start3A] : memref<10240x128xf32, #tpu.memory_space<vmem_shared>> -> memref<128x128xf32, #tpu.memory_space<vmem_shared>>
      %dma_start3A_91 = arith.constant 0 : i32
      %dma_start3A_92 = tpu.memref_slice %arg9[%add3A_49, %dma_start3A_91] : memref<10240x128xf32, #tpu.memory_space<vmem_shared>> -> memref<128x128xf32, #tpu.memory_space<vmem_shared>>
      tpu.enqueue_dma source(%dma_start3A_92 : memref<128x128xf32, #tpu.memory_space<vmem_shared>>) target(%arg8 : memref<128x128xf32, #tpu.memory_space<vmem>>) target_semaphore(%run_scoped3A : memref<!tpu.dma_semaphore, #tpu.memory_space<semaphore_mem>>)
      %dma_wait3A = arith.constant 0 : i32
      %dma_wait3A_93 = tpu.memref_slice %arg9[%add3A_49, %dma_wait3A] : memref<10240x128xf32, #tpu.memory_space<vmem_shared>> -> memref<128x128xf32, #tpu.memory_space<vmem_shared>>
      %dma_wait3A_94 = arith.constant 0 : i32
      %dma_wait3A_95 = tpu.memref_slice %arg9[%add3A_49, %dma_wait3A_94] : memref<10240x128xf32, #tpu.memory_space<vmem_shared>> -> memref<128x128xf32, #tpu.memory_space<vmem_shared>>
      tpu.wait_dma2 semaphore(%run_scoped3A : memref<!tpu.dma_semaphore, #tpu.memory_space<semaphore_mem>>) src(%dma_wait3A_95 : memref<128x128xf32, #tpu.memory_space<vmem_shared>>) dst(%arg8 : memref<128x128xf32, #tpu.memory_space<vmem>>)
      tpu.yield
    }) : () -> ()
    %mul3A_50 = arith.constant 10240 : i32
    %mul3A_51 = arith.muli %arg0, %mul3A_50 : i32
    %mul3A_52 = arith.constant 640 : i32
    %mul3A_53 = arith.muli %arg1, %mul3A_52 : i32
    %add3A_54 = arith.addi %mul3A_51, %mul3A_53 : i32
    %add3A_55 = arith.constant 128 : i32
    %add3A_56 = arith.addi %add3A_54, %add3A_55 : i32
    "tpu.region"() ({
      %run_scoped3A = tpu.sem_alloc : memref<!tpu.dma_semaphore, #tpu.memory_space<semaphore_mem>>
      %dma_start3A = arith.constant 0 : i32
      %dma_start3A_90 = tpu.memref_slice %arg5[%add3A_56, %dma_start3A] : memref<20480x128xf32, #tpu.memory_space<hbm>> -> memref<128x128xf32, #tpu.memory_space<hbm>>
      %dma_start3A_91 = arith.constant 0 : i32
      %dma_start3A_92 = tpu.memref_slice %arg5[%add3A_56, %dma_start3A_91] : memref<20480x128xf32, #tpu.memory_space<hbm>> -> memref<128x128xf32, #tpu.memory_space<hbm>>
      tpu.enqueue_dma source(%arg8 : memref<128x128xf32, #tpu.memory_space<vmem>>) target(%dma_start3A_92 : memref<128x128xf32, #tpu.memory_space<hbm>>) target_semaphore(%run_scoped3A : memref<!tpu.dma_semaphore, #tpu.memory_space<semaphore_mem>>)
      %dma_wait3A = arith.constant 0 : i32
      %dma_wait3A_93 = tpu.memref_slice %arg5[%add3A_56, %dma_wait3A] : memref<20480x128xf32, #tpu.memory_space<hbm>> -> memref<128x128xf32, #tpu.memory_space<hbm>>
      %dma_wait3A_94 = arith.constant 0 : i32
      %dma_wait3A_95 = tpu.memref_slice %arg5[%add3A_56, %dma_wait3A_94] : memref<20480x128xf32, #tpu.memory_space<hbm>> -> memref<128x128xf32, #tpu.memory_space<hbm>>
      tpu.wait_dma2 semaphore(%run_scoped3A : memref<!tpu.dma_semaphore, #tpu.memory_space<semaphore_mem>>) src(%arg8 : memref<128x128xf32, #tpu.memory_space<vmem>>) dst(%dma_wait3A_95 : memref<128x128xf32, #tpu.memory_space<hbm>>)
      tpu.yield
    }) : () -> ()
    %mul3A_57 = arith.constant 640 : i32
    %mul3A_58 = arith.muli %arg1, %mul3A_57 : i32
    %add3A_59 = arith.constant 256 : i32
    %add3A_60 = arith.addi %mul3A_58, %add3A_59 : i32
    "tpu.region"() ({
      %run_scoped3A = tpu.sem_alloc : memref<!tpu.dma_semaphore, #tpu.memory_space<semaphore_mem>>
      %dma_start3A = arith.constant 0 : i32
      %dma_start3A_90 = tpu.memref_slice %arg9[%add3A_60, %dma_start3A] : memref<10240x128xf32, #tpu.memory_space<vmem_shared>> -> memref<128x128xf32, #tpu.memory_space<vmem_shared>>
      %dma_start3A_91 = arith.constant 0 : i32
      %dma_start3A_92 = tpu.memref_slice %arg9[%add3A_60, %dma_start3A_91] : memref<10240x128xf32, #tpu.memory_space<vmem_shared>> -> memref<128x128xf32, #tpu.memory_space<vmem_shared>>
      tpu.enqueue_dma source(%dma_start3A_92 : memref<128x128xf32, #tpu.memory_space<vmem_shared>>) target(%arg8 : memref<128x128xf32, #tpu.memory_space<vmem>>) target_semaphore(%run_scoped3A : memref<!tpu.dma_semaphore, #tpu.memory_space<semaphore_mem>>)
      %dma_wait3A = arith.constant 0 : i32
      %dma_wait3A_93 = tpu.memref_slice %arg9[%add3A_60, %dma_wait3A] : memref<10240x128xf32, #tpu.memory_space<vmem_shared>> -> memref<128x128xf32, #tpu.memory_space<vmem_shared>>
      %dma_wait3A_94 = arith.constant 0 : i32
      %dma_wait3A_95 = tpu.memref_slice %arg9[%add3A_60, %dma_wait3A_94] : memref<10240x128xf32, #tpu.memory_space<vmem_shared>> -> memref<128x128xf32, #tpu.memory_space<vmem_shared>>
      tpu.wait_dma2 semaphore(%run_scoped3A : memref<!tpu.dma_semaphore, #tpu.memory_space<semaphore_mem>>) src(%dma_wait3A_95 : memref<128x128xf32, #tpu.memory_space<vmem_shared>>) dst(%arg8 : memref<128x128xf32, #tpu.memory_space<vmem>>)
      tpu.yield
    }) : () -> ()
    %mul3A_61 = arith.constant 10240 : i32
    %mul3A_62 = arith.muli %arg0, %mul3A_61 : i32
    %mul3A_63 = arith.constant 640 : i32
    %mul3A_64 = arith.muli %arg1, %mul3A_63 : i32
    %add3A_65 = arith.addi %mul3A_62, %mul3A_64 : i32
    %add3A_66 = arith.constant 256 : i32
    %add3A_67 = arith.addi %add3A_65, %add3A_66 : i32
    "tpu.region"() ({
      %run_scoped3A = tpu.sem_alloc : memref<!tpu.dma_semaphore, #tpu.memory_space<semaphore_mem>>
      %dma_start3A = arith.constant 0 : i32
      %dma_start3A_90 = tpu.memref_slice %arg5[%add3A_67, %dma_start3A] : memref<20480x128xf32, #tpu.memory_space<hbm>> -> memref<128x128xf32, #tpu.memory_space<hbm>>
      %dma_start3A_91 = arith.constant 0 : i32
      %dma_start3A_92 = tpu.memref_slice %arg5[%add3A_67, %dma_start3A_91] : memref<20480x128xf32, #tpu.memory_space<hbm>> -> memref<128x128xf32, #tpu.memory_space<hbm>>
      tpu.enqueue_dma source(%arg8 : memref<128x128xf32, #tpu.memory_space<vmem>>) target(%dma_start3A_92 : memref<128x128xf32, #tpu.memory_space<hbm>>) target_semaphore(%run_scoped3A : memref<!tpu.dma_semaphore, #tpu.memory_space<semaphore_mem>>)
      %dma_wait3A = arith.constant 0 : i32
      %dma_wait3A_93 = tpu.memref_slice %arg5[%add3A_67, %dma_wait3A] : memref<20480x128xf32, #tpu.memory_space<hbm>> -> memref<128x128xf32, #tpu.memory_space<hbm>>
      %dma_wait3A_94 = arith.constant 0 : i32
      %dma_wait3A_95 = tpu.memref_slice %arg5[%add3A_67, %dma_wait3A_94] : memref<20480x128xf32, #tpu.memory_space<hbm>> -> memref<128x128xf32, #tpu.memory_space<hbm>>
      tpu.wait_dma2 semaphore(%run_scoped3A : memref<!tpu.dma_semaphore, #tpu.memory_space<semaphore_mem>>) src(%arg8 : memref<128x128xf32, #tpu.memory_space<vmem>>) dst(%dma_wait3A_95 : memref<128x128xf32, #tpu.memory_space<hbm>>)
      tpu.yield
    }) : () -> ()
    %mul3A_68 = arith.constant 640 : i32
    %mul3A_69 = arith.muli %arg1, %mul3A_68 : i32
    %add3A_70 = arith.constant 384 : i32
    %add3A_71 = arith.addi %mul3A_69, %add3A_70 : i32
    "tpu.region"() ({
      %run_scoped3A = tpu.sem_alloc : memref<!tpu.dma_semaphore, #tpu.memory_space<semaphore_mem>>
      %dma_start3A = arith.constant 0 : i32
      %dma_start3A_90 = tpu.memref_slice %arg9[%add3A_71, %dma_start3A] : memref<10240x128xf32, #tpu.memory_space<vmem_shared>> -> memref<128x128xf32, #tpu.memory_space<vmem_shared>>
      %dma_start3A_91 = arith.constant 0 : i32
      %dma_start3A_92 = tpu.memref_slice %arg9[%add3A_71, %dma_start3A_91] : memref<10240x128xf32, #tpu.memory_space<vmem_shared>> -> memref<128x128xf32, #tpu.memory_space<vmem_shared>>
      tpu.enqueue_dma source(%dma_start3A_92 : memref<128x128xf32, #tpu.memory_space<vmem_shared>>) target(%arg8 : memref<128x128xf32, #tpu.memory_space<vmem>>) target_semaphore(%run_scoped3A : memref<!tpu.dma_semaphore, #tpu.memory_space<semaphore_mem>>)
      %dma_wait3A = arith.constant 0 : i32
      %dma_wait3A_93 = tpu.memref_slice %arg9[%add3A_71, %dma_wait3A] : memref<10240x128xf32, #tpu.memory_space<vmem_shared>> -> memref<128x128xf32, #tpu.memory_space<vmem_shared>>
      %dma_wait3A_94 = arith.constant 0 : i32
      %dma_wait3A_95 = tpu.memref_slice %arg9[%add3A_71, %dma_wait3A_94] : memref<10240x128xf32, #tpu.memory_space<vmem_shared>> -> memref<128x128xf32, #tpu.memory_space<vmem_shared>>
      tpu.wait_dma2 semaphore(%run_scoped3A : memref<!tpu.dma_semaphore, #tpu.memory_space<semaphore_mem>>) src(%dma_wait3A_95 : memref<128x128xf32, #tpu.memory_space<vmem_shared>>) dst(%arg8 : memref<128x128xf32, #tpu.memory_space<vmem>>)
      tpu.yield
    }) : () -> ()
    %mul3A_72 = arith.constant 10240 : i32
    %mul3A_73 = arith.muli %arg0, %mul3A_72 : i32
    %mul3A_74 = arith.constant 640 : i32
    %mul3A_75 = arith.muli %arg1, %mul3A_74 : i32
    %add3A_76 = arith.addi %mul3A_73, %mul3A_75 : i32
    %add3A_77 = arith.constant 384 : i32
    %add3A_78 = arith.addi %add3A_76, %add3A_77 : i32
    "tpu.region"() ({
      %run_scoped3A = tpu.sem_alloc : memref<!tpu.dma_semaphore, #tpu.memory_space<semaphore_mem>>
      %dma_start3A = arith.constant 0 : i32
      %dma_start3A_90 = tpu.memref_slice %arg5[%add3A_78, %dma_start3A] : memref<20480x128xf32, #tpu.memory_space<hbm>> -> memref<128x128xf32, #tpu.memory_space<hbm>>
      %dma_start3A_91 = arith.constant 0 : i32
      %dma_start3A_92 = tpu.memref_slice %arg5[%add3A_78, %dma_start3A_91] : memref<20480x128xf32, #tpu.memory_space<hbm>> -> memref<128x128xf32, #tpu.memory_space<hbm>>
      tpu.enqueue_dma source(%arg8 : memref<128x128xf32, #tpu.memory_space<vmem>>) target(%dma_start3A_92 : memref<128x128xf32, #tpu.memory_space<hbm>>) target_semaphore(%run_scoped3A : memref<!tpu.dma_semaphore, #tpu.memory_space<semaphore_mem>>)
      %dma_wait3A = arith.constant 0 : i32
      %dma_wait3A_93 = tpu.memref_slice %arg5[%add3A_78, %dma_wait3A] : memref<20480x128xf32, #tpu.memory_space<hbm>> -> memref<128x128xf32, #tpu.memory_space<hbm>>
      %dma_wait3A_94 = arith.constant 0 : i32
      %dma_wait3A_95 = tpu.memref_slice %arg5[%add3A_78, %dma_wait3A_94] : memref<20480x128xf32, #tpu.memory_space<hbm>> -> memref<128x128xf32, #tpu.memory_space<hbm>>
      tpu.wait_dma2 semaphore(%run_scoped3A : memref<!tpu.dma_semaphore, #tpu.memory_space<semaphore_mem>>) src(%arg8 : memref<128x128xf32, #tpu.memory_space<vmem>>) dst(%dma_wait3A_95 : memref<128x128xf32, #tpu.memory_space<hbm>>)
      tpu.yield
    }) : () -> ()
    %mul3A_79 = arith.constant 640 : i32
    %mul3A_80 = arith.muli %arg1, %mul3A_79 : i32
    %add3A_81 = arith.constant 512 : i32
    %add3A_82 = arith.addi %mul3A_80, %add3A_81 : i32
    "tpu.region"() ({
      %run_scoped3A = tpu.sem_alloc : memref<!tpu.dma_semaphore, #tpu.memory_space<semaphore_mem>>
      %dma_start3A = arith.constant 0 : i32
      %dma_start3A_90 = tpu.memref_slice %arg9[%add3A_82, %dma_start3A] : memref<10240x128xf32, #tpu.memory_space<vmem_shared>> -> memref<128x128xf32, #tpu.memory_space<vmem_shared>>
      %dma_start3A_91 = arith.constant 0 : i32
      %dma_start3A_92 = tpu.memref_slice %arg9[%add3A_82, %dma_start3A_91] : memref<10240x128xf32, #tpu.memory_space<vmem_shared>> -> memref<128x128xf32, #tpu.memory_space<vmem_shared>>
      tpu.enqueue_dma source(%dma_start3A_92 : memref<128x128xf32, #tpu.memory_space<vmem_shared>>) target(%arg8 : memref<128x128xf32, #tpu.memory_space<vmem>>) target_semaphore(%run_scoped3A : memref<!tpu.dma_semaphore, #tpu.memory_space<semaphore_mem>>)
      %dma_wait3A = arith.constant 0 : i32
      %dma_wait3A_93 = tpu.memref_slice %arg9[%add3A_82, %dma_wait3A] : memref<10240x128xf32, #tpu.memory_space<vmem_shared>> -> memref<128x128xf32, #tpu.memory_space<vmem_shared>>
      %dma_wait3A_94 = arith.constant 0 : i32
      %dma_wait3A_95 = tpu.memref_slice %arg9[%add3A_82, %dma_wait3A_94] : memref<10240x128xf32, #tpu.memory_space<vmem_shared>> -> memref<128x128xf32, #tpu.memory_space<vmem_shared>>
      tpu.wait_dma2 semaphore(%run_scoped3A : memref<!tpu.dma_semaphore, #tpu.memory_space<semaphore_mem>>) src(%dma_wait3A_95 : memref<128x128xf32, #tpu.memory_space<vmem_shared>>) dst(%arg8 : memref<128x128xf32, #tpu.memory_space<vmem>>)
      tpu.yield
    }) : () -> ()
    %mul3A_83 = arith.constant 10240 : i32
    %mul3A_84 = arith.muli %arg0, %mul3A_83 : i32
    %mul3A_85 = arith.constant 640 : i32
    %mul3A_86 = arith.muli %arg1, %mul3A_85 : i32
    %add3A_87 = arith.addi %mul3A_84, %mul3A_86 : i32
    %add3A_88 = arith.constant 512 : i32
    %add3A_89 = arith.addi %add3A_87, %add3A_88 : i32
    "tpu.region"() ({
      %run_scoped3A = tpu.sem_alloc : memref<!tpu.dma_semaphore, #tpu.memory_space<semaphore_mem>>
      %dma_start3A = arith.constant 0 : i32
      %dma_start3A_90 = tpu.memref_slice %arg5[%add3A_89, %dma_start3A] : memref<20480x128xf32, #tpu.memory_space<hbm>> -> memref<128x128xf32, #tpu.memory_space<hbm>>
      %dma_start3A_91 = arith.constant 0 : i32
      %dma_start3A_92 = tpu.memref_slice %arg5[%add3A_89, %dma_start3A_91] : memref<20480x128xf32, #tpu.memory_space<hbm>> -> memref<128x128xf32, #tpu.memory_space<hbm>>
      tpu.enqueue_dma source(%arg8 : memref<128x128xf32, #tpu.memory_space<vmem>>) target(%dma_start3A_92 : memref<128x128xf32, #tpu.memory_space<hbm>>) target_semaphore(%run_scoped3A : memref<!tpu.dma_semaphore, #tpu.memory_space<semaphore_mem>>)
      %dma_wait3A = arith.constant 0 : i32
      %dma_wait3A_93 = tpu.memref_slice %arg5[%add3A_89, %dma_wait3A] : memref<20480x128xf32, #tpu.memory_space<hbm>> -> memref<128x128xf32, #tpu.memory_space<hbm>>
      %dma_wait3A_94 = arith.constant 0 : i32
      %dma_wait3A_95 = tpu.memref_slice %arg5[%add3A_89, %dma_wait3A_94] : memref<20480x128xf32, #tpu.memory_space<hbm>> -> memref<128x128xf32, #tpu.memory_space<hbm>>
      tpu.wait_dma2 semaphore(%run_scoped3A : memref<!tpu.dma_semaphore, #tpu.memory_space<semaphore_mem>>) src(%arg8 : memref<128x128xf32, #tpu.memory_space<vmem>>) dst(%dma_wait3A_95 : memref<128x128xf32, #tpu.memory_space<hbm>>)
      tpu.yield
    }) : () -> ()
    return
  }
}

#map = affine_map<(d0, d1) -> (0, 0)>
#map1 = affine_map<(d0, d1) -> (0)>
module attributes {stable_mosaic.version = 14 : i64} {
  func.func @_agg_body(%arg0: i32, %arg1: i32, %arg2: memref<20000x128xf32, #tpu.memory_space<hbm>>, %arg3: memref<643072xi32, #tpu.memory_space<hbm>>, %arg4: memref<643072xi32, #tpu.memory_space<hbm>>, %arg5: memref<20480x128xf32, #tpu.memory_space<hbm>>, %arg6: memref<128xi32, #tpu.memory_space<vmem>>, %arg7: memref<128xi32, #tpu.memory_space<vmem>>, %arg8: memref<128x128xf32, #tpu.memory_space<vmem>>, %arg9: memref<10240x128xf32, #tpu.memory_space<vmem_shared>>, %arg10: memref<!tpu.dma_semaphore, #tpu.memory_space<semaphore_mem>>) attributes {dimension_semantics = [#tpu.dimension_semantics<core_parallel>, #tpu.dimension_semantics<subcore_parallel>], iteration_bounds = array<i64: 2, 16>, scalar_prefetch = 0 : i64, scratch_operands = 5 : i64, tpu.core_type = #tpu.core_type<sc_vector_subcore>, window_params = [{transform_indices = #map}, {transform_indices = #map1}, {transform_indices = #map1}, {transform_indices = #map}]} {
    %scan3A = arith.constant 0 : i32
    %scan3A_0 = arith.constant 0 : i32
    %scan3A_1 = arith.constant 128 : i32
    %scan3A_2 = arith.addi %scan3A_0, %scan3A_1 : i32
    %scan3A_3 = arith.constant 1 : i32
    scf.for %scan3A_90 = %scan3A_0 to %scan3A_2 step %scan3A_3  : i32 {
      %broadcast_in_dim3A = arith.constant 0.000000e+00 : f32
      %broadcast_in_dim3A_91 = vector.broadcast %broadcast_in_dim3A : f32 to vector<16xf32>
      %swap3A = arith.index_cast %scan3A_90 : i32 to index
      %swap3A_92 = arith.constant 0 : index
      %swap3A_93 = tpu.vector_load %arg8[%swap3A, %swap3A_92] {strides = array<i32>} : memref<128x128xf32, #tpu.memory_space<vmem>>, vector<1x16xf32>,
      %swap3A_94 = vector.shape_cast %swap3A_93 : vector<1x16xf32> to vector<16xf32>
      %swap3A_95 = vector.shape_cast %broadcast_in_dim3A_91 : vector<16xf32> to vector<1x16xf32>
      tpu.vector_store %arg8[%swap3A, %swap3A_92], %swap3A_95 {strides = array<i32>} : memref<128x128xf32, #tpu.memory_space<vmem>>, vector<1x16xf32>,
      %broadcast_in_dim3A_96 = arith.constant 0.000000e+00 : f32
      %broadcast_in_dim3A_97 = vector.broadcast %broadcast_in_dim3A_96 : f32 to vector<16xf32>
      %swap3A_98 = arith.index_cast %scan3A_90 : i32 to index
      %swap3A_99 = arith.constant 16 : index
      %swap3A_100 = tpu.vector_load %arg8[%swap3A_98, %swap3A_99] {strides = array<i32>} : memref<128x128xf32, #tpu.memory_space<vmem>>, vector<1x16xf32>,
      %swap3A_101 = vector.shape_cast %swap3A_100 : vector<1x16xf32> to vector<16xf32>
      %swap3A_102 = vector.shape_cast %broadcast_in_dim3A_97 : vector<16xf32> to vector<1x16xf32>
      tpu.vector_store %arg8[%swap3A_98, %swap3A_99], %swap3A_102 {strides = array<i32>} : memref<128x128xf32, #tpu.memory_space<vmem>>, vector<1x16xf32>,
      %broadcast_in_dim3A_103 = arith.constant 0.000000e+00 : f32
      %broadcast_in_dim3A_104 = vector.broadcast %broadcast_in_dim3A_103 : f32 to vector<16xf32>
      %swap3A_105 = arith.index_cast %scan3A_90 : i32 to index
      %swap3A_106 = arith.constant 32 : index
      %swap3A_107 = tpu.vector_load %arg8[%swap3A_105, %swap3A_106] {strides = array<i32>} : memref<128x128xf32, #tpu.memory_space<vmem>>, vector<1x16xf32>,
      %swap3A_108 = vector.shape_cast %swap3A_107 : vector<1x16xf32> to vector<16xf32>
      %swap3A_109 = vector.shape_cast %broadcast_in_dim3A_104 : vector<16xf32> to vector<1x16xf32>
      tpu.vector_store %arg8[%swap3A_105, %swap3A_106], %swap3A_109 {strides = array<i32>} : memref<128x128xf32, #tpu.memory_space<vmem>>, vector<1x16xf32>,
      %broadcast_in_dim3A_110 = arith.constant 0.000000e+00 : f32
      %broadcast_in_dim3A_111 = vector.broadcast %broadcast_in_dim3A_110 : f32 to vector<16xf32>
      %swap3A_112 = arith.index_cast %scan3A_90 : i32 to index
      %swap3A_113 = arith.constant 48 : index
      %swap3A_114 = tpu.vector_load %arg8[%swap3A_112, %swap3A_113] {strides = array<i32>} : memref<128x128xf32, #tpu.memory_space<vmem>>, vector<1x16xf32>,
      %swap3A_115 = vector.shape_cast %swap3A_114 : vector<1x16xf32> to vector<16xf32>
      %swap3A_116 = vector.shape_cast %broadcast_in_dim3A_111 : vector<16xf32> to vector<1x16xf32>
      tpu.vector_store %arg8[%swap3A_112, %swap3A_113], %swap3A_116 {strides = array<i32>} : memref<128x128xf32, #tpu.memory_space<vmem>>, vector<1x16xf32>,
      %broadcast_in_dim3A_117 = arith.constant 0.000000e+00 : f32
      %broadcast_in_dim3A_118 = vector.broadcast %broadcast_in_dim3A_117 : f32 to vector<16xf32>
      %swap3A_119 = arith.index_cast %scan3A_90 : i32 to index
      %swap3A_120 = arith.constant 64 : index
      %swap3A_121 = tpu.vector_load %arg8[%swap3A_119, %swap3A_120] {strides = array<i32>} : memref<128x128xf32, #tpu.memory_space<vmem>>, vector<1x16xf32>,
      %swap3A_122 = vector.shape_cast %swap3A_121 : vector<1x16xf32> to vector<16xf32>
      %swap3A_123 = vector.shape_cast %broadcast_in_dim3A_118 : vector<16xf32> to vector<1x16xf32>
      tpu.vector_store %arg8[%swap3A_119, %swap3A_120], %swap3A_123 {strides = array<i32>} : memref<128x128xf32, #tpu.memory_space<vmem>>, vector<1x16xf32>,
      %broadcast_in_dim3A_124 = arith.constant 0.000000e+00 : f32
      %broadcast_in_dim3A_125 = vector.broadcast %broadcast_in_dim3A_124 : f32 to vector<16xf32>
      %swap3A_126 = arith.index_cast %scan3A_90 : i32 to index
      %swap3A_127 = arith.constant 80 : index
      %swap3A_128 = tpu.vector_load %arg8[%swap3A_126, %swap3A_127] {strides = array<i32>} : memref<128x128xf32, #tpu.memory_space<vmem>>, vector<1x16xf32>,
      %swap3A_129 = vector.shape_cast %swap3A_128 : vector<1x16xf32> to vector<16xf32>
      %swap3A_130 = vector.shape_cast %broadcast_in_dim3A_125 : vector<16xf32> to vector<1x16xf32>
      tpu.vector_store %arg8[%swap3A_126, %swap3A_127], %swap3A_130 {strides = array<i32>} : memref<128x128xf32, #tpu.memory_space<vmem>>, vector<1x16xf32>,
      %broadcast_in_dim3A_131 = arith.constant 0.000000e+00 : f32
      %broadcast_in_dim3A_132 = vector.broadcast %broadcast_in_dim3A_131 : f32 to vector<16xf32>
      %swap3A_133 = arith.index_cast %scan3A_90 : i32 to index
      %swap3A_134 = arith.constant 96 : index
      %swap3A_135 = tpu.vector_load %arg8[%swap3A_133, %swap3A_134] {strides = array<i32>} : memref<128x128xf32, #tpu.memory_space<vmem>>, vector<1x16xf32>,
      %swap3A_136 = vector.shape_cast %swap3A_135 : vector<1x16xf32> to vector<16xf32>
      %swap3A_137 = vector.shape_cast %broadcast_in_dim3A_132 : vector<16xf32> to vector<1x16xf32>
      tpu.vector_store %arg8[%swap3A_133, %swap3A_134], %swap3A_137 {strides = array<i32>} : memref<128x128xf32, #tpu.memory_space<vmem>>, vector<1x16xf32>,
      %broadcast_in_dim3A_138 = arith.constant 0.000000e+00 : f32
      %broadcast_in_dim3A_139 = vector.broadcast %broadcast_in_dim3A_138 : f32 to vector<16xf32>
      %swap3A_140 = arith.index_cast %scan3A_90 : i32 to index
      %swap3A_141 = arith.constant 112 : index
      %swap3A_142 = tpu.vector_load %arg8[%swap3A_140, %swap3A_141] {strides = array<i32>} : memref<128x128xf32, #tpu.memory_space<vmem>>, vector<1x16xf32>,
      %swap3A_143 = vector.shape_cast %swap3A_142 : vector<1x16xf32> to vector<16xf32>
      %swap3A_144 = vector.shape_cast %broadcast_in_dim3A_139 : vector<16xf32> to vector<1x16xf32>
      tpu.vector_store %arg8[%swap3A_140, %swap3A_141], %swap3A_144 {strides = array<i32>} : memref<128x128xf32, #tpu.memory_space<vmem>>, vector<1x16xf32>,
    }
    %scan3A_4 = arith.constant 128 : i32
    %mul3A = arith.constant 640 : i32
    %mul3A_5 = arith.muli %arg1, %mul3A : i32
    %add3A = arith.constant 0 : i32
    %add3A_6 = arith.addi %mul3A_5, %add3A : i32
    "tpu.region"() ({
      %run_scoped3A = tpu.sem_alloc : memref<!tpu.dma_semaphore, #tpu.memory_space<semaphore_mem>>
      %dma_start3A = arith.constant 0 : i32
      %dma_start3A_90 = tpu.memref_slice %arg9[%add3A_6, %dma_start3A] : memref<10240x128xf32, #tpu.memory_space<vmem_shared>> -> memref<128x128xf32, #tpu.memory_space<vmem_shared>>
      %dma_start3A_91 = arith.constant 0 : i32
      %dma_start3A_92 = tpu.memref_slice %arg9[%add3A_6, %dma_start3A_91] : memref<10240x128xf32, #tpu.memory_space<vmem_shared>> -> memref<128x128xf32, #tpu.memory_space<vmem_shared>>
      tpu.enqueue_dma source(%arg8 : memref<128x128xf32, #tpu.memory_space<vmem>>) target(%dma_start3A_92 : memref<128x128xf32, #tpu.memory_space<vmem_shared>>) target_semaphore(%run_scoped3A : memref<!tpu.dma_semaphore, #tpu.memory_space<semaphore_mem>>)
      %dma_wait3A = arith.constant 0 : i32
      %dma_wait3A_93 = tpu.memref_slice %arg9[%add3A_6, %dma_wait3A] : memref<10240x128xf32, #tpu.memory_space<vmem_shared>> -> memref<128x128xf32, #tpu.memory_space<vmem_shared>>
      %dma_wait3A_94 = arith.constant 0 : i32
      %dma_wait3A_95 = tpu.memref_slice %arg9[%add3A_6, %dma_wait3A_94] : memref<10240x128xf32, #tpu.memory_space<vmem_shared>> -> memref<128x128xf32, #tpu.memory_space<vmem_shared>>
      tpu.wait_dma2 semaphore(%run_scoped3A : memref<!tpu.dma_semaphore, #tpu.memory_space<semaphore_mem>>) src(%arg8 : memref<128x128xf32, #tpu.memory_space<vmem>>) dst(%dma_wait3A_95 : memref<128x128xf32, #tpu.memory_space<vmem_shared>>)
      tpu.yield
    }) : () -> ()
    %mul3A_7 = arith.constant 640 : i32
    %mul3A_8 = arith.muli %arg1, %mul3A_7 : i32
    %add3A_9 = arith.constant 128 : i32
    %add3A_10 = arith.addi %mul3A_8, %add3A_9 : i32
    "tpu.region"() ({
      %run_scoped3A = tpu.sem_alloc : memref<!tpu.dma_semaphore, #tpu.memory_space<semaphore_mem>>
      %dma_start3A = arith.constant 0 : i32
      %dma_start3A_90 = tpu.memref_slice %arg9[%add3A_10, %dma_start3A] : memref<10240x128xf32, #tpu.memory_space<vmem_shared>> -> memref<128x128xf32, #tpu.memory_space<vmem_shared>>
      %dma_start3A_91 = arith.constant 0 : i32
      %dma_start3A_92 = tpu.memref_slice %arg9[%add3A_10, %dma_start3A_91] : memref<10240x128xf32, #tpu.memory_space<vmem_shared>> -> memref<128x128xf32, #tpu.memory_space<vmem_shared>>
      tpu.enqueue_dma source(%arg8 : memref<128x128xf32, #tpu.memory_space<vmem>>) target(%dma_start3A_92 : memref<128x128xf32, #tpu.memory_space<vmem_shared>>) target_semaphore(%run_scoped3A : memref<!tpu.dma_semaphore, #tpu.memory_space<semaphore_mem>>)
      %dma_wait3A = arith.constant 0 : i32
      %dma_wait3A_93 = tpu.memref_slice %arg9[%add3A_10, %dma_wait3A] : memref<10240x128xf32, #tpu.memory_space<vmem_shared>> -> memref<128x128xf32, #tpu.memory_space<vmem_shared>>
      %dma_wait3A_94 = arith.constant 0 : i32
      %dma_wait3A_95 = tpu.memref_slice %arg9[%add3A_10, %dma_wait3A_94] : memref<10240x128xf32, #tpu.memory_space<vmem_shared>> -> memref<128x128xf32, #tpu.memory_space<vmem_shared>>
      tpu.wait_dma2 semaphore(%run_scoped3A : memref<!tpu.dma_semaphore, #tpu.memory_space<semaphore_mem>>) src(%arg8 : memref<128x128xf32, #tpu.memory_space<vmem>>) dst(%dma_wait3A_95 : memref<128x128xf32, #tpu.memory_space<vmem_shared>>)
      tpu.yield
    }) : () -> ()
    %mul3A_11 = arith.constant 640 : i32
    %mul3A_12 = arith.muli %arg1, %mul3A_11 : i32
    %add3A_13 = arith.constant 256 : i32
    %add3A_14 = arith.addi %mul3A_12, %add3A_13 : i32
    "tpu.region"() ({
      %run_scoped3A = tpu.sem_alloc : memref<!tpu.dma_semaphore, #tpu.memory_space<semaphore_mem>>
      %dma_start3A = arith.constant 0 : i32
      %dma_start3A_90 = tpu.memref_slice %arg9[%add3A_14, %dma_start3A] : memref<10240x128xf32, #tpu.memory_space<vmem_shared>> -> memref<128x128xf32, #tpu.memory_space<vmem_shared>>
      %dma_start3A_91 = arith.constant 0 : i32
      %dma_start3A_92 = tpu.memref_slice %arg9[%add3A_14, %dma_start3A_91] : memref<10240x128xf32, #tpu.memory_space<vmem_shared>> -> memref<128x128xf32, #tpu.memory_space<vmem_shared>>
      tpu.enqueue_dma source(%arg8 : memref<128x128xf32, #tpu.memory_space<vmem>>) target(%dma_start3A_92 : memref<128x128xf32, #tpu.memory_space<vmem_shared>>) target_semaphore(%run_scoped3A : memref<!tpu.dma_semaphore, #tpu.memory_space<semaphore_mem>>)
      %dma_wait3A = arith.constant 0 : i32
      %dma_wait3A_93 = tpu.memref_slice %arg9[%add3A_14, %dma_wait3A] : memref<10240x128xf32, #tpu.memory_space<vmem_shared>> -> memref<128x128xf32, #tpu.memory_space<vmem_shared>>
      %dma_wait3A_94 = arith.constant 0 : i32
      %dma_wait3A_95 = tpu.memref_slice %arg9[%add3A_14, %dma_wait3A_94] : memref<10240x128xf32, #tpu.memory_space<vmem_shared>> -> memref<128x128xf32, #tpu.memory_space<vmem_shared>>
      tpu.wait_dma2 semaphore(%run_scoped3A : memref<!tpu.dma_semaphore, #tpu.memory_space<semaphore_mem>>) src(%arg8 : memref<128x128xf32, #tpu.memory_space<vmem>>) dst(%dma_wait3A_95 : memref<128x128xf32, #tpu.memory_space<vmem_shared>>)
      tpu.yield
    }) : () -> ()
    %mul3A_15 = arith.constant 640 : i32
    %mul3A_16 = arith.muli %arg1, %mul3A_15 : i32
    %add3A_17 = arith.constant 384 : i32
    %add3A_18 = arith.addi %mul3A_16, %add3A_17 : i32
    "tpu.region"() ({
      %run_scoped3A = tpu.sem_alloc : memref<!tpu.dma_semaphore, #tpu.memory_space<semaphore_mem>>
      %dma_start3A = arith.constant 0 : i32
      %dma_start3A_90 = tpu.memref_slice %arg9[%add3A_18, %dma_start3A] : memref<10240x128xf32, #tpu.memory_space<vmem_shared>> -> memref<128x128xf32, #tpu.memory_space<vmem_shared>>
      %dma_start3A_91 = arith.constant 0 : i32
      %dma_start3A_92 = tpu.memref_slice %arg9[%add3A_18, %dma_start3A_91] : memref<10240x128xf32, #tpu.memory_space<vmem_shared>> -> memref<128x128xf32, #tpu.memory_space<vmem_shared>>
      tpu.enqueue_dma source(%arg8 : memref<128x128xf32, #tpu.memory_space<vmem>>) target(%dma_start3A_92 : memref<128x128xf32, #tpu.memory_space<vmem_shared>>) target_semaphore(%run_scoped3A : memref<!tpu.dma_semaphore, #tpu.memory_space<semaphore_mem>>)
      %dma_wait3A = arith.constant 0 : i32
      %dma_wait3A_93 = tpu.memref_slice %arg9[%add3A_18, %dma_wait3A] : memref<10240x128xf32, #tpu.memory_space<vmem_shared>> -> memref<128x128xf32, #tpu.memory_space<vmem_shared>>
      %dma_wait3A_94 = arith.constant 0 : i32
      %dma_wait3A_95 = tpu.memref_slice %arg9[%add3A_18, %dma_wait3A_94] : memref<10240x128xf32, #tpu.memory_space<vmem_shared>> -> memref<128x128xf32, #tpu.memory_space<vmem_shared>>
      tpu.wait_dma2 semaphore(%run_scoped3A : memref<!tpu.dma_semaphore, #tpu.memory_space<semaphore_mem>>) src(%arg8 : memref<128x128xf32, #tpu.memory_space<vmem>>) dst(%dma_wait3A_95 : memref<128x128xf32, #tpu.memory_space<vmem_shared>>)
      tpu.yield
    }) : () -> ()
    %mul3A_19 = arith.constant 640 : i32
    %mul3A_20 = arith.muli %arg1, %mul3A_19 : i32
    %add3A_21 = arith.constant 512 : i32
    %add3A_22 = arith.addi %mul3A_20, %add3A_21 : i32
    "tpu.region"() ({
      %run_scoped3A = tpu.sem_alloc : memref<!tpu.dma_semaphore, #tpu.memory_space<semaphore_mem>>
      %dma_start3A = arith.constant 0 : i32
      %dma_start3A_90 = tpu.memref_slice %arg9[%add3A_22, %dma_start3A] : memref<10240x128xf32, #tpu.memory_space<vmem_shared>> -> memref<128x128xf32, #tpu.memory_space<vmem_shared>>
      %dma_start3A_91 = arith.constant 0 : i32
      %dma_start3A_92 = tpu.memref_slice %arg9[%add3A_22, %dma_start3A_91] : memref<10240x128xf32, #tpu.memory_space<vmem_shared>> -> memref<128x128xf32, #tpu.memory_space<vmem_shared>>
      tpu.enqueue_dma source(%arg8 : memref<128x128xf32, #tpu.memory_space<vmem>>) target(%dma_start3A_92 : memref<128x128xf32, #tpu.memory_space<vmem_shared>>) target_semaphore(%run_scoped3A : memref<!tpu.dma_semaphore, #tpu.memory_space<semaphore_mem>>)
      %dma_wait3A = arith.constant 0 : i32
      %dma_wait3A_93 = tpu.memref_slice %arg9[%add3A_22, %dma_wait3A] : memref<10240x128xf32, #tpu.memory_space<vmem_shared>> -> memref<128x128xf32, #tpu.memory_space<vmem_shared>>
      %dma_wait3A_94 = arith.constant 0 : i32
      %dma_wait3A_95 = tpu.memref_slice %arg9[%add3A_22, %dma_wait3A_94] : memref<10240x128xf32, #tpu.memory_space<vmem_shared>> -> memref<128x128xf32, #tpu.memory_space<vmem_shared>>
      tpu.wait_dma2 semaphore(%run_scoped3A : memref<!tpu.dma_semaphore, #tpu.memory_space<semaphore_mem>>) src(%arg8 : memref<128x128xf32, #tpu.memory_space<vmem>>) dst(%dma_wait3A_95 : memref<128x128xf32, #tpu.memory_space<vmem_shared>>)
      tpu.yield
    }) : () -> ()
    %barrier3A = arith.constant 0 : index
    tpu.barrier barrier_id(%barrier3A)
    %mul3A_23 = arith.constant 321536 : i32
    %mul3A_24 = arith.muli %arg0, %mul3A_23 : i32
    %mul3A_25 = arith.constant 20096 : i32
    %mul3A_26 = arith.muli %arg1, %mul3A_25 : i32
    %add3A_27 = arith.addi %mul3A_24, %mul3A_26 : i32
    %scan3A_28 = arith.constant 0 : i32
    %scan3A_29 = arith.constant 0 : i32
    %scan3A_30 = arith.constant 157 : i32
    %scan3A_31 = arith.addi %scan3A_29, %scan3A_30 : i32
    %scan3A_32 = arith.constant 1 : i32
    scf.for %scan3A_90 = %scan3A_29 to %scan3A_31 step %scan3A_32  : i32 {
      %mul3A_91 = arith.constant 128 : i32
      %mul3A_92 = arith.muli %scan3A_90, %mul3A_91 : i32
      %add3A_93 = arith.addi %add3A_27, %mul3A_92 : i32
      "tpu.region"() ({
        %run_scoped3A = tpu.sem_alloc : memref<!tpu.dma_semaphore, #tpu.memory_space<semaphore_mem>>
        %dma_start3A_98 = tpu.memref_slice %arg3[%add3A_93] : memref<643072xi32, #tpu.memory_space<hbm>> -> memref<128xi32, #tpu.memory_space<hbm>>
        %dma_start3A_99 = tpu.memref_slice %arg3[%add3A_93] : memref<643072xi32, #tpu.memory_space<hbm>> -> memref<128xi32, #tpu.memory_space<hbm>>
        tpu.enqueue_dma source(%dma_start3A_99 : memref<128xi32, #tpu.memory_space<hbm>>) target(%arg6 : memref<128xi32, #tpu.memory_space<vmem>>) target_semaphore(%run_scoped3A : memref<!tpu.dma_semaphore, #tpu.memory_space<semaphore_mem>>)
        %dma_wait3A_100 = tpu.memref_slice %arg3[%add3A_93] : memref<643072xi32, #tpu.memory_space<hbm>> -> memref<128xi32, #tpu.memory_space<hbm>>
        %dma_wait3A_101 = tpu.memref_slice %arg3[%add3A_93] : memref<643072xi32, #tpu.memory_space<hbm>> -> memref<128xi32, #tpu.memory_space<hbm>>
        tpu.wait_dma2 semaphore(%run_scoped3A : memref<!tpu.dma_semaphore, #tpu.memory_space<semaphore_mem>>) src(%dma_wait3A_101 : memref<128xi32, #tpu.memory_space<hbm>>) dst(%arg6 : memref<128xi32, #tpu.memory_space<vmem>>)
        tpu.yield
      }) : () -> ()
      "tpu.region"() ({
        %run_scoped3A = tpu.sem_alloc : memref<!tpu.dma_semaphore, #tpu.memory_space<semaphore_mem>>
        %dma_start3A_98 = tpu.memref_slice %arg4[%add3A_93] : memref<643072xi32, #tpu.memory_space<hbm>> -> memref<128xi32, #tpu.memory_space<hbm>>
        %dma_start3A_99 = tpu.memref_slice %arg4[%add3A_93] : memref<643072xi32, #tpu.memory_space<hbm>> -> memref<128xi32, #tpu.memory_space<hbm>>
        tpu.enqueue_dma source(%dma_start3A_99 : memref<128xi32, #tpu.memory_space<hbm>>) target(%arg7 : memref<128xi32, #tpu.memory_space<vmem>>) target_semaphore(%run_scoped3A : memref<!tpu.dma_semaphore, #tpu.memory_space<semaphore_mem>>)
        %dma_wait3A_100 = tpu.memref_slice %arg4[%add3A_93] : memref<643072xi32, #tpu.memory_space<hbm>> -> memref<128xi32, #tpu.memory_space<hbm>>
        %dma_wait3A_101 = tpu.memref_slice %arg4[%add3A_93] : memref<643072xi32, #tpu.memory_space<hbm>> -> memref<128xi32, #tpu.memory_space<hbm>>
        tpu.wait_dma2 semaphore(%run_scoped3A : memref<!tpu.dma_semaphore, #tpu.memory_space<semaphore_mem>>) src(%dma_wait3A_101 : memref<128xi32, #tpu.memory_space<hbm>>) dst(%arg7 : memref<128xi32, #tpu.memory_space<vmem>>)
        tpu.yield
      }) : () -> ()
      %dma_start3A = arith.constant 0 : i32
      %dma_start3A_94 = arith.constant 0 : i32
      %dma_start3A_95 = tpu.memref_slice %arg2[%dma_start3A, %dma_start3A_94] : memref<20000x128xf32, #tpu.memory_space<hbm>> -> memref<20000x128xf32, #tpu.memory_space<hbm>>
      tpu.enqueue_indirect_dma source(%dma_start3A_95 : memref<20000x128xf32, #tpu.memory_space<hbm>>) target(%arg8 : memref<128x128xf32, #tpu.memory_space<vmem>>) offsets(%arg6 : memref<128xi32, #tpu.memory_space<vmem>>) semaphore(%arg10 : memref<!tpu.dma_semaphore, #tpu.memory_space<semaphore_mem>>)
      %dma_wait3A = arith.constant 0 : i32
      %dma_wait3A_96 = arith.constant 0 : i32
      %dma_wait3A_97 = tpu.memref_slice %arg2[%dma_wait3A, %dma_wait3A_96] : memref<20000x128xf32, #tpu.memory_space<hbm>> -> memref<20000x128xf32, #tpu.memory_space<hbm>>
      tpu.wait_indirect_dma semaphore(%arg10 : memref<!tpu.dma_semaphore, #tpu.memory_space<semaphore_mem>>) src(%dma_wait3A_97 : memref<20000x128xf32, #tpu.memory_space<hbm>>) dst(%arg8 : memref<128x128xf32, #tpu.memory_space<vmem>>)
      "tpu.region"() ({
        %run_scoped3A = tpu.sem_alloc : memref<!tpu.dma_semaphore, #tpu.memory_space<semaphore_mem>>
        %dma_start3A_98 = arith.constant 0 : i32
        %dma_start3A_99 = arith.constant 0 : i32
        %dma_start3A_100 = tpu.memref_slice %arg9[%dma_start3A_98, %dma_start3A_99] : memref<10240x128xf32, #tpu.memory_space<vmem_shared>> -> memref<10240x128xf32, #tpu.memory_space<vmem_shared>>
        tpu.enqueue_indirect_dma source(%arg8 : memref<128x128xf32, #tpu.memory_space<vmem>>) target(%dma_start3A_100 : memref<10240x128xf32, #tpu.memory_space<vmem_shared>>) offsets(%arg7 : memref<128xi32, #tpu.memory_space<vmem>>) semaphore(%run_scoped3A : memref<!tpu.dma_semaphore, #tpu.memory_space<semaphore_mem>>) {add = true}
        %dma_wait3A_101 = arith.constant 0 : i32
        %dma_wait3A_102 = arith.constant 0 : i32
        %dma_wait3A_103 = tpu.memref_slice %arg9[%dma_wait3A_101, %dma_wait3A_102] : memref<10240x128xf32, #tpu.memory_space<vmem_shared>> -> memref<10240x128xf32, #tpu.memory_space<vmem_shared>>
        tpu.wait_indirect_dma semaphore(%run_scoped3A : memref<!tpu.dma_semaphore, #tpu.memory_space<semaphore_mem>>) src(%arg8 : memref<128x128xf32, #tpu.memory_space<vmem>>) dst(%dma_wait3A_103 : memref<10240x128xf32, #tpu.memory_space<vmem_shared>>)
        tpu.yield
      }) : () -> ()
    }
    %scan3A_33 = arith.constant 157 : i32
    %barrier3A_34 = arith.constant 0 : index
    tpu.barrier barrier_id(%barrier3A_34)
    %mul3A_35 = arith.constant 640 : i32
    %mul3A_36 = arith.muli %arg1, %mul3A_35 : i32
    %add3A_37 = arith.constant 0 : i32
    %add3A_38 = arith.addi %mul3A_36, %add3A_37 : i32
    "tpu.region"() ({
      %run_scoped3A = tpu.sem_alloc : memref<!tpu.dma_semaphore, #tpu.memory_space<semaphore_mem>>
      %dma_start3A = arith.constant 0 : i32
      %dma_start3A_90 = tpu.memref_slice %arg9[%add3A_38, %dma_start3A] : memref<10240x128xf32, #tpu.memory_space<vmem_shared>> -> memref<128x128xf32, #tpu.memory_space<vmem_shared>>
      %dma_start3A_91 = arith.constant 0 : i32
      %dma_start3A_92 = tpu.memref_slice %arg9[%add3A_38, %dma_start3A_91] : memref<10240x128xf32, #tpu.memory_space<vmem_shared>> -> memref<128x128xf32, #tpu.memory_space<vmem_shared>>
      tpu.enqueue_dma source(%dma_start3A_92 : memref<128x128xf32, #tpu.memory_space<vmem_shared>>) target(%arg8 : memref<128x128xf32, #tpu.memory_space<vmem>>) target_semaphore(%run_scoped3A : memref<!tpu.dma_semaphore, #tpu.memory_space<semaphore_mem>>)
      %dma_wait3A = arith.constant 0 : i32
      %dma_wait3A_93 = tpu.memref_slice %arg9[%add3A_38, %dma_wait3A] : memref<10240x128xf32, #tpu.memory_space<vmem_shared>> -> memref<128x128xf32, #tpu.memory_space<vmem_shared>>
      %dma_wait3A_94 = arith.constant 0 : i32
      %dma_wait3A_95 = tpu.memref_slice %arg9[%add3A_38, %dma_wait3A_94] : memref<10240x128xf32, #tpu.memory_space<vmem_shared>> -> memref<128x128xf32, #tpu.memory_space<vmem_shared>>
      tpu.wait_dma2 semaphore(%run_scoped3A : memref<!tpu.dma_semaphore, #tpu.memory_space<semaphore_mem>>) src(%dma_wait3A_95 : memref<128x128xf32, #tpu.memory_space<vmem_shared>>) dst(%arg8 : memref<128x128xf32, #tpu.memory_space<vmem>>)
      tpu.yield
    }) : () -> ()
    %mul3A_39 = arith.constant 10240 : i32
    %mul3A_40 = arith.muli %arg0, %mul3A_39 : i32
    %mul3A_41 = arith.constant 640 : i32
    %mul3A_42 = arith.muli %arg1, %mul3A_41 : i32
    %add3A_43 = arith.addi %mul3A_40, %mul3A_42 : i32
    %add3A_44 = arith.constant 0 : i32
    %add3A_45 = arith.addi %add3A_43, %add3A_44 : i32
    "tpu.region"() ({
      %run_scoped3A = tpu.sem_alloc : memref<!tpu.dma_semaphore, #tpu.memory_space<semaphore_mem>>
      %dma_start3A = arith.constant 0 : i32
      %dma_start3A_90 = tpu.memref_slice %arg5[%add3A_45, %dma_start3A] : memref<20480x128xf32, #tpu.memory_space<hbm>> -> memref<128x128xf32, #tpu.memory_space<hbm>>
      %dma_start3A_91 = arith.constant 0 : i32
      %dma_start3A_92 = tpu.memref_slice %arg5[%add3A_45, %dma_start3A_91] : memref<20480x128xf32, #tpu.memory_space<hbm>> -> memref<128x128xf32, #tpu.memory_space<hbm>>
      tpu.enqueue_dma source(%arg8 : memref<128x128xf32, #tpu.memory_space<vmem>>) target(%dma_start3A_92 : memref<128x128xf32, #tpu.memory_space<hbm>>) target_semaphore(%run_scoped3A : memref<!tpu.dma_semaphore, #tpu.memory_space<semaphore_mem>>)
      %dma_wait3A = arith.constant 0 : i32
      %dma_wait3A_93 = tpu.memref_slice %arg5[%add3A_45, %dma_wait3A] : memref<20480x128xf32, #tpu.memory_space<hbm>> -> memref<128x128xf32, #tpu.memory_space<hbm>>
      %dma_wait3A_94 = arith.constant 0 : i32
      %dma_wait3A_95 = tpu.memref_slice %arg5[%add3A_45, %dma_wait3A_94] : memref<20480x128xf32, #tpu.memory_space<hbm>> -> memref<128x128xf32, #tpu.memory_space<hbm>>
      tpu.wait_dma2 semaphore(%run_scoped3A : memref<!tpu.dma_semaphore, #tpu.memory_space<semaphore_mem>>) src(%arg8 : memref<128x128xf32, #tpu.memory_space<vmem>>) dst(%dma_wait3A_95 : memref<128x128xf32, #tpu.memory_space<hbm>>)
      tpu.yield
    }) : () -> ()
    %mul3A_46 = arith.constant 640 : i32
    %mul3A_47 = arith.muli %arg1, %mul3A_46 : i32
    %add3A_48 = arith.constant 128 : i32
    %add3A_49 = arith.addi %mul3A_47, %add3A_48 : i32
    "tpu.region"() ({
      %run_scoped3A = tpu.sem_alloc : memref<!tpu.dma_semaphore, #tpu.memory_space<semaphore_mem>>
      %dma_start3A = arith.constant 0 : i32
      %dma_start3A_90 = tpu.memref_slice %arg9[%add3A_49, %dma_start3A] : memref<10240x128xf32, #tpu.memory_space<vmem_shared>> -> memref<128x128xf32, #tpu.memory_space<vmem_shared>>
      %dma_start3A_91 = arith.constant 0 : i32
      %dma_start3A_92 = tpu.memref_slice %arg9[%add3A_49, %dma_start3A_91] : memref<10240x128xf32, #tpu.memory_space<vmem_shared>> -> memref<128x128xf32, #tpu.memory_space<vmem_shared>>
      tpu.enqueue_dma source(%dma_start3A_92 : memref<128x128xf32, #tpu.memory_space<vmem_shared>>) target(%arg8 : memref<128x128xf32, #tpu.memory_space<vmem>>) target_semaphore(%run_scoped3A : memref<!tpu.dma_semaphore, #tpu.memory_space<semaphore_mem>>)
      %dma_wait3A = arith.constant 0 : i32
      %dma_wait3A_93 = tpu.memref_slice %arg9[%add3A_49, %dma_wait3A] : memref<10240x128xf32, #tpu.memory_space<vmem_shared>> -> memref<128x128xf32, #tpu.memory_space<vmem_shared>>
      %dma_wait3A_94 = arith.constant 0 : i32
      %dma_wait3A_95 = tpu.memref_slice %arg9[%add3A_49, %dma_wait3A_94] : memref<10240x128xf32, #tpu.memory_space<vmem_shared>> -> memref<128x128xf32, #tpu.memory_space<vmem_shared>>
      tpu.wait_dma2 semaphore(%run_scoped3A : memref<!tpu.dma_semaphore, #tpu.memory_space<semaphore_mem>>) src(%dma_wait3A_95 : memref<128x128xf32, #tpu.memory_space<vmem_shared>>) dst(%arg8 : memref<128x128xf32, #tpu.memory_space<vmem>>)
      tpu.yield
    }) : () -> ()
    %mul3A_50 = arith.constant 10240 : i32
    %mul3A_51 = arith.muli %arg0, %mul3A_50 : i32
    %mul3A_52 = arith.constant 640 : i32
    %mul3A_53 = arith.muli %arg1, %mul3A_52 : i32
    %add3A_54 = arith.addi %mul3A_51, %mul3A_53 : i32
    %add3A_55 = arith.constant 128 : i32
    %add3A_56 = arith.addi %add3A_54, %add3A_55 : i32
    "tpu.region"() ({
      %run_scoped3A = tpu.sem_alloc : memref<!tpu.dma_semaphore, #tpu.memory_space<semaphore_mem>>
      %dma_start3A = arith.constant 0 : i32
      %dma_start3A_90 = tpu.memref_slice %arg5[%add3A_56, %dma_start3A] : memref<20480x128xf32, #tpu.memory_space<hbm>> -> memref<128x128xf32, #tpu.memory_space<hbm>>
      %dma_start3A_91 = arith.constant 0 : i32
      %dma_start3A_92 = tpu.memref_slice %arg5[%add3A_56, %dma_start3A_91] : memref<20480x128xf32, #tpu.memory_space<hbm>> -> memref<128x128xf32, #tpu.memory_space<hbm>>
      tpu.enqueue_dma source(%arg8 : memref<128x128xf32, #tpu.memory_space<vmem>>) target(%dma_start3A_92 : memref<128x128xf32, #tpu.memory_space<hbm>>) target_semaphore(%run_scoped3A : memref<!tpu.dma_semaphore, #tpu.memory_space<semaphore_mem>>)
      %dma_wait3A = arith.constant 0 : i32
      %dma_wait3A_93 = tpu.memref_slice %arg5[%add3A_56, %dma_wait3A] : memref<20480x128xf32, #tpu.memory_space<hbm>> -> memref<128x128xf32, #tpu.memory_space<hbm>>
      %dma_wait3A_94 = arith.constant 0 : i32
      %dma_wait3A_95 = tpu.memref_slice %arg5[%add3A_56, %dma_wait3A_94] : memref<20480x128xf32, #tpu.memory_space<hbm>> -> memref<128x128xf32, #tpu.memory_space<hbm>>
      tpu.wait_dma2 semaphore(%run_scoped3A : memref<!tpu.dma_semaphore, #tpu.memory_space<semaphore_mem>>) src(%arg8 : memref<128x128xf32, #tpu.memory_space<vmem>>) dst(%dma_wait3A_95 : memref<128x128xf32, #tpu.memory_space<hbm>>)
      tpu.yield
    }) : () -> ()
    %mul3A_57 = arith.constant 640 : i32
    %mul3A_58 = arith.muli %arg1, %mul3A_57 : i32
    %add3A_59 = arith.constant 256 : i32
    %add3A_60 = arith.addi %mul3A_58, %add3A_59 : i32
    "tpu.region"() ({
      %run_scoped3A = tpu.sem_alloc : memref<!tpu.dma_semaphore, #tpu.memory_space<semaphore_mem>>
      %dma_start3A = arith.constant 0 : i32
      %dma_start3A_90 = tpu.memref_slice %arg9[%add3A_60, %dma_start3A] : memref<10240x128xf32, #tpu.memory_space<vmem_shared>> -> memref<128x128xf32, #tpu.memory_space<vmem_shared>>
      %dma_start3A_91 = arith.constant 0 : i32
      %dma_start3A_92 = tpu.memref_slice %arg9[%add3A_60, %dma_start3A_91] : memref<10240x128xf32, #tpu.memory_space<vmem_shared>> -> memref<128x128xf32, #tpu.memory_space<vmem_shared>>
      tpu.enqueue_dma source(%dma_start3A_92 : memref<128x128xf32, #tpu.memory_space<vmem_shared>>) target(%arg8 : memref<128x128xf32, #tpu.memory_space<vmem>>) target_semaphore(%run_scoped3A : memref<!tpu.dma_semaphore, #tpu.memory_space<semaphore_mem>>)
      %dma_wait3A = arith.constant 0 : i32
      %dma_wait3A_93 = tpu.memref_slice %arg9[%add3A_60, %dma_wait3A] : memref<10240x128xf32, #tpu.memory_space<vmem_shared>> -> memref<128x128xf32, #tpu.memory_space<vmem_shared>>
      %dma_wait3A_94 = arith.constant 0 : i32
      %dma_wait3A_95 = tpu.memref_slice %arg9[%add3A_60, %dma_wait3A_94] : memref<10240x128xf32, #tpu.memory_space<vmem_shared>> -> memref<128x128xf32, #tpu.memory_space<vmem_shared>>
      tpu.wait_dma2 semaphore(%run_scoped3A : memref<!tpu.dma_semaphore, #tpu.memory_space<semaphore_mem>>) src(%dma_wait3A_95 : memref<128x128xf32, #tpu.memory_space<vmem_shared>>) dst(%arg8 : memref<128x128xf32, #tpu.memory_space<vmem>>)
      tpu.yield
    }) : () -> ()
    %mul3A_61 = arith.constant 10240 : i32
    %mul3A_62 = arith.muli %arg0, %mul3A_61 : i32
    %mul3A_63 = arith.constant 640 : i32
    %mul3A_64 = arith.muli %arg1, %mul3A_63 : i32
    %add3A_65 = arith.addi %mul3A_62, %mul3A_64 : i32
    %add3A_66 = arith.constant 256 : i32
    %add3A_67 = arith.addi %add3A_65, %add3A_66 : i32
    "tpu.region"() ({
      %run_scoped3A = tpu.sem_alloc : memref<!tpu.dma_semaphore, #tpu.memory_space<semaphore_mem>>
      %dma_start3A = arith.constant 0 : i32
      %dma_start3A_90 = tpu.memref_slice %arg5[%add3A_67, %dma_start3A] : memref<20480x128xf32, #tpu.memory_space<hbm>> -> memref<128x128xf32, #tpu.memory_space<hbm>>
      %dma_start3A_91 = arith.constant 0 : i32
      %dma_start3A_92 = tpu.memref_slice %arg5[%add3A_67, %dma_start3A_91] : memref<20480x128xf32, #tpu.memory_space<hbm>> -> memref<128x128xf32, #tpu.memory_space<hbm>>
      tpu.enqueue_dma source(%arg8 : memref<128x128xf32, #tpu.memory_space<vmem>>) target(%dma_start3A_92 : memref<128x128xf32, #tpu.memory_space<hbm>>) target_semaphore(%run_scoped3A : memref<!tpu.dma_semaphore, #tpu.memory_space<semaphore_mem>>)
      %dma_wait3A = arith.constant 0 : i32
      %dma_wait3A_93 = tpu.memref_slice %arg5[%add3A_67, %dma_wait3A] : memref<20480x128xf32, #tpu.memory_space<hbm>> -> memref<128x128xf32, #tpu.memory_space<hbm>>
      %dma_wait3A_94 = arith.constant 0 : i32
      %dma_wait3A_95 = tpu.memref_slice %arg5[%add3A_67, %dma_wait3A_94] : memref<20480x128xf32, #tpu.memory_space<hbm>> -> memref<128x128xf32, #tpu.memory_space<hbm>>
      tpu.wait_dma2 semaphore(%run_scoped3A : memref<!tpu.dma_semaphore, #tpu.memory_space<semaphore_mem>>) src(%arg8 : memref<128x128xf32, #tpu.memory_space<vmem>>) dst(%dma_wait3A_95 : memref<128x128xf32, #tpu.memory_space<hbm>>)
      tpu.yield
    }) : () -> ()
    %mul3A_68 = arith.constant 640 : i32
    %mul3A_69 = arith.muli %arg1, %mul3A_68 : i32
    %add3A_70 = arith.constant 384 : i32
    %add3A_71 = arith.addi %mul3A_69, %add3A_70 : i32
    "tpu.region"() ({
      %run_scoped3A = tpu.sem_alloc : memref<!tpu.dma_semaphore, #tpu.memory_space<semaphore_mem>>
      %dma_start3A = arith.constant 0 : i32
      %dma_start3A_90 = tpu.memref_slice %arg9[%add3A_71, %dma_start3A] : memref<10240x128xf32, #tpu.memory_space<vmem_shared>> -> memref<128x128xf32, #tpu.memory_space<vmem_shared>>
      %dma_start3A_91 = arith.constant 0 : i32
      %dma_start3A_92 = tpu.memref_slice %arg9[%add3A_71, %dma_start3A_91] : memref<10240x128xf32, #tpu.memory_space<vmem_shared>> -> memref<128x128xf32, #tpu.memory_space<vmem_shared>>
      tpu.enqueue_dma source(%dma_start3A_92 : memref<128x128xf32, #tpu.memory_space<vmem_shared>>) target(%arg8 : memref<128x128xf32, #tpu.memory_space<vmem>>) target_semaphore(%run_scoped3A : memref<!tpu.dma_semaphore, #tpu.memory_space<semaphore_mem>>)
      %dma_wait3A = arith.constant 0 : i32
      %dma_wait3A_93 = tpu.memref_slice %arg9[%add3A_71, %dma_wait3A] : memref<10240x128xf32, #tpu.memory_space<vmem_shared>> -> memref<128x128xf32, #tpu.memory_space<vmem_shared>>
      %dma_wait3A_94 = arith.constant 0 : i32
      %dma_wait3A_95 = tpu.memref_slice %arg9[%add3A_71, %dma_wait3A_94] : memref<10240x128xf32, #tpu.memory_space<vmem_shared>> -> memref<128x128xf32, #tpu.memory_space<vmem_shared>>
      tpu.wait_dma2 semaphore(%run_scoped3A : memref<!tpu.dma_semaphore, #tpu.memory_space<semaphore_mem>>) src(%dma_wait3A_95 : memref<128x128xf32, #tpu.memory_space<vmem_shared>>) dst(%arg8 : memref<128x128xf32, #tpu.memory_space<vmem>>)
      tpu.yield
    }) : () -> ()
    %mul3A_72 = arith.constant 10240 : i32
    %mul3A_73 = arith.muli %arg0, %mul3A_72 : i32
    %mul3A_74 = arith.constant 640 : i32
    %mul3A_75 = arith.muli %arg1, %mul3A_74 : i32
    %add3A_76 = arith.addi %mul3A_73, %mul3A_75 : i32
    %add3A_77 = arith.constant 384 : i32
    %add3A_78 = arith.addi %add3A_76, %add3A_77 : i32
    "tpu.region"() ({
      %run_scoped3A = tpu.sem_alloc : memref<!tpu.dma_semaphore, #tpu.memory_space<semaphore_mem>>
      %dma_start3A = arith.constant 0 : i32
      %dma_start3A_90 = tpu.memref_slice %arg5[%add3A_78, %dma_start3A] : memref<20480x128xf32, #tpu.memory_space<hbm>> -> memref<128x128xf32, #tpu.memory_space<hbm>>
      %dma_start3A_91 = arith.constant 0 : i32
      %dma_start3A_92 = tpu.memref_slice %arg5[%add3A_78, %dma_start3A_91] : memref<20480x128xf32, #tpu.memory_space<hbm>> -> memref<128x128xf32, #tpu.memory_space<hbm>>
      tpu.enqueue_dma source(%arg8 : memref<128x128xf32, #tpu.memory_space<vmem>>) target(%dma_start3A_92 : memref<128x128xf32, #tpu.memory_space<hbm>>) target_semaphore(%run_scoped3A : memref<!tpu.dma_semaphore, #tpu.memory_space<semaphore_mem>>)
      %dma_wait3A = arith.constant 0 : i32
      %dma_wait3A_93 = tpu.memref_slice %arg5[%add3A_78, %dma_wait3A] : memref<20480x128xf32, #tpu.memory_space<hbm>> -> memref<128x128xf32, #tpu.memory_space<hbm>>
      %dma_wait3A_94 = arith.constant 0 : i32
      %dma_wait3A_95 = tpu.memref_slice %arg5[%add3A_78, %dma_wait3A_94] : memref<20480x128xf32, #tpu.memory_space<hbm>> -> memref<128x128xf32, #tpu.memory_space<hbm>>
      tpu.wait_dma2 semaphore(%run_scoped3A : memref<!tpu.dma_semaphore, #tpu.memory_space<semaphore_mem>>) src(%arg8 : memref<128x128xf32, #tpu.memory_space<vmem>>) dst(%dma_wait3A_95 : memref<128x128xf32, #tpu.memory_space<hbm>>)
      tpu.yield
    }) : () -> ()
    %mul3A_79 = arith.constant 640 : i32
    %mul3A_80 = arith.muli %arg1, %mul3A_79 : i32
    %add3A_81 = arith.constant 512 : i32
    %add3A_82 = arith.addi %mul3A_80, %add3A_81 : i32
    "tpu.region"() ({
      %run_scoped3A = tpu.sem_alloc : memref<!tpu.dma_semaphore, #tpu.memory_space<semaphore_mem>>
      %dma_start3A = arith.constant 0 : i32
      %dma_start3A_90 = tpu.memref_slice %arg9[%add3A_82, %dma_start3A] : memref<10240x128xf32, #tpu.memory_space<vmem_shared>> -> memref<128x128xf32, #tpu.memory_space<vmem_shared>>
      %dma_start3A_91 = arith.constant 0 : i32
      %dma_start3A_92 = tpu.memref_slice %arg9[%add3A_82, %dma_start3A_91] : memref<10240x128xf32, #tpu.memory_space<vmem_shared>> -> memref<128x128xf32, #tpu.memory_space<vmem_shared>>
      tpu.enqueue_dma source(%dma_start3A_92 : memref<128x128xf32, #tpu.memory_space<vmem_shared>>) target(%arg8 : memref<128x128xf32, #tpu.memory_space<vmem>>) target_semaphore(%run_scoped3A : memref<!tpu.dma_semaphore, #tpu.memory_space<semaphore_mem>>)
      %dma_wait3A = arith.constant 0 : i32
      %dma_wait3A_93 = tpu.memref_slice %arg9[%add3A_82, %dma_wait3A] : memref<10240x128xf32, #tpu.memory_space<vmem_shared>> -> memref<128x128xf32, #tpu.memory_space<vmem_shared>>
      %dma_wait3A_94 = arith.constant 0 : i32
      %dma_wait3A_95 = tpu.memref_slice %arg9[%add3A_82, %dma_wait3A_94] : memref<10240x128xf32, #tpu.memory_space<vmem_shared>> -> memref<128x128xf32, #tpu.memory_space<vmem_shared>>
      tpu.wait_dma2 semaphore(%run_scoped3A : memref<!tpu.dma_semaphore, #tpu.memory_space<semaphore_mem>>) src(%dma_wait3A_95 : memref<128x128xf32, #tpu.memory_space<vmem_shared>>) dst(%arg8 : memref<128x128xf32, #tpu.memory_space<vmem>>)
      tpu.yield
    }) : () -> ()
    %mul3A_83 = arith.constant 10240 : i32
    %mul3A_84 = arith.muli %arg0, %mul3A_83 : i32
    %mul3A_85 = arith.constant 640 : i32
    %mul3A_86 = arith.muli %arg1, %mul3A_85 : i32
    %add3A_87 = arith.addi %mul3A_84, %mul3A_86 : i32
    %add3A_88 = arith.constant 512 : i32
    %add3A_89 = arith.addi %add3A_87, %add3A_88 : i32
    "tpu.region"() ({
      %run_scoped3A = tpu.sem_alloc : memref<!tpu.dma_semaphore, #tpu.memory_space<semaphore_mem>>
      %dma_start3A = arith.constant 0 : i32
      %dma_start3A_90 = tpu.memref_slice %arg5[%add3A_89, %dma_start3A] : memref<20480x128xf32, #tpu.memory_space<hbm>> -> memref<128x128xf32, #tpu.memory_space<hbm>>
      %dma_start3A_91 = arith.constant 0 : i32
      %dma_start3A_92 = tpu.memref_slice %arg5[%add3A_89, %dma_start3A_91] : memref<20480x128xf32, #tpu.memory_space<hbm>> -> memref<128x128xf32, #tpu.memory_space<hbm>>
      tpu.enqueue_dma source(%arg8 : memref<128x128xf32, #tpu.memory_space<vmem>>) target(%dma_start3A_92 : memref<128x128xf32, #tpu.memory_space<hbm>>) target_semaphore(%run_scoped3A : memref<!tpu.dma_semaphore, #tpu.memory_space<semaphore_mem>>)
      %dma_wait3A = arith.constant 0 : i32
      %dma_wait3A_93 = tpu.memref_slice %arg5[%add3A_89, %dma_wait3A] : memref<20480x128xf32, #tpu.memory_space<hbm>> -> memref<128x128xf32, #tpu.memory_space<hbm>>
      %dma_wait3A_94 = arith.constant 0 : i32
      %dma_wait3A_95 = tpu.memref_slice %arg5[%add3A_89, %dma_wait3A_94] : memref<20480x128xf32, #tpu.memory_space<hbm>> -> memref<128x128xf32, #tpu.memory_space<hbm>>
      tpu.wait_dma2 semaphore(%run_scoped3A : memref<!tpu.dma_semaphore, #tpu.memory_space<semaphore_mem>>) src(%arg8 : memref<128x128xf32, #tpu.memory_space<vmem>>) dst(%dma_wait3A_95 : memref<128x128xf32, #tpu.memory_space<hbm>>)
      tpu.yield
    }) : () -> ()
    return
  }
}

module attributes {stable_mosaic.version = 14 : i64} {
  func.func @_prescale_body(%arg0: i32, %arg1: i32, %arg2: memref<1x2000x128xf32, #tpu.memory_space<vmem>>, %arg3: memref<1x2000x1xf32, #tpu.memory_space<vmem>>, %arg4: memref<1x2000x128xf32, #tpu.memory_space<vmem>>) attributes {dimension_semantics = [#tpu.dimension_semantics<arbitrary>, #tpu.dimension_semantics<arbitrary>], iteration_bounds = array<i64: 2, 5>, scalar_prefetch = 0 : i64, scratch_operands = 0 : i64, tpu.core_type = #tpu.core_type<tc>, window_params = [{transform_indices = @transform_0, window_bounds = array<i64: 1, 2000, 128>}, {transform_indices = @transform_1, window_bounds = array<i64: 1, 2000, 1>}, {transform_indices = @transform_2, window_bounds = array<i64: 1, 2000, 128>}]} {
    %get3A = arith.constant 0 : index
    %get3A_0 = arith.constant 0 : index
    %get3A_1 = arith.constant 0 : index
    %get3A_2 = vector.load %arg2[%get3A, %get3A_0, %get3A_1] : memref<1x2000x128xf32, #tpu.memory_space<vmem>>, vector<1x2000x128xf32>
    %get3A_3 = vector.shape_cast %get3A_2 : vector<1x2000x128xf32> to vector<2000x128xf32>
    %get3A_4 = arith.constant 0 : index
    %get3A_5 = arith.constant 0 : index
    %get3A_6 = arith.constant 0 : index
    %get3A_7 = vector.load %arg3[%get3A_4, %get3A_5, %get3A_6] : memref<1x2000x1xf32, #tpu.memory_space<vmem>>, vector<1x2000x1xf32>
    %get3A_8 = vector.shape_cast %get3A_7 : vector<1x2000x1xf32> to vector<2000x1xf32>
    %gt3A = arith.constant 0.000000e+00 : f32
    %gt3A_9 = vector.broadcast %gt3A : f32 to vector<2000x1xf32>
    %gt3A_10 = arith.cmpf ogt, %get3A_8, %gt3A_9 : vector<2000x1xf32>
    %jit3A = arith.constant 1.000000e+00 : f32
    %broadcast_in_dim3A = vector.broadcast %jit3A : f32 to vector<2000x1xf32>
    %select_n3A = arith.select %gt3A_10, %get3A_8, %broadcast_in_dim3A : vector<2000x1xi1>, vector<2000x1xf32>
    %rsqrt3A = math.rsqrt %select_n3A : vector<2000x1xf32>
    %mul3A = vector.broadcast %rsqrt3A : vector<2000x1xf32> to vector<2000x128xf32>
    %mul3A_11 = arith.mulf %get3A_3, %mul3A : vector<2000x128xf32>
    %swap3A = arith.constant 0 : index
    %swap3A_12 = arith.constant 0 : index
    %swap3A_13 = arith.constant 0 : index
    %swap3A_14 = vector.load %arg4[%swap3A, %swap3A_12, %swap3A_13] : memref<1x2000x128xf32, #tpu.memory_space<vmem>>, vector<1x2000x128xf32>
    %swap3A_15 = vector.shape_cast %swap3A_14 : vector<1x2000x128xf32> to vector<2000x128xf32>
    %swap3A_16 = vector.shape_cast %mul3A_11 : vector<2000x128xf32> to vector<1x2000x128xf32>
    tpu.vector_store %arg4[%swap3A, %swap3A_12, %swap3A_13], %swap3A_16 {strides = array<i32>} : memref<1x2000x128xf32, #tpu.memory_space<vmem>>, vector<1x2000x128xf32>,
    return
  }
  func.func @transform_0(%arg0: i32, %arg1: i32) -> (i32, i32, i32) {
    %c0_i32 = arith.constant 0 : i32
    %c0_i32_0 = arith.constant 0 : i32
    return %arg0, %arg1, %c0_i32 : i32, i32, i32
  }
  func.func @transform_1(%arg0: i32, %arg1: i32) -> (i32, i32, i32) {
    %c0_i32 = arith.constant 0 : i32
    %c0_i32_0 = arith.constant 0 : i32
    return %arg0, %arg1, %c0_i32 : i32, i32, i32
  }
  func.func @transform_2(%arg0: i32, %arg1: i32) -> (i32, i32, i32) {
    %c0_i32 = arith.constant 0 : i32
    %c0_i32_0 = arith.constant 0 : i32
    return %arg0, %arg1, %c0_i32 : i32, i32, i32
  }
}

module attributes {stable_mosaic.version = 14 : i64} {
  func.func @_dense_mid_body(%arg0: i32, %arg1: i32, %arg2: memref<1x2000x128xf32, #tpu.memory_space<vmem>>, %arg3: memref<1x2000x1xf32, #tpu.memory_space<vmem>>, %arg4: memref<1x2000x1xf32, #tpu.memory_space<vmem>>, %arg5: memref<128x128xf32, #tpu.memory_space<vmem>>, %arg6: memref<1x128xf32, #tpu.memory_space<vmem>>, %arg7: memref<1x2000x128xf32, #tpu.memory_space<vmem>>) attributes {dimension_semantics = [#tpu.dimension_semantics<arbitrary>, #tpu.dimension_semantics<arbitrary>], iteration_bounds = array<i64: 2, 5>, scalar_prefetch = 0 : i64, scratch_operands = 0 : i64, tpu.core_type = #tpu.core_type<tc>, window_params = [{transform_indices = @transform_0, window_bounds = array<i64: 1, 2000, 128>}, {transform_indices = @transform_1, window_bounds = array<i64: 1, 2000, 1>}, {transform_indices = @transform_2, window_bounds = array<i64: 1, 2000, 1>}, {pipeline_mode = #tpu.pipeline_mode<synchronous>, transform_indices = @transform_3, window_bounds = array<i64: 128, 128>}, {pipeline_mode = #tpu.pipeline_mode<synchronous>, transform_indices = @transform_4, window_bounds = array<i64: 1, 128>}, {transform_indices = @transform_5, window_bounds = array<i64: 1, 2000, 128>}]} {
    %get3A = arith.constant 0 : index
    %get3A_0 = arith.constant 0 : index
    %get3A_1 = arith.constant 0 : index
    %get3A_2 = vector.load %arg2[%get3A, %get3A_0, %get3A_1] : memref<1x2000x128xf32, #tpu.memory_space<vmem>>, vector<1x2000x128xf32>
    %get3A_3 = vector.shape_cast %get3A_2 : vector<1x2000x128xf32> to vector<2000x128xf32>
    %get3A_4 = arith.constant 0 : index
    %get3A_5 = arith.constant 0 : index
    %get3A_6 = arith.constant 0 : index
    %get3A_7 = vector.load %arg3[%get3A_4, %get3A_5, %get3A_6] : memref<1x2000x1xf32, #tpu.memory_space<vmem>>, vector<1x2000x1xf32>
    %get3A_8 = vector.shape_cast %get3A_7 : vector<1x2000x1xf32> to vector<2000x1xf32>
    %gt3A = arith.constant 0.000000e+00 : f32
    %gt3A_9 = vector.broadcast %gt3A : f32 to vector<2000x1xf32>
    %gt3A_10 = arith.cmpf ogt, %get3A_8, %gt3A_9 : vector<2000x1xf32>
    %jit3A = arith.constant 1.000000e+00 : f32
    %broadcast_in_dim3A = vector.broadcast %jit3A : f32 to vector<2000x1xf32>
    %select_n3A = arith.select %gt3A_10, %get3A_8, %broadcast_in_dim3A : vector<2000x1xi1>, vector<2000x1xf32>
    %rsqrt3A = math.rsqrt %select_n3A : vector<2000x1xf32>
    %mul3A = vector.broadcast %rsqrt3A : vector<2000x1xf32> to vector<2000x128xf32>
    %mul3A_11 = arith.mulf %get3A_3, %mul3A : vector<2000x128xf32>
    %get3A_12 = arith.constant 0 : index
    %get3A_13 = arith.constant 0 : index
    %get3A_14 = vector.load %arg5[%get3A_12, %get3A_13] : memref<128x128xf32, #tpu.memory_space<vmem>>, vector<128x128xf32>
    %dot_general3A = arith.constant dense<0.000000e+00> : vector<2000x128xf32>
    %dot_general3A_15 = tpu.matmul %mul3A_11, %get3A_14, %dot_general3A {dimension_numbers = #tpu.dot_dimension_numbers<[1], [0], [0], [1], [0, 0, 1, 1], [], []>, transpose_lhs_hint = false} : vector<2000x128xf32>, vector<128x128xf32>, vector<2000x128xf32> -> vector<2000x128xf32>
    %get3A_16 = arith.constant 0 : index
    %get3A_17 = arith.constant 0 : index
    %get3A_18 = vector.load %arg6[%get3A_16, %get3A_17] : memref<1x128xf32, #tpu.memory_space<vmem>>, vector<1x128xf32>
    %add3A = vector.broadcast %get3A_18 : vector<1x128xf32> to vector<2000x128xf32>
    %add3A_19 = arith.addf %dot_general3A_15, %add3A : vector<2000x128xf32>
    %max3A = arith.constant 0.000000e+00 : f32
    %max3A_20 = vector.broadcast %max3A : f32 to vector<2000x128xf32>
    %max3A_21 = arith.maximumf %add3A_19, %max3A_20 : vector<2000x128xf32>
    %get3A_22 = arith.constant 0 : index
    %get3A_23 = arith.constant 0 : index
    %get3A_24 = arith.constant 0 : index
    %get3A_25 = vector.load %arg4[%get3A_22, %get3A_23, %get3A_24] : memref<1x2000x1xf32, #tpu.memory_space<vmem>>, vector<1x2000x1xf32>
    %get3A_26 = vector.shape_cast %get3A_25 : vector<1x2000x1xf32> to vector<2000x1xf32>
    %gt3A_27 = arith.constant 0.000000e+00 : f32
    %gt3A_28 = vector.broadcast %gt3A_27 : f32 to vector<2000x1xf32>
    %gt3A_29 = arith.cmpf ogt, %get3A_26, %gt3A_28 : vector<2000x1xf32>
    %jit3A_30 = arith.constant 1.000000e+00 : f32
    %broadcast_in_dim3A_31 = vector.broadcast %jit3A_30 : f32 to vector<2000x1xf32>
    %select_n3A_32 = arith.select %gt3A_29, %get3A_26, %broadcast_in_dim3A_31 : vector<2000x1xi1>, vector<2000x1xf32>
    %rsqrt3A_33 = math.rsqrt %select_n3A_32 : vector<2000x1xf32>
    %mul3A_34 = vector.broadcast %rsqrt3A_33 : vector<2000x1xf32> to vector<2000x128xf32>
    %mul3A_35 = arith.mulf %max3A_21, %mul3A_34 : vector<2000x128xf32>
    %swap3A = arith.constant 0 : index
    %swap3A_36 = arith.constant 0 : index
    %swap3A_37 = arith.constant 0 : index
    %swap3A_38 = vector.load %arg7[%swap3A, %swap3A_36, %swap3A_37] : memref<1x2000x128xf32, #tpu.memory_space<vmem>>, vector<1x2000x128xf32>
    %swap3A_39 = vector.shape_cast %swap3A_38 : vector<1x2000x128xf32> to vector<2000x128xf32>
    %swap3A_40 = vector.shape_cast %mul3A_35 : vector<2000x128xf32> to vector<1x2000x128xf32>
    tpu.vector_store %arg7[%swap3A, %swap3A_36, %swap3A_37], %swap3A_40 {strides = array<i32>} : memref<1x2000x128xf32, #tpu.memory_space<vmem>>, vector<1x2000x128xf32>,
    return
  }
  func.func @transform_0(%arg0: i32, %arg1: i32) -> (i32, i32, i32) {
    %c0_i32 = arith.constant 0 : i32
    %c0_i32_0 = arith.constant 0 : i32
    return %arg0, %arg1, %c0_i32 : i32, i32, i32
  }
  func.func @transform_1(%arg0: i32, %arg1: i32) -> (i32, i32, i32) {
    %c0_i32 = arith.constant 0 : i32
    %c0_i32_0 = arith.constant 0 : i32
    return %arg0, %arg1, %c0_i32 : i32, i32, i32
  }
  func.func @transform_2(%arg0: i32, %arg1: i32) -> (i32, i32, i32) {
    %c0_i32 = arith.constant 0 : i32
    %c0_i32_0 = arith.constant 0 : i32
    return %arg0, %arg1, %c0_i32 : i32, i32, i32
  }
  func.func @transform_3(%arg0: i32, %arg1: i32) -> (i32, i32) {
    %c0_i32 = arith.constant 0 : i32
    %c0_i32_0 = arith.constant 0 : i32
    %c0_i32_1 = arith.constant 0 : i32
    return %c0_i32, %c0_i32_0 : i32, i32
  }
  func.func @transform_4(%arg0: i32, %arg1: i32) -> (i32, i32) {
    %c0_i32 = arith.constant 0 : i32
    %c0_i32_0 = arith.constant 0 : i32
    %c0_i32_1 = arith.constant 0 : i32
    return %c0_i32, %c0_i32_0 : i32, i32
  }
  func.func @transform_5(%arg0: i32, %arg1: i32) -> (i32, i32, i32) {
    %c0_i32 = arith.constant 0 : i32
    %c0_i32_0 = arith.constant 0 : i32
    return %arg0, %arg1, %c0_i32 : i32, i32, i32
  }
}

module attributes {stable_mosaic.version = 14 : i64} {
  func.func @_dense_out_body(%arg0: i32, %arg1: i32, %arg2: memref<1x2000x128xf32, #tpu.memory_space<vmem>>, %arg3: memref<1x2000x1xf32, #tpu.memory_space<vmem>>, %arg4: memref<128x128xf32, #tpu.memory_space<vmem>>, %arg5: memref<1x128xf32, #tpu.memory_space<vmem>>, %arg6: memref<1x2000x128xf32, #tpu.memory_space<vmem>>) attributes {dimension_semantics = [#tpu.dimension_semantics<arbitrary>, #tpu.dimension_semantics<arbitrary>], iteration_bounds = array<i64: 2, 5>, scalar_prefetch = 0 : i64, scratch_operands = 0 : i64, tpu.core_type = #tpu.core_type<tc>, window_params = [{transform_indices = @transform_0, window_bounds = array<i64: 1, 2000, 128>}, {transform_indices = @transform_1, window_bounds = array<i64: 1, 2000, 1>}, {pipeline_mode = #tpu.pipeline_mode<synchronous>, transform_indices = @transform_2, window_bounds = array<i64: 128, 128>}, {pipeline_mode = #tpu.pipeline_mode<synchronous>, transform_indices = @transform_3, window_bounds = array<i64: 1, 128>}, {transform_indices = @transform_4, window_bounds = array<i64: 1, 2000, 128>}]} {
    %get3A = arith.constant 0 : index
    %get3A_0 = arith.constant 0 : index
    %get3A_1 = arith.constant 0 : index
    %get3A_2 = vector.load %arg2[%get3A, %get3A_0, %get3A_1] : memref<1x2000x128xf32, #tpu.memory_space<vmem>>, vector<1x2000x128xf32>
    %get3A_3 = vector.shape_cast %get3A_2 : vector<1x2000x128xf32> to vector<2000x128xf32>
    %get3A_4 = arith.constant 0 : index
    %get3A_5 = arith.constant 0 : index
    %get3A_6 = arith.constant 0 : index
    %get3A_7 = vector.load %arg3[%get3A_4, %get3A_5, %get3A_6] : memref<1x2000x1xf32, #tpu.memory_space<vmem>>, vector<1x2000x1xf32>
    %get3A_8 = vector.shape_cast %get3A_7 : vector<1x2000x1xf32> to vector<2000x1xf32>
    %gt3A = arith.constant 0.000000e+00 : f32
    %gt3A_9 = vector.broadcast %gt3A : f32 to vector<2000x1xf32>
    %gt3A_10 = arith.cmpf ogt, %get3A_8, %gt3A_9 : vector<2000x1xf32>
    %jit3A = arith.constant 1.000000e+00 : f32
    %broadcast_in_dim3A = vector.broadcast %jit3A : f32 to vector<2000x1xf32>
    %select_n3A = arith.select %gt3A_10, %get3A_8, %broadcast_in_dim3A : vector<2000x1xi1>, vector<2000x1xf32>
    %rsqrt3A = math.rsqrt %select_n3A : vector<2000x1xf32>
    %mul3A = vector.broadcast %rsqrt3A : vector<2000x1xf32> to vector<2000x128xf32>
    %mul3A_11 = arith.mulf %get3A_3, %mul3A : vector<2000x128xf32>
    %get3A_12 = arith.constant 0 : index
    %get3A_13 = arith.constant 0 : index
    %get3A_14 = vector.load %arg4[%get3A_12, %get3A_13] : memref<128x128xf32, #tpu.memory_space<vmem>>, vector<128x128xf32>
    %dot_general3A = arith.constant dense<0.000000e+00> : vector<2000x128xf32>
    %dot_general3A_15 = tpu.matmul %mul3A_11, %get3A_14, %dot_general3A {dimension_numbers = #tpu.dot_dimension_numbers<[1], [0], [0], [1], [0, 0, 1, 1], [], []>, transpose_lhs_hint = false} : vector<2000x128xf32>, vector<128x128xf32>, vector<2000x128xf32> -> vector<2000x128xf32>
    %get3A_16 = arith.constant 0 : index
    %get3A_17 = arith.constant 0 : index
    %get3A_18 = vector.load %arg5[%get3A_16, %get3A_17] : memref<1x128xf32, #tpu.memory_space<vmem>>, vector<1x128xf32>
    %add3A = vector.broadcast %get3A_18 : vector<1x128xf32> to vector<2000x128xf32>
    %add3A_19 = arith.addf %dot_general3A_15, %add3A : vector<2000x128xf32>
    %mul3A_20 = arith.mulf %add3A_19, %add3A_19 : vector<2000x128xf32>
    %reduce_sum3A = arith.constant dense<0.000000e+00> : vector<2000xf32>
    %reduce_sum3A_21 = vector.multi_reduction <add>, %mul3A_20, %reduce_sum3A [1] : vector<2000x128xf32> to vector<2000xf32>
    %broadcast_in_dim3A_22 = vector.shape_cast %reduce_sum3A_21 : vector<2000xf32> to vector<2000x1xf32>
    %sqrt3A = math.sqrt %broadcast_in_dim3A_22 : vector<2000x1xf32>
    %max3A = arith.constant 9.99999996E-13 : f32
    %max3A_23 = vector.broadcast %max3A : f32 to vector<2000x1xf32>
    %max3A_24 = arith.maximumf %sqrt3A, %max3A_23 : vector<2000x1xf32>
    %div3A = vector.broadcast %max3A_24 : vector<2000x1xf32> to vector<2000x128xf32>
    %div3A_25 = arith.divf %add3A_19, %div3A : vector<2000x128xf32>
    %swap3A = arith.constant 0 : index
    %swap3A_26 = arith.constant 0 : index
    %swap3A_27 = arith.constant 0 : index
    %swap3A_28 = vector.load %arg6[%swap3A, %swap3A_26, %swap3A_27] : memref<1x2000x128xf32, #tpu.memory_space<vmem>>, vector<1x2000x128xf32>
    %swap3A_29 = vector.shape_cast %swap3A_28 : vector<1x2000x128xf32> to vector<2000x128xf32>
    %swap3A_30 = vector.shape_cast %div3A_25 : vector<2000x128xf32> to vector<1x2000x128xf32>
    tpu.vector_store %arg6[%swap3A, %swap3A_26, %swap3A_27], %swap3A_30 {strides = array<i32>} : memref<1x2000x128xf32, #tpu.memory_space<vmem>>, vector<1x2000x128xf32>,
    return
  }
  func.func @transform_0(%arg0: i32, %arg1: i32) -> (i32, i32, i32) {
    %c0_i32 = arith.constant 0 : i32
    %c0_i32_0 = arith.constant 0 : i32
    return %arg0, %arg1, %c0_i32 : i32, i32, i32
  }
  func.func @transform_1(%arg0: i32, %arg1: i32) -> (i32, i32, i32) {
    %c0_i32 = arith.constant 0 : i32
    %c0_i32_0 = arith.constant 0 : i32
    return %arg0, %arg1, %c0_i32 : i32, i32, i32
  }
  func.func @transform_2(%arg0: i32, %arg1: i32) -> (i32, i32) {
    %c0_i32 = arith.constant 0 : i32
    %c0_i32_0 = arith.constant 0 : i32
    %c0_i32_1 = arith.constant 0 : i32
    return %c0_i32, %c0_i32_0 : i32, i32
  }
  func.func @transform_3(%arg0: i32, %arg1: i32) -> (i32, i32) {
    %c0_i32 = arith.constant 0 : i32
    %c0_i32_0 = arith.constant 0 : i32
    %c0_i32_1 = arith.constant 0 : i32
    return %c0_i32, %c0_i32_0 : i32, i32
  }
  func.func @transform_4(%arg0: i32, %arg1: i32) -> (i32, i32, i32) {
    %c0_i32 = arith.constant 0 : i32
    %c0_i32_0 = arith.constant 0 : i32
    return %arg0, %arg1, %c0_i32 : i32, i32, i32
  }
}

</mosaic_0001>

<sc_bundles>
// kernel: kernel.11.cloned.1.call-start
scs
__scs_entry_jumppad:
0x0: {  	(pc) =	sbr.rel $0x88, $3  }
0x1: {  	(tag) =	ssettag $0x0;
	lr =	simm.s32 $0x1  }
0x2: {  	[smem:$0x3F99] =	sst lr;
	_ =	strace $0xD0000000  }
0x3: {  	_ = 	snop  }
0x4: {  	_ = 	snop  }
0x5: {  	_ = 	snop  }
0x6: {  	_ = 	snop  }
0x7: {  	_ = 	snop  }
__scs_overlays_trampoline_lowered:
0x8: {  	[smem:$0x3FA8] =	sst s0  }
0x9: {  	[smem:$0x3FA9] =	sst s1  }
0xa: {  	[smem:$0x3FAA] =	sst s2  }
0xb: {  	[smem:$0x3FAB] =	sst s3  }
0xc: {  	[smem:$0x3FAC] =	sst s4  }
0xd: {  	[smem:$0x3FAD] =	sst s5  }
0xe: {  	[smem:$0x3FAE] =	sst s6  }
0xf: {  	[smem:$0x3FAF] =	sst s7  }
0x10: {  	[smem:$0x3FB0] =	sst s8  }
0x11: {  	[smem:$0x3FB1] =	sst s9;
	s0 =	simm.s32 @!p0 $0x0  }
0x12: {  	s1 =	sld [smem:$0x3F97];
	s0 =	simm.s32 @p0 $0x1  }
0x13: {  	[smem:$0x3FB2] =	sst s0;
	s0 =	simm.s32 @!p1 $0x0  }
0x14: {  	s2 =	sld [smem:$0x3F96];
	s0 =	simm.s32 @p1 $0x1  }
0x15: {  	[smem:$0x3FB3] =	sst s0;
	s0 =	simm.s32 @!p2 $0x0  }
0x16: {  	s3 =	sld [smem:$0x3FDB];
	s0 =	simm.s32 @p2 $0x1  }
0x17: {  	s4 =	simm.s32 $0x1BF5;
	[smem:$0x3FB5] =	sst s0  }
0x18: {  	s0 =	sld [smem:$0x3F98];
	_ =	swait.ge [sflag:s4], $0x0  }
0x19: {  	s7 =	sld [smem:$0x3F99]  }
0x1a: {  	s8 =	sadd.s32 $0xFFFFE003, lr  }
0x1b: {  	s9 =	sadd.s32 $0xFFFFFEF7, lr;
	s5 =	simm.s32 $0xFFFFFFFF;
	p2 =	slt.u32 s8, $0xFFFFF086  }
0x1c: {  	p1 =	slt.u32 s9, $0xF7A;
	s5 =	simm.s32 @!p2 $0x0  }
0x1d: {  	s5 =	simm.s32 @p1 $0x1;
	p0 =	seq.s32 s7, s2  }
0x1e: {  	s7 =	smul.u32 @!p0 $0xF7A, s2;
	p2 =	seq.s32 @!p0 s5, $0x0  }
0x1f: {  	s9 =	smul.u32 $0xF7A, s1;
	s8 =	simm.s32 @!p0 $0x1BF5;
	p2 =	por !p2, p0  }
0x20: {  	[sflag:s8] =	ssyncset.s32 @!p0 $0xFFFFF086;
	s6 =	sadd.s32 @!p0 s3, s7;
	s7 =	simm.s32 @!p0 $0x108  }
0x21: {  	s3 =	sadd.s32 s3, s9;
	s6 =	sadd.s32 @!p0 $0x88, s6;
	s7 =	simm.s32 @p2 $0x1082  }
0x22: {  	[simem:s7], [sflag:s8] =	dma.local @!p0 [hbm:s6], $0xF7A  }
0x23: {  	s9 =	sor.u32 $0xD0000000, s2;
	s6 =	simm.s32 $0x108;
	_ =	swait.ge @!p0 [sflag:s8], $0x0  }
0x24: {  	s3 =	sadd.s32 $0x88, s3;
	s6 =	simm.s32 @!p1 $0x1082;
	[sflag:s4] =	ssyncset.s32 $0xFFFFF086  }
0x25: {  	[simem:s6], [sflag:s4] =	dma.local [hbm:s3], $0xF7A  }
0x26: {  	[smem:$0x3F99] =	sst s1;
	(tag) =	ssettag s2;
	_ =	strace s9  }
0x27: {  	s1 =	sld [smem:$0x3FA9]  }
0x28: {  	s2 =	sld [smem:$0x3FAA]  }
0x29: {  	s4 =	sld [smem:$0x3FAC]  }
0x2a: {  	p0 =	seq.s32 s5, $0x0;
	s5 =	sld [smem:$0x3FAD]  }
0x2b: {  	s6 =	sld [smem:$0x3FAE]  }
0x2c: {  	s7 =	sld [smem:$0x3FAF]  }
0x2d: {  	s3 =	simm.s32 $0x108;
	s8 =	sld [smem:$0x3FB0]  }
0x2e: {  	s3 =	simm.s32 @!p0 $0x1082;
	s9 =	sld [smem:$0x3FB1]  }
0x2f: {  	lr =	sadd.s32 s0, s3;
	s0 =	sld [smem:$0x3FA8]  }
0x30: {  	s3 =	sld [smem:$0x3FAB]  }
0x31: {  	[smem:$0x3FB4] =	sst s10  }
0x32: {  	s10 =	sld [smem:$0x3FB2];
	_ =	sdelay $0x3  }
0x33: {  	p0 =	seq.s32 s10, $0x1;
	s10 =	sld [smem:$0x3FB4];
	_ =	sdelay $0x3  }
0x34: {  	[smem:$0x3FB4] =	sst s10  }
0x35: {  	s10 =	sld [smem:$0x3FB3];
	_ =	sdelay $0x3  }
0x36: {  	p1 =	seq.s32 s10, $0x1;
	s10 =	sld [smem:$0x3FB4];
	_ =	sdelay $0x3  }
0x37: {  	[smem:$0x3FB4] =	sst s10  }
0x38: {  	s10 =	sld [smem:$0x3FB5]  }
0x39: {  	_ = 	snop;
	(pc) =	sbr.ind lr, $3  }
0x3a: {  	_ = 	snop  }
0x3b: {  	_ = 	snop  }
0x3c: {  	p2 =	seq.s32 s10, $0x1;
	s10 =	sld [smem:$0x3FB4]  }
0x3d: {  	_ =	shalt  }
0x3e: {  	_ =	shalt  }
0x3f: {  	_ =	shalt  }
0x40: {  	_ =	shalt  }
0x41: {  	_ =	shalt  }
0x42: {  	_ =	shalt  }
0x43: {  	_ =	shalt  }
0x44: {  	_ =	shalt  }
0x45: {  	_ =	shalt  }
0x46: {  	_ =	shalt  }
0x47: {  	_ =	shalt  }
0x48: {  	_ =	shalt  }
0x49: {  	_ =	shalt  }
0x4a: {  	_ =	shalt  }
0x4b: {  	_ =	shalt  }
0x4c: {  	_ =	shalt  }
0x4d: {  	_ =	shalt  }
0x4e: {  	_ =	shalt  }
0x4f: {  	_ =	shalt  }
0x50: {  	_ =	shalt  }
0x51: {  	_ =	shalt  }
0x52: {  	_ =	shalt  }
0x53: {  	_ =	shalt  }
0x54: {  	_ =	shalt  }
0x55: {  	_ =	shalt  }
0x56: {  	_ =	shalt  }
0x57: {  	_ =	shalt  }
0x58: {  	_ =	shalt  }
0x59: {  	_ =	shalt  }
0x5a: {  	_ =	shalt  }
0x5b: {  	_ =	shalt  }
0x5c: {  	_ =	shalt  }
0x5d: {  	_ =	shalt  }
0x5e: {  	_ =	shalt  }
0x5f: {  	_ =	shalt  }
0x60: {  	_ =	shalt  }
0x61: {  	_ =	shalt  }
0x62: {  	_ =	shalt  }
0x63: {  	_ =	shalt  }
0x64: {  	_ =	shalt  }
0x65: {  	_ =	shalt  }
0x66: {  	_ =	shalt  }
0x67: {  	_ =	shalt  }
0x68: {  	_ =	shalt  }
0x69: {  	_ =	shalt  }
0x6a: {  	_ =	shalt  }
0x6b: {  	_ =	shalt  }
0x6c: {  	_ =	shalt  }
0x6d: {  	_ =	shalt  }
0x6e: {  	_ =	shalt  }
0x6f: {  	_ =	shalt  }
0x70: {  	_ =	shalt  }
0x71: {  	_ =	shalt  }
0x72: {  	_ =	shalt  }
0x73: {  	_ =	shalt  }
0x74: {  	_ =	shalt  }
0x75: {  	_ =	shalt  }
0x76: {  	_ =	shalt  }
0x77: {  	_ =	shalt  }
0x78: {  	_ =	shalt  }
0x79: {  	_ =	shalt  }
0x7a: {  	_ =	shalt  }
0x7b: {  	_ =	shalt  }
0x7c: {  	_ =	shalt  }
0x7d: {  	_ =	shalt  }
0x7e: {  	_ =	shalt  }
0x7f: {  	_ =	shalt  }
0x80: {  	_ =	shalt  }
0x81: {  	_ =	shalt  }
0x82: {  	_ =	shalt  }
0x83: {  	_ =	shalt  }
0x84: {  	_ =	shalt  }
0x85: {  	_ =	shalt  }
0x86: {  	_ =	shalt  }
0x87: {  	_ =	shalt  }
.Lfunc_end0:
.L_simem_size_0:
called_computation.1_lowered:
.L_overlay_start_0:
0x88: {  	s2 =	sld [smem:$0x3FD9]  }
0x89: {  	s3 =	sld [smem:$0x3FFE];
	_ =	sdelay $0x1  }
0x8a: {  	s1 =	srdreg.scid  }
0x8b: {  	s0 =	sand.u32 $0x1, s1  }
0x8c: {  	s14 =	sshll.u32 s0, $0xA;
	s2 =	sadd.s32 s3, s2  }
0x8d: {  	s2 =	sadd.s32 s2, s14  }
0x8e: {  	[smem:$0x3FC0] =	sst s2  }
0x8f: {  	_ = 	snop  }
0x90: {  	s2 =	sld [smem:$0x3FD0];
	_ =	sdelay $0x2  }
0x91: {  	s15 =	simm.s32 $0xA;
	s4 =	simm.s32 $0x10  }
0x92: {  	[smem:s4], [sflag:s15] =	dma.local [hbm:s2], $0x1  }
0x93: {  	_ =	swait.eq [sflag:s15], $0x1  }
0x94: {  	[sflag:s15] =	ssyncset.done $0x0  }
0x95: {  	s16 =	sld [smem:$0x10];
	[sflag:s15] =	ssyncadd.s32 $0xFFFFFFFF  }
0x96: {  	s17 =	sld [smem:$0x11];
	(tm) =	ssettm $0x1  }
0x97: {  	s18 =	sld [smem:$0x3FFB];
	_ =	sdelay $0x3  }
0x98: {  	_ =	strace s18  }
0x99: {  	s4 =	sld [smem:$0x3FFC];
	_ =	sdelay $0x3  }
0x9a: {  	_ =	strace s4  }
0x9b: {  	s4 =	sld [smem:$0x3FFD];
	_ =	sdelay $0x3  }
0x9c: {  	_ =	strace s4  }
0x9d: {  	_ =	strace $0x8FFFFFFF  }
0x9e: {  	s19 =	sld [smem:$0x3FDB];
	_ =	sdelay $0x1  }
0x9f: {  	s5 =	simm.s32 $_scs_section_size  }
0xa0: {  	s6 =	simm.s32 $_size__tile_overlayer_lowered;
	s7 =	simm.s32 $_tile_overlayer_lowered  }
0xa1: {  	s22 =	simm.s32 $0x1BFF;
	s21 =	sshll.u32 s7, $0x1;
	s4 =	sadd.s32 s5, s19  }
0xa2: {  	s8 =	simm.s32 $0x0;
	s20 =	sshll.u32 s6, $0x1;
	s6 =	sadd.s32 s21, s4  }
0xa3: {  	[timem:s8], [sflag:s22] =	dma.local [hbm:s6], s20  }
0xa4: {  	_ =	swait.ge [sflag:s22], s20  }
0xa5: {  	s5 =	ssub.s32 $0x0, s20;
	[sflag:s22] =	ssyncset.done $0x0  }
0xa6: {  	[sflag:s22] =	ssyncadd.s32 s5;
	_ =	sdelay $0x1  }
0xa7: {  	s23 =	simm.s32 $0x1B8B  }
0xa8: {  	_ =	swait.ge [sflag:s23], $0x1  }
0xa9: {  	[sflag:s23] =	ssyncset.done $0x0  }
0xaa: {  	s25 =	simm.s32 $0x1B8E;
	s24 =	sld [smem:$0x3FFE];
	[sflag:s23] =	ssyncadd.s32 $0xFFFFFFFF  }
0xab: {  	s26 =	simm.s32 $execute0_lowered;
	[smem:$0x3FD2] =	sst s25  }
0xac: {  	s6 =	sshll.u32 s26, $0x1;
	_ =	strace $0x80000049;
	[dreg:$0x1] =	wrdreg $0xFFFFFFFF  }
0xad: {  	s28 =	simm.s32 $_size_execute0_lowered;
	s4 =	sadd.s32 s4, s6;
	[dreg:$0x0] =	wrdreg $0x0  }
0xae: {  	s6 =	sshll.u32 s28, $0x1;
	[dreg:$0x2] =	wrdreg s4  }
0xaf: {  	[dreg:$0x3] =	wrdreg s6  }
0xb0: {  	[dreg:$0x4] =	wrdreg $0xC0  }
0xb1: {  	_ =	task [dreg:s8], $0x5FFFF  }
0xb2: {  	[dreg:$0x1] =	wrdreg $0xFFFFFFFF  }
0xb3: {  	[dreg:$0x0] =	wrdreg $0x60  }
0xb4: {  	[dreg:$0x2] =	wrdreg s24  }
0xb5: {  	[dreg:$0x3] =	wrdreg s16  }
0xb6: {  	[dreg:$0x4] =	wrdreg s17  }
0xb7: {  	[dreg:$0x5] =	wrdreg $0x41000  }
0xb8: {  	[dreg:$0x6] =	wrdreg $0x9  }
0xb9: {  	_ =	task.clear_ibuf [dreg:s8], $0x7FFFF;
	_ =	strace $0x90000049  }
0xba: {  	s29 =	simm.s32 $0x9;
	_ =	strace $0x8000004B  }
0xbb: {  	_ =	swait.ge [sflag:s29], $0x1  }
0xbc: {  	[sflag:s29] =	ssyncadd.s32 $0xFFFFFFFF  }
0xbd: {  	_ =	strace $0x9000004B  }
0xbe: {  	_ =	sfence  }
0xbf: {  	s30 =	sld [smem:$0x0];
	_ =	sdelay $0x2  }
0xc0: {  	s31 =	sshll.u32 s1, $0xD;
	s1 =	sshrl.u32 s1, $0x2  }
0xc1: {  	s3 =	sand.u32 $0x4000, s31;
	s1 =	sadd.s32 s1, s30  }
0xc2: {  	s0 =	sor.u32 s3, s0;
	s1 =	sshll.u32 s1, $0x11  }
0xc3: {  	s0 =	sor.u32 s1, s0  }
0xc4: {  	s0 =	sadd.s32 $0x8F2B, s0  }
0xc5: {  	[sflag:s0] =	ssyncadd.remote.s32 $0x1  }
0xc6: {  	_ =	sfence.sel $0xFFFF  }
0xc7: {  	[dreg:$0x0] =	wrdreg $0xFFFFFFFF;
	(pc) =	sbr.abs _section_cstart, $3  }
0xc8: {  	[dreg:$0x1] =	wrdreg $0xFFFFFFFF  }
0xc9: {  	_ =	task.clear_ibuf [dreg:s8], $0x2FFFF;
	_ =	strace $0x9FFFFFFF  }
0xca: {  	(tm) =	ssettm $0x7FFFFFFF  }
0xcb: {  	_ =	shalt  }
tec
execute0_lowered:
.L_overlay_start_1:
0x0: {  	(tag) =	ssettag $0x1  }
0x1: {  	s5 =	rddreg [dreg:$0x0]  }
0x2: {  	s17 =	rddreg [dreg:$0x1];
	s1 =	srdreg.scid  }
0x3: {  	s0 =	stileid.u32;
	s16 =	rddreg [dreg:$0x2]  }
0x4: {  	s2 =	rddreg [dreg:$0x3];
	s3 =	simm.s32 $0x0;
	s4 =	smul.u32 $0x280, s0  }
0x5: {  	s19 =	simm.s32 $0x2;
	s20 =	simm.s32 $0x80;
	s8 =	smul.u32 $0x50000, s0  }
0x6: {  	s21 =	simm.s32 $0x1;
	s6 =	sand.u32 $0x1, s1;
	s13 =	smul.u32 $0x4E80, s0  }
0x7: {  	s22 =	simm.s32 $0x0;
	s1 =	rddreg [dreg:$0x4];
	s7 =	smul.u32 $0x2800, s6  }
0x8: {  	[smem:$0x7FF] =	sst s3;
	s29 =	ssub.s32 $0x2, s6;
	s12 =	smul.u32 $0x4E800, s6  }
0x9: {  	_ =	strace $0x8000004A;
	s30 =	sshrl.u32 s8, $0x2;
	s31 =	sshrl.u32 s29, $0x1  }
0xa: {  	s7 =	sadd.s32 s4, s7;
	s4 =	sadd.s32 $0x4F600, s5;
	s18 =	sadd.s32 s13, s12  }
0xb: {  	s15 =	ssub.s32 s29, s31;
	s7 =	sshll.u32 s7, $0x4;
	s18 =	sshrl.u32 s18, $0x3  }
0xc: {  	s15 =	smax.u32 s15, $0x1;
	s14 =	sadd.s32 s7, s5;
	s5 =	sadd.s32 s30, s2  }
0xd: {  	s16 =	sadd.s32 s18, s16;
	s17 =	sadd.s32 s18, s17;
	s18 =	simm.s32 $0x100  }
0xe: {  	s6 =	sadd.s32 $0x4000, s5;
	s7 =	sadd.s32 $0x8000, s5;
	s8 =	sadd.s32 $0xC000, s5  }
0xf: {  	s9 =	sadd.s32 $0x10000, s5;
	s10 =	sadd.s32 $0x9D800, s14;
	s11 =	sadd.s32 $0x9E000, s14  }
0x10: {  	v0 =	vimm.f32 $0.0e+00;
	s12 =	sadd.s32 $0x9E800, s14;
	s13 =	sadd.s32 $0x9F000, s14;
	s14 =	sadd.s32 $0x9F800, s14  }
.LBB2_1:
0x11: {  	s23 =	simm.s32 $0x0;
	s24 =	simm.s32 $0x200  }
.LBB2_2:
0x12: {  	p0 =	sne.s32 s24, $0xFE00;
	[tilespmem:s23+$0x170] =	vst v0  }
0x13: {  	[tilespmem:s23+$0x100] =	vst v0  }
0x14: {  	[tilespmem:s23+$0x110] =	vst v0  }
.Ltmp0:
0x15: {  	[tilespmem:s23+$0x120] =	vst v0;
	(pc) =	sbr.rel @p0 .LBB2_2-.Ltmp0, $4  }
0x16: {  	[tilespmem:s23+$0x130] =	vst v0  }
0x17: {  	[tilespmem:s23+$0x140] =	vst v0  }
0x18: {  	[tilespmem:s23+$0x150] =	vst v0  }
0x19: {  	[tilespmem:s23+$0x160] =	vst v0;
	s23 =	sshra.s32 s24, $0x2;
	s24 =	sadd.s32 $0x200, s24  }
0x1a: {  	[tilespmem:s23+$0x170] =	vst v0  }
0x1b: {  	[tilespmem:s23+$0x100] =	vst v0  }
0x1c: {  	[tilespmem:s23+$0x110] =	vst v0  }
0x1d: {  	[tilespmem:s23+$0x120] =	vst v0  }
0x1e: {  	[tilespmem:s23+$0x130] =	vst v0  }
0x1f: {  	[tilespmem:s23+$0x140] =	vst v0  }
0x20: {  	[tilespmem:s23+$0x150] =	vst v0  }
0x21: {  	[tilespmem:s23+$0x160] =	vst v0  }
0x22: {  	[spmem:s5] =	stream.linear.scatter [tilespmem:s18], [sflag:$0x2], $0x4000, $0x38;
	[tilespmem:$0x18100] =	vst v63  }
0x23: {  	_ =	swait.ge [sflag:s19], $0x4000  }
0x24: {  	[sflag:s19] =	ssyncset.done $0x0  }
0x25: {  	[sflag:s19] =	ssyncadd.s32 $0xFFFFC000  }
0x26: {  	[spmem:s6] =	stream.linear.scatter [tilespmem:s18], [sflag:$0x2], $0x4000, $0x38;
	[tilespmem:$0x18100] =	vst v63  }
0x27: {  	_ =	swait.ge [sflag:s19], $0x4000  }
0x28: {  	[sflag:s19] =	ssyncset.done $0x0  }
0x29: {  	[sflag:s19] =	ssyncadd.s32 $0xFFFFC000  }
0x2a: {  	[spmem:s7] =	stream.linear.scatter [tilespmem:s18], [sflag:$0x2], $0x4000, $0x38;
	[tilespmem:$0x18100] =	vst v63  }
0x2b: {  	_ =	swait.ge [sflag:s19], $0x4000  }
0x2c: {  	[sflag:s19] =	ssyncset.done $0x0  }
0x2d: {  	[sflag:s19] =	ssyncadd.s32 $0xFFFFC000  }
0x2e: {  	[spmem:s8] =	stream.linear.scatter [tilespmem:s18], [sflag:$0x2], $0x4000, $0x38;
	[tilespmem:$0x18100] =	vst v63  }
0x2f: {  	_ =	swait.ge [sflag:s19], $0x4000  }
0x30: {  	[sflag:s19] =	ssyncset.done $0x0  }
0x31: {  	[sflag:s19] =	ssyncadd.s32 $0xFFFFC000  }
0x32: {  	[spmem:s9] =	stream.linear.scatter [tilespmem:s18], [sflag:$0x2], $0x4000, $0x38;
	[tilespmem:$0x18100] =	vst v63  }
0x33: {  	_ =	swait.ge [sflag:s19], $0x4000  }
0x34: {  	[sflag:s19] =	ssyncset.done $0x0  }
0x35: {  	[sflag:s19] =	ssyncadd.s32 $0xFFFFC000  }
0x36: {  	s30 =	sadd.s32 $0x0, s17;
	[bflag:$0x0] =	sbarrier.arrive $0xFFFF  }
0x37: {  	[tilespmem:s3], [sflag:$0x2] =	stream.linear.gather [hbm4b:s30+s3], $0x80, $0x38;
	[tilespmem:$0x18100] =	vst v63  }
0x38: {  	_ =	swait.ge [sflag:s19], $0x80  }
0x39: {  	[sflag:s19] =	ssyncset.done $0x0  }
0x3a: {  	s31 =	sadd.s32 $0x0, s16;
	[sflag:s19] =	ssyncadd.s32 $0xFFFFFF80  }
0x3b: {  	[tilespmem:s20], [sflag:$0x2] =	stream.linear.gather [hbm4b:s31+s3], $0x80, $0x38;
	[tilespmem:$0x18100] =	vst v63  }
0x3c: {  	_ =	swait.ge [sflag:s19], $0x80  }
0x3d: {  	[sflag:s19] =	ssyncset.done $0x0  }
0x3e: {  	[sflag:s19] =	ssyncadd.s32 $0xFFFFFF80  }
0x3f: {  	[tilespmem:s18], [sflag:$0x1] =	stream.indirect.gather [hbm4b:s4+s20], $0x80, s3, s20, $0xb8;
	[tilespmem:$0x18100] =	vst v63  }
0x40: {  	_ =	swait.ge [sflag:s21], $0x4000  }
0x41: {  	[sflag:s21] =	ssyncset.done $0x0  }
0x42: {  	[sflag:s21] =	ssyncadd.s32 $0xFFFFC000  }
0x43: {  	[spmem:s2] =	stream.indirect.scatter.add.f32 [tilespmem:s18], [sflag:$0x2], $0x80, s20, s20, $0xb8;
	[tilespmem:$0x18100] =	vst v63  }
0x44: {  	_ =	swait.ge [sflag:s19], $0x4000  }
0x45: {  	s23 =	simm.s32 $0x10;
	s24 =	simm.s32 $0x20;
	[sflag:s19] =	ssyncset.done $0x0  }
.LBB2_4:
0x46: {  	s25 =	sadd.s32 s23, s17  }
0x47: {  	[sflag:s19] =	ssyncadd.s32 $0xFFFFC000;
	s26 =	smov.u32 s24;
	s28 =	sadd.s32 $0x10, s24  }
0x48: {  	[tilespmem:s3], [sflag:$0x2] =	stream.linear.gather [hbm4b:s25+s3], $0x80, $0x38;
	[tilespmem:$0x18100] =	vst v63  }
0x49: {  	p0 =	sne.s32 s24, $0x9C0;
	_ =	swait.ge [sflag:s19], $0x80  }
0x4a: {  	[sflag:s19] =	ssyncset.done $0x0  }
0x4b: {  	s24 =	sadd.s32 s23, s16;
	s23 =	smov.u32 s26;
	[sflag:s19] =	ssyncadd.s32 $0xFFFFFF80  }
0x4c: {  	[tilespmem:s20], [sflag:$0x2] =	stream.linear.gather [hbm4b:s24+s3], $0x80, $0x38;
	[tilespmem:$0x18100] =	vst v63  }
0x4d: {  	_ =	swait.ge [sflag:s19], $0x80  }
0x4e: {  	[sflag:s19] =	ssyncset.done $0x0  }
0x4f: {  	[sflag:s19] =	ssyncadd.s32 $0xFFFFFF80  }
0x50: {  	[tilespmem:s18], [sflag:$0x1] =	stream.indirect.gather [hbm4b:s4+s20], $0x80, s3, s20, $0xb8;
	[tilespmem:$0x18100] =	vst v63  }
0x51: {  	_ =	swait.ge [sflag:s21], $0x4000  }
.Ltmp1:
0x52: {  	[sflag:s21] =	ssyncset.done $0x0;
	(pc) =	sbr.rel @p0 .LBB2_4-.Ltmp1, $4  }
0x53: {  	[sflag:s21] =	ssyncadd.s32 $0xFFFFC000  }
0x54: {  	[spmem:s2] =	stream.indirect.scatter.add.f32 [tilespmem:s18], [sflag:$0x2], $0x80, s20, s20, $0xb8;
	[tilespmem:$0x18100] =	vst v63  }
0x55: {  	_ =	swait.ge [sflag:s19], $0x4000  }
0x56: {  	s24 =	smov.u32 s28;
	[sflag:s19] =	ssyncset.done $0x0  }
0x57: {  	s24 =	sadd.s32 s23, s17;
	[sflag:s19] =	ssyncadd.s32 $0xFFFFC000  }
0x58: {  	[tilespmem:s3], [sflag:$0x2] =	stream.linear.gather [hbm4b:s24+s3], $0x80, $0x38;
	[tilespmem:$0x18100] =	vst v63  }
0x59: {  	_ =	swait.ge [sflag:s19], $0x80  }
0x5a: {  	[sflag:s19] =	ssyncset.done $0x0  }
0x5b: {  	s31 =	sadd.s32 s23, s16;
	[sflag:s19] =	ssyncadd.s32 $0xFFFFFF80  }
0x5c: {  	[tilespmem:s20], [sflag:$0x2] =	stream.linear.gather [hbm4b:s31+s3], $0x80, $0x38;
	[tilespmem:$0x18100] =	vst v63  }
0x5d: {  	_ =	swait.ge [sflag:s19], $0x80  }
0x5e: {  	[sflag:s19] =	ssyncset.done $0x0  }
0x5f: {  	[sflag:s19] =	ssyncadd.s32 $0xFFFFFF80  }
0x60: {  	[tilespmem:s18], [sflag:$0x1] =	stream.indirect.gather [hbm4b:s4+s20], $0x80, s3, s20, $0xb8;
	[tilespmem:$0x18100] =	vst v63  }
0x61: {  	_ =	swait.ge [sflag:s21], $0x4000  }
0x62: {  	[sflag:s21] =	ssyncset.done $0x0  }
0x63: {  	[sflag:s21] =	ssyncadd.s32 $0xFFFFC000  }
0x64: {  	[spmem:s2] =	stream.indirect.scatter.add.f32 [tilespmem:s18], [sflag:$0x2], $0x80, s20, s20, $0xb8;
	[tilespmem:$0x18100] =	vst v63  }
0x65: {  	_ =	swait.ge [sflag:s19], $0x4000  }
0x66: {  	[sflag:s19] =	ssyncset.done $0x0  }
0x67: {  	[sflag:s19] =	ssyncadd.s32 $0xFFFFC000  }
0x68: {  	[bflag:$0x0] =	sbarrier.arrive $0xFFFF  }
0x69: {  	[tilespmem:s18], [sflag:$0x2] =	stream.linear.gather [spmem:s5], $0x4000, $0x38;
	[tilespmem:$0x18100] =	vst v63  }
0x6a: {  	_ =	swait.ge [sflag:s19], $0x4000  }
0x6b: {  	[sflag:s19] =	ssyncset.done $0x0  }
0x6c: {  	[sflag:s19] =	ssyncadd.s32 $0xFFFFC000  }
0x6d: {  	[hbm4b:s10+s3] =	stream.linear.scatter [tilespmem:s18], [sflag:$0x2], $0x4000, $0x38;
	[tilespmem:$0x18100] =	vst v63  }
0x6e: {  	_ =	swait.ge [sflag:s19], $0x4000  }
0x6f: {  	[sflag:s19] =	ssyncset.done $0x0  }
0x70: {  	[sflag:s19] =	ssyncadd.s32 $0xFFFFC000  }
0x71: {  	[tilespmem:s18], [sflag:$0x2] =	stream.linear.gather [spmem:s6], $0x4000, $0x38;
	[tilespmem:$0x18100] =	vst v63  }
0x72: {  	_ =	swait.ge [sflag:s19], $0x4000  }
0x73: {  	[sflag:s19] =	ssyncset.done $0x0  }
0x74: {  	[sflag:s19] =	ssyncadd.s32 $0xFFFFC000  }
0x75: {  	[hbm4b:s11+s3] =	stream.linear.scatter [tilespmem:s18], [sflag:$0x2], $0x4000, $0x38;
	[tilespmem:$0x18100] =	vst v63  }
0x76: {  	_ =	swait.ge [sflag:s19], $0x4000  }
0x77: {  	[sflag:s19] =	ssyncset.done $0x0  }
0x78: {  	[sflag:s19] =	ssyncadd.s32 $0xFFFFC000  }
0x79: {  	[tilespmem:s18], [sflag:$0x2] =	stream.linear.gather [spmem:s7], $0x4000, $0x38;
	[tilespmem:$0x18100] =	vst v63  }
0x7a: {  	_ =	swait.ge [sflag:s19], $0x4000  }
0x7b: {  	[sflag:s19] =	ssyncset.done $0x0  }
0x7c: {  	[sflag:s19] =	ssyncadd.s32 $0xFFFFC000  }
0x7d: {  	[hbm4b:s12+s3] =	stream.linear.scatter [tilespmem:s18], [sflag:$0x2], $0x4000, $0x38;
	[tilespmem:$0x18100] =	vst v63  }
0x7e: {  	_ =	swait.ge [sflag:s19], $0x4000  }
0x7f: {  	[sflag:s19] =	ssyncset.done $0x0  }
0x80: {  	[sflag:s19] =	ssyncadd.s32 $0xFFFFC000  }
0x81: {  	[tilespmem:s18], [sflag:$0x2] =	stream.linear.gather [spmem:s8], $0x4000, $0x38;
	[tilespmem:$0x18100] =	vst v63  }
0x82: {  	_ =	swait.ge [sflag:s19], $0x4000  }
0x83: {  	[sflag:s19] =	ssyncset.done $0x0  }
0x84: {  	[sflag:s19] =	ssyncadd.s32 $0xFFFFC000  }
0x85: {  	[hbm4b:s13+s3] =	stream.linear.scatter [tilespmem:s18], [sflag:$0x2], $0x4000, $0x38;
	[tilespmem:$0x18100] =	vst v63  }
0x86: {  	_ =	swait.ge [sflag:s19], $0x4000  }
0x87: {  	[sflag:s19] =	ssyncset.done $0x0  }
0x88: {  	[sflag:s19] =	ssyncadd.s32 $0xFFFFC000  }
0x89: {  	[tilespmem:s18], [sflag:$0x2] =	stream.linear.gather [spmem:s9], $0x4000, $0x38;
	[tilespmem:$0x18100] =	vst v63  }
0x8a: {  	s22 =	sadd.s32 $0x1, s22;
	_ =	swait.ge [sflag:s19], $0x4000  }
0x8b: {  	p0 =	sne.s32 s22, s15;
	[sflag:s19] =	ssyncset.done $0x0  }
.Ltmp2:
0x8c: {  	[sflag:s19] =	ssyncadd.s32 $0xFFFFC000;
	(pc) =	sbr.rel @p0 .LBB2_1-.Ltmp2, $4  }
0x8d: {  	[hbm4b:s14+s3] =	stream.linear.scatter [tilespmem:s18], [sflag:$0x2], $0x4000, $0x38;
	[tilespmem:$0x18100] =	vst v63  }
0x8e: {  	_ =	swait.ge [sflag:s19], $0x4000  }
0x8f: {  	[sflag:s19] =	ssyncset.done $0x0  }
0x90: {  	[sflag:s19] =	ssyncadd.s32 $0xFFFFC000  }
0x91: {  	_ =	sfence.sel $0x180000  }
0x92: {  	[bflag:$0x0] =	sbarrier.arrive $0xFFFF  }
0x93: {  	p0 =	sne.s32 s0, $0x0;
	_ =	strace $0x9000004A  }
0x94: {  	s0 =	sadd.s32 @!p0 $0x100000, s1;
	[bflag:$0x2] =	sbarrier.arrive $0xFFFF  }
0x95: {  	[sflag:s0] =	ssyncadd.tile.s32 @!p0 $0x1;
	_ =	shalt  }
.Lfunc_end2:
_tile_overlayer_lowered:
.L_overlay_start_2:
0x96: {  	(tag) =	ssettag $0x2  }
0x97: {  	s0 =	rddreg [dreg:$0x0];
	s2 =	stileid.u32  }
0x98: {  	s1 =	rddreg [dreg:$0x1];
	p0 =	sne.s32 s2, $0x0  }
0x99: {  	s3 =	rddreg [dreg:$0x2];
	[bflag:$0x3] =	sbarrier.arrive $0xFFFF;
	s2 =	simm.s32 @!p0 $0x1C02  }
0x9a: {  	[timem:s3], [sflag:s2] =	dma.local @!p0 [hbm:s0], s1  }
0x9b: {  	s0 =	simm.s32 @!p0 $0x2  }
0x9c: {  	_ =	swait.ge @!p0 [sflag:s0], s1  }
0x9d: {  	s1 =	ssub.s32 @!p0 $0x0, s1;
	[sflag:s0] =	ssyncset.done @!p0 $0x0  }
0x9e: {  	[sflag:s0] =	ssyncadd.s32 @!p0 s1  }
0x9f: {  	[bflag:$0x3] =	sbarrier.arrive $0xFFFF  }
0xa0: {  	_ =	shalt  }

// kernel: kernel.14.cloned.1.call-start
scs
__scs_entry_jumppad:
0x0: {  	(pc) =	sbr.rel $0x88, $3  }
0x1: {  	(tag) =	ssettag $0x0;
	lr =	simm.s32 $0x1  }
0x2: {  	[smem:$0x3F99] =	sst lr;
	_ =	strace $0xD0000000  }
0x3: {  	_ = 	snop  }
0x4: {  	_ = 	snop  }
0x5: {  	_ = 	snop  }
0x6: {  	_ = 	snop  }
0x7: {  	_ = 	snop  }
__scs_overlays_trampoline_lowered:
0x8: {  	[smem:$0x3FA8] =	sst s0  }
0x9: {  	[smem:$0x3FA9] =	sst s1  }
0xa: {  	[smem:$0x3FAA] =	sst s2  }
0xb: {  	[smem:$0x3FAB] =	sst s3  }
0xc: {  	[smem:$0x3FAC] =	sst s4  }
0xd: {  	[smem:$0x3FAD] =	sst s5  }
0xe: {  	[smem:$0x3FAE] =	sst s6  }
0xf: {  	[smem:$0x3FAF] =	sst s7  }
0x10: {  	[smem:$0x3FB0] =	sst s8  }
0x11: {  	[smem:$0x3FB1] =	sst s9;
	s0 =	simm.s32 @!p0 $0x0  }
0x12: {  	s1 =	sld [smem:$0x3F97];
	s0 =	simm.s32 @p0 $0x1  }
0x13: {  	[smem:$0x3FB2] =	sst s0;
	s0 =	simm.s32 @!p1 $0x0  }
0x14: {  	s2 =	sld [smem:$0x3F96];
	s0 =	simm.s32 @p1 $0x1  }
0x15: {  	[smem:$0x3FB3] =	sst s0;
	s0 =	simm.s32 @!p2 $0x0  }
0x16: {  	s3 =	sld [smem:$0x3FDB];
	s0 =	simm.s32 @p2 $0x1  }
0x17: {  	s4 =	simm.s32 $0x1BF5;
	[smem:$0x3FB5] =	sst s0  }
0x18: {  	s0 =	sld [smem:$0x3F98];
	_ =	swait.ge [sflag:s4], $0x0  }
0x19: {  	s7 =	sld [smem:$0x3F99]  }
0x1a: {  	s8 =	sadd.s32 $0xFFFFE003, lr  }
0x1b: {  	s9 =	sadd.s32 $0xFFFFFEF7, lr;
	s5 =	simm.s32 $0xFFFFFFFF;
	p2 =	slt.u32 s8, $0xFFFFF086  }
0x1c: {  	p1 =	slt.u32 s9, $0xF7A;
	s5 =	simm.s32 @!p2 $0x0  }
0x1d: {  	s5 =	simm.s32 @p1 $0x1;
	p0 =	seq.s32 s7, s2  }
0x1e: {  	s7 =	smul.u32 @!p0 $0xF7A, s2;
	p2 =	seq.s32 @!p0 s5, $0x0  }
0x1f: {  	s9 =	smul.u32 $0xF7A, s1;
	s8 =	simm.s32 @!p0 $0x1BF5;
	p2 =	por !p2, p0  }
0x20: {  	[sflag:s8] =	ssyncset.s32 @!p0 $0xFFFFF086;
	s6 =	sadd.s32 @!p0 s3, s7;
	s7 =	simm.s32 @!p0 $0x108  }
0x21: {  	s3 =	sadd.s32 s3, s9;
	s6 =	sadd.s32 @!p0 $0x88, s6;
	s7 =	simm.s32 @p2 $0x1082  }
0x22: {  	[simem:s7], [sflag:s8] =	dma.local @!p0 [hbm:s6], $0xF7A  }
0x23: {  	s9 =	sor.u32 $0xD0000000, s2;
	s6 =	simm.s32 $0x108;
	_ =	swait.ge @!p0 [sflag:s8], $0x0  }
0x24: {  	s3 =	sadd.s32 $0x88, s3;
	s6 =	simm.s32 @!p1 $0x1082;
	[sflag:s4] =	ssyncset.s32 $0xFFFFF086  }
0x25: {  	[simem:s6], [sflag:s4] =	dma.local [hbm:s3], $0xF7A  }
0x26: {  	[smem:$0x3F99] =	sst s1;
	(tag) =	ssettag s2;
	_ =	strace s9  }
0x27: {  	s1 =	sld [smem:$0x3FA9]  }
0x28: {  	s2 =	sld [smem:$0x3FAA]  }
0x29: {  	s4 =	sld [smem:$0x3FAC]  }
0x2a: {  	p0 =	seq.s32 s5, $0x0;
	s5 =	sld [smem:$0x3FAD]  }
0x2b: {  	s6 =	sld [smem:$0x3FAE]  }
0x2c: {  	s7 =	sld [smem:$0x3FAF]  }
0x2d: {  	s3 =	simm.s32 $0x108;
	s8 =	sld [smem:$0x3FB0]  }
0x2e: {  	s3 =	simm.s32 @!p0 $0x1082;
	s9 =	sld [smem:$0x3FB1]  }
0x2f: {  	lr =	sadd.s32 s0, s3;
	s0 =	sld [smem:$0x3FA8]  }
0x30: {  	s3 =	sld [smem:$0x3FAB]  }
0x31: {  	[smem:$0x3FB4] =	sst s10  }
0x32: {  	s10 =	sld [smem:$0x3FB2];
	_ =	sdelay $0x3  }
0x33: {  	p0 =	seq.s32 s10, $0x1;
	s10 =	sld [smem:$0x3FB4];
	_ =	sdelay $0x3  }
0x34: {  	[smem:$0x3FB4] =	sst s10  }
0x35: {  	s10 =	sld [smem:$0x3FB3];
	_ =	sdelay $0x3  }
0x36: {  	p1 =	seq.s32 s10, $0x1;
	s10 =	sld [smem:$0x3FB4];
	_ =	sdelay $0x3  }
0x37: {  	[smem:$0x3FB4] =	sst s10  }
0x38: {  	s10 =	sld [smem:$0x3FB5]  }
0x39: {  	_ = 	snop;
	(pc) =	sbr.ind lr, $3  }
0x3a: {  	_ = 	snop  }
0x3b: {  	_ = 	snop  }
0x3c: {  	p2 =	seq.s32 s10, $0x1;
	s10 =	sld [smem:$0x3FB4]  }
0x3d: {  	_ =	shalt  }
0x3e: {  	_ =	shalt  }
0x3f: {  	_ =	shalt  }
0x40: {  	_ =	shalt  }
0x41: {  	_ =	shalt  }
0x42: {  	_ =	shalt  }
0x43: {  	_ =	shalt  }
0x44: {  	_ =	shalt  }
0x45: {  	_ =	shalt  }
0x46: {  	_ =	shalt  }
0x47: {  	_ =	shalt  }
0x48: {  	_ =	shalt  }
0x49: {  	_ =	shalt  }
0x4a: {  	_ =	shalt  }
0x4b: {  	_ =	shalt  }
0x4c: {  	_ =	shalt  }
0x4d: {  	_ =	shalt  }
0x4e: {  	_ =	shalt  }
0x4f: {  	_ =	shalt  }
0x50: {  	_ =	shalt  }
0x51: {  	_ =	shalt  }
0x52: {  	_ =	shalt  }
0x53: {  	_ =	shalt  }
0x54: {  	_ =	shalt  }
0x55: {  	_ =	shalt  }
0x56: {  	_ =	shalt  }
0x57: {  	_ =	shalt  }
0x58: {  	_ =	shalt  }
0x59: {  	_ =	shalt  }
0x5a: {  	_ =	shalt  }
0x5b: {  	_ =	shalt  }
0x5c: {  	_ =	shalt  }
0x5d: {  	_ =	shalt  }
0x5e: {  	_ =	shalt  }
0x5f: {  	_ =	shalt  }
0x60: {  	_ =	shalt  }
0x61: {  	_ =	shalt  }
0x62: {  	_ =	shalt  }
0x63: {  	_ =	shalt  }
0x64: {  	_ =	shalt  }
0x65: {  	_ =	shalt  }
0x66: {  	_ =	shalt  }
0x67: {  	_ =	shalt  }
0x68: {  	_ =	shalt  }
0x69: {  	_ =	shalt  }
0x6a: {  	_ =	shalt  }
0x6b: {  	_ =	shalt  }
0x6c: {  	_ =	shalt  }
0x6d: {  	_ =	shalt  }
0x6e: {  	_ =	shalt  }
0x6f: {  	_ =	shalt  }
0x70: {  	_ =	shalt  }
0x71: {  	_ =	shalt  }
0x72: {  	_ =	shalt  }
0x73: {  	_ =	shalt  }
0x74: {  	_ =	shalt  }
0x75: {  	_ =	shalt  }
0x76: {  	_ =	shalt  }
0x77: {  	_ =	shalt  }
0x78: {  	_ =	shalt  }
0x79: {  	_ =	shalt  }
0x7a: {  	_ =	shalt  }
0x7b: {  	_ =	shalt  }
0x7c: {  	_ =	shalt  }
0x7d: {  	_ =	shalt  }
0x7e: {  	_ =	shalt  }
0x7f: {  	_ =	shalt  }
0x80: {  	_ =	shalt  }
0x81: {  	_ =	shalt  }
0x82: {  	_ =	shalt  }
0x83: {  	_ =	shalt  }
0x84: {  	_ =	shalt  }
0x85: {  	_ =	shalt  }
0x86: {  	_ =	shalt  }
0x87: {  	_ =	shalt  }
.Lfunc_end0:
.L_simem_size_0:
called_computation.2_lowered:
.L_overlay_start_0:
0x88: {  	s2 =	sld [smem:$0x3FD9]  }
0x89: {  	s3 =	sld [smem:$0x3FFE];
	_ =	sdelay $0x1  }
0x8a: {  	s1 =	srdreg.scid  }
0x8b: {  	s0 =	sand.u32 $0x1, s1  }
0x8c: {  	s14 =	sshll.u32 s0, $0xA;
	s2 =	sadd.s32 s3, s2  }
0x8d: {  	s2 =	sadd.s32 s2, s14  }
0x8e: {  	[smem:$0x3FC0] =	sst s2  }
0x8f: {  	_ = 	snop  }
0x90: {  	s2 =	sld [smem:$0x3FD0];
	_ =	sdelay $0x2  }
0x91: {  	s15 =	simm.s32 $0xA;
	s4 =	simm.s32 $0x10  }
0x92: {  	[smem:s4], [sflag:s15] =	dma.local [hbm:s2], $0x1  }
0x93: {  	_ =	swait.eq [sflag:s15], $0x1  }
0x94: {  	[sflag:s15] =	ssyncset.done $0x0  }
0x95: {  	s16 =	sld [smem:$0x10];
	[sflag:s15] =	ssyncadd.s32 $0xFFFFFFFF  }
0x96: {  	s17 =	sld [smem:$0x11];
	(tm) =	ssettm $0x1  }
0x97: {  	s18 =	sld [smem:$0x3FFB];
	_ =	sdelay $0x3  }
0x98: {  	_ =	strace s18  }
0x99: {  	s4 =	sld [smem:$0x3FFC];
	_ =	sdelay $0x3  }
0x9a: {  	_ =	strace s4  }
0x9b: {  	s4 =	sld [smem:$0x3FFD];
	_ =	sdelay $0x3  }
0x9c: {  	_ =	strace s4  }
0x9d: {  	_ =	strace $0x8FFFFFFF  }
0x9e: {  	s19 =	sld [smem:$0x3FDB];
	_ =	sdelay $0x1  }
0x9f: {  	s5 =	simm.s32 $_scs_section_size  }
0xa0: {  	s6 =	simm.s32 $_size__tile_overlayer_lowered;
	s7 =	simm.s32 $_tile_overlayer_lowered  }
0xa1: {  	s22 =	simm.s32 $0x1BFF;
	s21 =	sshll.u32 s7, $0x1;
	s4 =	sadd.s32 s5, s19  }
0xa2: {  	s8 =	simm.s32 $0x0;
	s20 =	sshll.u32 s6, $0x1;
	s6 =	sadd.s32 s21, s4  }
0xa3: {  	[timem:s8], [sflag:s22] =	dma.local [hbm:s6], s20  }
0xa4: {  	_ =	swait.ge [sflag:s22], s20  }
0xa5: {  	s5 =	ssub.s32 $0x0, s20;
	[sflag:s22] =	ssyncset.done $0x0  }
0xa6: {  	[sflag:s22] =	ssyncadd.s32 s5;
	_ =	sdelay $0x1  }
0xa7: {  	s23 =	simm.s32 $0x1B8B  }
0xa8: {  	_ =	swait.ge [sflag:s23], $0x1  }
0xa9: {  	[sflag:s23] =	ssyncset.done $0x0  }
0xaa: {  	s25 =	simm.s32 $0x1B8E;
	s24 =	sld [smem:$0x3FFE];
	[sflag:s23] =	ssyncadd.s32 $0xFFFFFFFF  }
0xab: {  	s26 =	simm.s32 $execute0_lowered;
	[smem:$0x3FD2] =	sst s25  }
0xac: {  	s6 =	sshll.u32 s26, $0x1;
	_ =	strace $0x8000004C;
	[dreg:$0x1] =	wrdreg $0xFFFFFFFF  }
0xad: {  	s28 =	simm.s32 $_size_execute0_lowered;
	s4 =	sadd.s32 s4, s6;
	[dreg:$0x0] =	wrdreg $0x0  }
0xae: {  	s6 =	sshll.u32 s28, $0x1;
	[dreg:$0x2] =	wrdreg s4  }
0xaf: {  	[dreg:$0x3] =	wrdreg s6  }
0xb0: {  	[dreg:$0x4] =	wrdreg $0xC0  }
0xb1: {  	_ =	task [dreg:s8], $0x5FFFF  }
0xb2: {  	[dreg:$0x1] =	wrdreg $0xFFFFFFFF  }
0xb3: {  	[dreg:$0x0] =	wrdreg $0x60  }
0xb4: {  	[dreg:$0x2] =	wrdreg s24  }
0xb5: {  	[dreg:$0x3] =	wrdreg s16  }
0xb6: {  	[dreg:$0x4] =	wrdreg s17  }
0xb7: {  	[dreg:$0x5] =	wrdreg $0x41000  }
0xb8: {  	[dreg:$0x6] =	wrdreg $0x9  }
0xb9: {  	_ =	task.clear_ibuf [dreg:s8], $0x7FFFF;
	_ =	strace $0x9000004C  }
0xba: {  	s29 =	simm.s32 $0x9;
	_ =	strace $0x8000004E  }
0xbb: {  	_ =	swait.ge [sflag:s29], $0x1  }
0xbc: {  	[sflag:s29] =	ssyncadd.s32 $0xFFFFFFFF  }
0xbd: {  	_ =	strace $0x9000004E  }
0xbe: {  	_ =	sfence  }
0xbf: {  	s30 =	sld [smem:$0x0];
	_ =	sdelay $0x2  }
0xc0: {  	s31 =	sshll.u32 s1, $0xD;
	s1 =	sshrl.u32 s1, $0x2  }
0xc1: {  	s3 =	sand.u32 $0x4000, s31;
	s1 =	sadd.s32 s1, s30  }
0xc2: {  	s0 =	sor.u32 s3, s0;
	s1 =	sshll.u32 s1, $0x11  }
0xc3: {  	s0 =	sor.u32 s1, s0  }
0xc4: {  	s0 =	sadd.s32 $0x8F2B, s0  }
0xc5: {  	[sflag:s0] =	ssyncadd.remote.s32 $0x1  }
0xc6: {  	_ =	sfence.sel $0xFFFF  }
0xc7: {  	[dreg:$0x0] =	wrdreg $0xFFFFFFFF;
	(pc) =	sbr.abs _section_cstart, $3  }
0xc8: {  	[dreg:$0x1] =	wrdreg $0xFFFFFFFF  }
0xc9: {  	_ =	task.clear_ibuf [dreg:s8], $0x2FFFF;
	_ =	strace $0x9FFFFFFF  }
0xca: {  	(tm) =	ssettm $0x7FFFFFFF  }
0xcb: {  	_ =	shalt  }
tec
execute0_lowered:
.L_overlay_start_1:
0x0: {  	(tag) =	ssettag $0x1  }
0x1: {  	s5 =	rddreg [dreg:$0x0]  }
0x2: {  	s17 =	rddreg [dreg:$0x1];
	s1 =	srdreg.scid  }
0x3: {  	s0 =	stileid.u32;
	s16 =	rddreg [dreg:$0x2]  }
0x4: {  	s2 =	rddreg [dreg:$0x3];
	s3 =	simm.s32 $0x0;
	s4 =	smul.u32 $0x280, s0  }
0x5: {  	s19 =	simm.s32 $0x2;
	s20 =	simm.s32 $0x80;
	s8 =	smul.u32 $0x50000, s0  }
0x6: {  	s21 =	simm.s32 $0x1;
	s6 =	sand.u32 $0x1, s1;
	s13 =	smul.u32 $0x4E80, s0  }
0x7: {  	s22 =	simm.s32 $0x0;
	s1 =	rddreg [dreg:$0x4];
	s7 =	smul.u32 $0x2800, s6  }
0x8: {  	[smem:$0x7FF] =	sst s3;
	s29 =	ssub.s32 $0x2, s6;
	s12 =	smul.u32 $0x4E800, s6  }
0x9: {  	_ =	strace $0x8000004D;
	s30 =	sshrl.u32 s8, $0x2;
	s31 =	sshrl.u32 s29, $0x1  }
0xa: {  	s7 =	sadd.s32 s4, s7;
	s4 =	sadd.s32 $0x1400, s5;
	s18 =	sadd.s32 s13, s12  }
0xb: {  	s15 =	ssub.s32 s29, s31;
	s7 =	sshll.u32 s7, $0x4;
	s18 =	sshrl.u32 s18, $0x3  }
0xc: {  	s15 =	smax.u32 s15, $0x1;
	s14 =	sadd.s32 s7, s5;
	s5 =	sadd.s32 s30, s2  }
0xd: {  	s16 =	sadd.s32 s18, s16;
	s17 =	sadd.s32 s18, s17;
	s18 =	simm.s32 $0x100  }
0xe: {  	s6 =	sadd.s32 $0x4000, s5;
	s7 =	sadd.s32 $0x8000, s5;
	s8 =	sadd.s32 $0xC000, s5  }
0xf: {  	s9 =	sadd.s32 $0x10000, s5;
	s10 =	sadd.s32 $0x4F600, s14;
	s11 =	sadd.s32 $0x4FE00, s14  }
0x10: {  	v0 =	vimm.f32 $0.0e+00;
	s12 =	sadd.s32 $0x50600, s14;
	s13 =	sadd.s32 $0x50E00, s14;
	s14 =	sadd.s32 $0x51600, s14  }
.LBB2_1:
0x11: {  	s23 =	simm.s32 $0x0;
	s24 =	simm.s32 $0x200  }
.LBB2_2:
0x12: {  	p0 =	sne.s32 s24, $0xFE00;
	[tilespmem:s23+$0x170] =	vst v0  }
0x13: {  	[tilespmem:s23+$0x100] =	vst v0  }
0x14: {  	[tilespmem:s23+$0x110] =	vst v0  }
.Ltmp0:
0x15: {  	[tilespmem:s23+$0x120] =	vst v0;
	(pc) =	sbr.rel @p0 .LBB2_2-.Ltmp0, $4  }
0x16: {  	[tilespmem:s23+$0x130] =	vst v0  }
0x17: {  	[tilespmem:s23+$0x140] =	vst v0  }
0x18: {  	[tilespmem:s23+$0x150] =	vst v0  }
0x19: {  	[tilespmem:s23+$0x160] =	vst v0;
	s23 =	sshra.s32 s24, $0x2;
	s24 =	sadd.s32 $0x200, s24  }
0x1a: {  	[tilespmem:s23+$0x170] =	vst v0  }
0x1b: {  	[tilespmem:s23+$0x100] =	vst v0  }
0x1c: {  	[tilespmem:s23+$0x110] =	vst v0  }
0x1d: {  	[tilespmem:s23+$0x120] =	vst v0  }
0x1e: {  	[tilespmem:s23+$0x130] =	vst v0  }
0x1f: {  	[tilespmem:s23+$0x140] =	vst v0  }
0x20: {  	[tilespmem:s23+$0x150] =	vst v0  }
0x21: {  	[tilespmem:s23+$0x160] =	vst v0  }
0x22: {  	[spmem:s5] =	stream.linear.scatter [tilespmem:s18], [sflag:$0x2], $0x4000, $0x38;
	[tilespmem:$0x18100] =	vst v63  }
0x23: {  	_ =	swait.ge [sflag:s19], $0x4000  }
0x24: {  	[sflag:s19] =	ssyncset.done $0x0  }
0x25: {  	[sflag:s19] =	ssyncadd.s32 $0xFFFFC000  }
0x26: {  	[spmem:s6] =	stream.linear.scatter [tilespmem:s18], [sflag:$0x2], $0x4000, $0x38;
	[tilespmem:$0x18100] =	vst v63  }
0x27: {  	_ =	swait.ge [sflag:s19], $0x4000  }
0x28: {  	[sflag:s19] =	ssyncset.done $0x0  }
0x29: {  	[sflag:s19] =	ssyncadd.s32 $0xFFFFC000  }
0x2a: {  	[spmem:s7] =	stream.linear.scatter [tilespmem:s18], [sflag:$0x2], $0x4000, $0x38;
	[tilespmem:$0x18100] =	vst v63  }
0x2b: {  	_ =	swait.ge [sflag:s19], $0x4000  }
0x2c: {  	[sflag:s19] =	ssyncset.done $0x0  }
0x2d: {  	[sflag:s19] =	ssyncadd.s32 $0xFFFFC000  }
0x2e: {  	[spmem:s8] =	stream.linear.scatter [tilespmem:s18], [sflag:$0x2], $0x4000, $0x38;
	[tilespmem:$0x18100] =	vst v63  }
0x2f: {  	_ =	swait.ge [sflag:s19], $0x4000  }
0x30: {  	[sflag:s19] =	ssyncset.done $0x0  }
0x31: {  	[sflag:s19] =	ssyncadd.s32 $0xFFFFC000  }
0x32: {  	[spmem:s9] =	stream.linear.scatter [tilespmem:s18], [sflag:$0x2], $0x4000, $0x38;
	[tilespmem:$0x18100] =	vst v63  }
0x33: {  	_ =	swait.ge [sflag:s19], $0x4000  }
0x34: {  	[sflag:s19] =	ssyncset.done $0x0  }
0x35: {  	[sflag:s19] =	ssyncadd.s32 $0xFFFFC000  }
0x36: {  	s30 =	sadd.s32 $0x0, s17;
	[bflag:$0x0] =	sbarrier.arrive $0xFFFF  }
0x37: {  	[tilespmem:s3], [sflag:$0x2] =	stream.linear.gather [hbm4b:s30+s3], $0x80, $0x38;
	[tilespmem:$0x18100] =	vst v63  }
0x38: {  	_ =	swait.ge [sflag:s19], $0x80  }
0x39: {  	[sflag:s19] =	ssyncset.done $0x0  }
0x3a: {  	s31 =	sadd.s32 $0x0, s16;
	[sflag:s19] =	ssyncadd.s32 $0xFFFFFF80  }
0x3b: {  	[tilespmem:s20], [sflag:$0x2] =	stream.linear.gather [hbm4b:s31+s3], $0x80, $0x38;
	[tilespmem:$0x18100] =	vst v63  }
0x3c: {  	_ =	swait.ge [sflag:s19], $0x80  }
0x3d: {  	[sflag:s19] =	ssyncset.done $0x0  }
0x3e: {  	[sflag:s19] =	ssyncadd.s32 $0xFFFFFF80  }
0x3f: {  	[tilespmem:s18], [sflag:$0x1] =	stream.indirect.gather [hbm4b:s4+s20], $0x80, s3, s20, $0xb8;
	[tilespmem:$0x18100] =	vst v63  }
0x40: {  	_ =	swait.ge [sflag:s21], $0x4000  }
0x41: {  	[sflag:s21] =	ssyncset.done $0x0  }
0x42: {  	[sflag:s21] =	ssyncadd.s32 $0xFFFFC000  }
0x43: {  	[spmem:s2] =	stream.indirect.scatter.add.f32 [tilespmem:s18], [sflag:$0x2], $0x80, s20, s20, $0xb8;
	[tilespmem:$0x18100] =	vst v63  }
0x44: {  	_ =	swait.ge [sflag:s19], $0x4000  }
0x45: {  	s23 =	simm.s32 $0x10;
	s24 =	simm.s32 $0x20;
	[sflag:s19] =	ssyncset.done $0x0  }
.LBB2_4:
0x46: {  	s25 =	sadd.s32 s23, s17  }
0x47: {  	[sflag:s19] =	ssyncadd.s32 $0xFFFFC000;
	s26 =	smov.u32 s24;
	s28 =	sadd.s32 $0x10, s24  }
0x48: {  	[tilespmem:s3], [sflag:$0x2] =	stream.linear.gather [hbm4b:s25+s3], $0x80, $0x38;
	[tilespmem:$0x18100] =	vst v63  }
0x49: {  	p0 =	sne.s32 s24, $0x9C0;
	_ =	swait.ge [sflag:s19], $0x80  }
0x4a: {  	[sflag:s19] =	ssyncset.done $0x0  }
0x4b: {  	s24 =	sadd.s32 s23, s16;
	s23 =	smov.u32 s26;
	[sflag:s19] =	ssyncadd.s32 $0xFFFFFF80  }
0x4c: {  	[tilespmem:s20], [sflag:$0x2] =	stream.linear.gather [hbm4b:s24+s3], $0x80, $0x38;
	[tilespmem:$0x18100] =	vst v63  }
0x4d: {  	_ =	swait.ge [sflag:s19], $0x80  }
0x4e: {  	[sflag:s19] =	ssyncset.done $0x0  }
0x4f: {  	[sflag:s19] =	ssyncadd.s32 $0xFFFFFF80  }
0x50: {  	[tilespmem:s18], [sflag:$0x1] =	stream.indirect.gather [hbm4b:s4+s20], $0x80, s3, s20, $0xb8;
	[tilespmem:$0x18100] =	vst v63  }
0x51: {  	_ =	swait.ge [sflag:s21], $0x4000  }
.Ltmp1:
0x52: {  	[sflag:s21] =	ssyncset.done $0x0;
	(pc) =	sbr.rel @p0 .LBB2_4-.Ltmp1, $4  }
0x53: {  	[sflag:s21] =	ssyncadd.s32 $0xFFFFC000  }
0x54: {  	[spmem:s2] =	stream.indirect.scatter.add.f32 [tilespmem:s18], [sflag:$0x2], $0x80, s20, s20, $0xb8;
	[tilespmem:$0x18100] =	vst v63  }
0x55: {  	_ =	swait.ge [sflag:s19], $0x4000  }
0x56: {  	s24 =	smov.u32 s28;
	[sflag:s19] =	ssyncset.done $0x0  }
0x57: {  	s24 =	sadd.s32 s23, s17;
	[sflag:s19] =	ssyncadd.s32 $0xFFFFC000  }
0x58: {  	[tilespmem:s3], [sflag:$0x2] =	stream.linear.gather [hbm4b:s24+s3], $0x80, $0x38;
	[tilespmem:$0x18100] =	vst v63  }
0x59: {  	_ =	swait.ge [sflag:s19], $0x80  }
0x5a: {  	[sflag:s19] =	ssyncset.done $0x0  }
0x5b: {  	s31 =	sadd.s32 s23, s16;
	[sflag:s19] =	ssyncadd.s32 $0xFFFFFF80  }
0x5c: {  	[tilespmem:s20], [sflag:$0x2] =	stream.linear.gather [hbm4b:s31+s3], $0x80, $0x38;
	[tilespmem:$0x18100] =	vst v63  }
0x5d: {  	_ =	swait.ge [sflag:s19], $0x80  }
0x5e: {  	[sflag:s19] =	ssyncset.done $0x0  }
0x5f: {  	[sflag:s19] =	ssyncadd.s32 $0xFFFFFF80  }
0x60: {  	[tilespmem:s18], [sflag:$0x1] =	stream.indirect.gather [hbm4b:s4+s20], $0x80, s3, s20, $0xb8;
	[tilespmem:$0x18100] =	vst v63  }
0x61: {  	_ =	swait.ge [sflag:s21], $0x4000  }
0x62: {  	[sflag:s21] =	ssyncset.done $0x0  }
0x63: {  	[sflag:s21] =	ssyncadd.s32 $0xFFFFC000  }
0x64: {  	[spmem:s2] =	stream.indirect.scatter.add.f32 [tilespmem:s18], [sflag:$0x2], $0x80, s20, s20, $0xb8;
	[tilespmem:$0x18100] =	vst v63  }
0x65: {  	_ =	swait.ge [sflag:s19], $0x4000  }
0x66: {  	[sflag:s19] =	ssyncset.done $0x0  }
0x67: {  	[sflag:s19] =	ssyncadd.s32 $0xFFFFC000  }
0x68: {  	[bflag:$0x0] =	sbarrier.arrive $0xFFFF  }
0x69: {  	[tilespmem:s18], [sflag:$0x2] =	stream.linear.gather [spmem:s5], $0x4000, $0x38;
	[tilespmem:$0x18100] =	vst v63  }
0x6a: {  	_ =	swait.ge [sflag:s19], $0x4000  }
0x6b: {  	[sflag:s19] =	ssyncset.done $0x0  }
0x6c: {  	[sflag:s19] =	ssyncadd.s32 $0xFFFFC000  }
0x6d: {  	[hbm4b:s10+s3] =	stream.linear.scatter [tilespmem:s18], [sflag:$0x2], $0x4000, $0x38;
	[tilespmem:$0x18100] =	vst v63  }
0x6e: {  	_ =	swait.ge [sflag:s19], $0x4000  }
0x6f: {  	[sflag:s19] =	ssyncset.done $0x0  }
0x70: {  	[sflag:s19] =	ssyncadd.s32 $0xFFFFC000  }
0x71: {  	[tilespmem:s18], [sflag:$0x2] =	stream.linear.gather [spmem:s6], $0x4000, $0x38;
	[tilespmem:$0x18100] =	vst v63  }
0x72: {  	_ =	swait.ge [sflag:s19], $0x4000  }
0x73: {  	[sflag:s19] =	ssyncset.done $0x0  }
0x74: {  	[sflag:s19] =	ssyncadd.s32 $0xFFFFC000  }
0x75: {  	[hbm4b:s11+s3] =	stream.linear.scatter [tilespmem:s18], [sflag:$0x2], $0x4000, $0x38;
	[tilespmem:$0x18100] =	vst v63  }
0x76: {  	_ =	swait.ge [sflag:s19], $0x4000  }
0x77: {  	[sflag:s19] =	ssyncset.done $0x0  }
0x78: {  	[sflag:s19] =	ssyncadd.s32 $0xFFFFC000  }
0x79: {  	[tilespmem:s18], [sflag:$0x2] =	stream.linear.gather [spmem:s7], $0x4000, $0x38;
	[tilespmem:$0x18100] =	vst v63  }
0x7a: {  	_ =	swait.ge [sflag:s19], $0x4000  }
0x7b: {  	[sflag:s19] =	ssyncset.done $0x0  }
0x7c: {  	[sflag:s19] =	ssyncadd.s32 $0xFFFFC000  }
0x7d: {  	[hbm4b:s12+s3] =	stream.linear.scatter [tilespmem:s18], [sflag:$0x2], $0x4000, $0x38;
	[tilespmem:$0x18100] =	vst v63  }
0x7e: {  	_ =	swait.ge [sflag:s19], $0x4000  }
0x7f: {  	[sflag:s19] =	ssyncset.done $0x0  }
0x80: {  	[sflag:s19] =	ssyncadd.s32 $0xFFFFC000  }
0x81: {  	[tilespmem:s18], [sflag:$0x2] =	stream.linear.gather [spmem:s8], $0x4000, $0x38;
	[tilespmem:$0x18100] =	vst v63  }
0x82: {  	_ =	swait.ge [sflag:s19], $0x4000  }
0x83: {  	[sflag:s19] =	ssyncset.done $0x0  }
0x84: {  	[sflag:s19] =	ssyncadd.s32 $0xFFFFC000  }
0x85: {  	[hbm4b:s13+s3] =	stream.linear.scatter [tilespmem:s18], [sflag:$0x2], $0x4000, $0x38;
	[tilespmem:$0x18100] =	vst v63  }
0x86: {  	_ =	swait.ge [sflag:s19], $0x4000  }
0x87: {  	[sflag:s19] =	ssyncset.done $0x0  }
0x88: {  	[sflag:s19] =	ssyncadd.s32 $0xFFFFC000  }
0x89: {  	[tilespmem:s18], [sflag:$0x2] =	stream.linear.gather [spmem:s9], $0x4000, $0x38;
	[tilespmem:$0x18100] =	vst v63  }
0x8a: {  	s22 =	sadd.s32 $0x1, s22;
	_ =	swait.ge [sflag:s19], $0x4000  }
0x8b: {  	p0 =	sne.s32 s22, s15;
	[sflag:s19] =	ssyncset.done $0x0  }
.Ltmp2:
0x8c: {  	[sflag:s19] =	ssyncadd.s32 $0xFFFFC000;
	(pc) =	sbr.rel @p0 .LBB2_1-.Ltmp2, $4  }
0x8d: {  	[hbm4b:s14+s3] =	stream.linear.scatter [tilespmem:s18], [sflag:$0x2], $0x4000, $0x38;
	[tilespmem:$0x18100] =	vst v63  }
0x8e: {  	_ =	swait.ge [sflag:s19], $0x4000  }
0x8f: {  	[sflag:s19] =	ssyncset.done $0x0  }
0x90: {  	[sflag:s19] =	ssyncadd.s32 $0xFFFFC000  }
0x91: {  	_ =	sfence.sel $0x180000  }
0x92: {  	[bflag:$0x0] =	sbarrier.arrive $0xFFFF  }
0x93: {  	p0 =	sne.s32 s0, $0x0;
	_ =	strace $0x9000004D  }
0x94: {  	s0 =	sadd.s32 @!p0 $0x100000, s1;
	[bflag:$0x2] =	sbarrier.arrive $0xFFFF  }
0x95: {  	[sflag:s0] =	ssyncadd.tile.s32 @!p0 $0x1;
	_ =	shalt  }
.Lfunc_end2:
_tile_overlayer_lowered:
.L_overlay_start_2:
0x96: {  	(tag) =	ssettag $0x2  }
0x97: {  	s0 =	rddreg [dreg:$0x0];
	s2 =	stileid.u32  }
0x98: {  	s1 =	rddreg [dreg:$0x1];
	p0 =	sne.s32 s2, $0x0  }
0x99: {  	s3 =	rddreg [dreg:$0x2];
	[bflag:$0x3] =	sbarrier.arrive $0xFFFF;
	s2 =	simm.s32 @!p0 $0x1C02  }
0x9a: {  	[timem:s3], [sflag:s2] =	dma.local @!p0 [hbm:s0], s1  }
0x9b: {  	s0 =	simm.s32 @!p0 $0x2  }
0x9c: {  	_ =	swait.ge @!p0 [sflag:s0], s1  }
0x9d: {  	s1 =	ssub.s32 @!p0 $0x0, s1;
	[sflag:s0] =	ssyncset.done @!p0 $0x0  }
0x9e: {  	[sflag:s0] =	ssyncadd.s32 @!p0 s1  }
0x9f: {  	[bflag:$0x3] =	sbarrier.arrive $0xFFFF  }
0xa0: {  	_ =	shalt  }

// kernel: kernel.8.cloned.1.call-start
scs
__scs_entry_jumppad:
0x0: {  	(pc) =	sbr.rel $0x88, $3  }
0x1: {  	(tag) =	ssettag $0x0;
	lr =	simm.s32 $0x1  }
0x2: {  	[smem:$0x3F99] =	sst lr;
	_ =	strace $0xD0000000  }
0x3: {  	_ = 	snop  }
0x4: {  	_ = 	snop  }
0x5: {  	_ = 	snop  }
0x6: {  	_ = 	snop  }
0x7: {  	_ = 	snop  }
__scs_overlays_trampoline_lowered:
0x8: {  	[smem:$0x3FA8] =	sst s0  }
0x9: {  	[smem:$0x3FA9] =	sst s1  }
0xa: {  	[smem:$0x3FAA] =	sst s2  }
0xb: {  	[smem:$0x3FAB] =	sst s3  }
0xc: {  	[smem:$0x3FAC] =	sst s4  }
0xd: {  	[smem:$0x3FAD] =	sst s5  }
0xe: {  	[smem:$0x3FAE] =	sst s6  }
0xf: {  	[smem:$0x3FAF] =	sst s7  }
0x10: {  	[smem:$0x3FB0] =	sst s8  }
0x11: {  	[smem:$0x3FB1] =	sst s9;
	s0 =	simm.s32 @!p0 $0x0  }
0x12: {  	s1 =	sld [smem:$0x3F97];
	s0 =	simm.s32 @p0 $0x1  }
0x13: {  	[smem:$0x3FB2] =	sst s0;
	s0 =	simm.s32 @!p1 $0x0  }
0x14: {  	s2 =	sld [smem:$0x3F96];
	s0 =	simm.s32 @p1 $0x1  }
0x15: {  	[smem:$0x3FB3] =	sst s0;
	s0 =	simm.s32 @!p2 $0x0  }
0x16: {  	s3 =	sld [smem:$0x3FDB];
	s0 =	simm.s32 @p2 $0x1  }
0x17: {  	s4 =	simm.s32 $0x1BF5;
	[smem:$0x3FB5] =	sst s0  }
0x18: {  	s0 =	sld [smem:$0x3F98];
	_ =	swait.ge [sflag:s4], $0x0  }
0x19: {  	s7 =	sld [smem:$0x3F99]  }
0x1a: {  	s8 =	sadd.s32 $0xFFFFE003, lr  }
0x1b: {  	s9 =	sadd.s32 $0xFFFFFEF7, lr;
	s5 =	simm.s32 $0xFFFFFFFF;
	p2 =	slt.u32 s8, $0xFFFFF086  }
0x1c: {  	p1 =	slt.u32 s9, $0xF7A;
	s5 =	simm.s32 @!p2 $0x0  }
0x1d: {  	s5 =	simm.s32 @p1 $0x1;
	p0 =	seq.s32 s7, s2  }
0x1e: {  	s7 =	smul.u32 @!p0 $0xF7A, s2;
	p2 =	seq.s32 @!p0 s5, $0x0  }
0x1f: {  	s9 =	smul.u32 $0xF7A, s1;
	s8 =	simm.s32 @!p0 $0x1BF5;
	p2 =	por !p2, p0  }
0x20: {  	[sflag:s8] =	ssyncset.s32 @!p0 $0xFFFFF086;
	s6 =	sadd.s32 @!p0 s3, s7;
	s7 =	simm.s32 @!p0 $0x108  }
0x21: {  	s3 =	sadd.s32 s3, s9;
	s6 =	sadd.s32 @!p0 $0x88, s6;
	s7 =	simm.s32 @p2 $0x1082  }
0x22: {  	[simem:s7], [sflag:s8] =	dma.local @!p0 [hbm:s6], $0xF7A  }
0x23: {  	s9 =	sor.u32 $0xD0000000, s2;
	s6 =	simm.s32 $0x108;
	_ =	swait.ge @!p0 [sflag:s8], $0x0  }
0x24: {  	s3 =	sadd.s32 $0x88, s3;
	s6 =	simm.s32 @!p1 $0x1082;
	[sflag:s4] =	ssyncset.s32 $0xFFFFF086  }
0x25: {  	[simem:s6], [sflag:s4] =	dma.local [hbm:s3], $0xF7A  }
0x26: {  	[smem:$0x3F99] =	sst s1;
	(tag) =	ssettag s2;
	_ =	strace s9  }
0x27: {  	s1 =	sld [smem:$0x3FA9]  }
0x28: {  	s2 =	sld [smem:$0x3FAA]  }
0x29: {  	s4 =	sld [smem:$0x3FAC]  }
0x2a: {  	p0 =	seq.s32 s5, $0x0;
	s5 =	sld [smem:$0x3FAD]  }
0x2b: {  	s6 =	sld [smem:$0x3FAE]  }
0x2c: {  	s7 =	sld [smem:$0x3FAF]  }
0x2d: {  	s3 =	simm.s32 $0x108;
	s8 =	sld [smem:$0x3FB0]  }
0x2e: {  	s3 =	simm.s32 @!p0 $0x1082;
	s9 =	sld [smem:$0x3FB1]  }
0x2f: {  	lr =	sadd.s32 s0, s3;
	s0 =	sld [smem:$0x3FA8]  }
0x30: {  	s3 =	sld [smem:$0x3FAB]  }
0x31: {  	[smem:$0x3FB4] =	sst s10  }
0x32: {  	s10 =	sld [smem:$0x3FB2];
	_ =	sdelay $0x3  }
0x33: {  	p0 =	seq.s32 s10, $0x1;
	s10 =	sld [smem:$0x3FB4];
	_ =	sdelay $0x3  }
0x34: {  	[smem:$0x3FB4] =	sst s10  }
0x35: {  	s10 =	sld [smem:$0x3FB3];
	_ =	sdelay $0x3  }
0x36: {  	p1 =	seq.s32 s10, $0x1;
	s10 =	sld [smem:$0x3FB4];
	_ =	sdelay $0x3  }
0x37: {  	[smem:$0x3FB4] =	sst s10  }
0x38: {  	s10 =	sld [smem:$0x3FB5]  }
0x39: {  	_ = 	snop;
	(pc) =	sbr.ind lr, $3  }
0x3a: {  	_ = 	snop  }
0x3b: {  	_ = 	snop  }
0x3c: {  	p2 =	seq.s32 s10, $0x1;
	s10 =	sld [smem:$0x3FB4]  }
0x3d: {  	_ =	shalt  }
0x3e: {  	_ =	shalt  }
0x3f: {  	_ =	shalt  }
0x40: {  	_ =	shalt  }
0x41: {  	_ =	shalt  }
0x42: {  	_ =	shalt  }
0x43: {  	_ =	shalt  }
0x44: {  	_ =	shalt  }
0x45: {  	_ =	shalt  }
0x46: {  	_ =	shalt  }
0x47: {  	_ =	shalt  }
0x48: {  	_ =	shalt  }
0x49: {  	_ =	shalt  }
0x4a: {  	_ =	shalt  }
0x4b: {  	_ =	shalt  }
0x4c: {  	_ =	shalt  }
0x4d: {  	_ =	shalt  }
0x4e: {  	_ =	shalt  }
0x4f: {  	_ =	shalt  }
0x50: {  	_ =	shalt  }
0x51: {  	_ =	shalt  }
0x52: {  	_ =	shalt  }
0x53: {  	_ =	shalt  }
0x54: {  	_ =	shalt  }
0x55: {  	_ =	shalt  }
0x56: {  	_ =	shalt  }
0x57: {  	_ =	shalt  }
0x58: {  	_ =	shalt  }
0x59: {  	_ =	shalt  }
0x5a: {  	_ =	shalt  }
0x5b: {  	_ =	shalt  }
0x5c: {  	_ =	shalt  }
0x5d: {  	_ =	shalt  }
0x5e: {  	_ =	shalt  }
0x5f: {  	_ =	shalt  }
0x60: {  	_ =	shalt  }
0x61: {  	_ =	shalt  }
0x62: {  	_ =	shalt  }
0x63: {  	_ =	shalt  }
0x64: {  	_ =	shalt  }
0x65: {  	_ =	shalt  }
0x66: {  	_ =	shalt  }
0x67: {  	_ =	shalt  }
0x68: {  	_ =	shalt  }
0x69: {  	_ =	shalt  }
0x6a: {  	_ =	shalt  }
0x6b: {  	_ =	shalt  }
0x6c: {  	_ =	shalt  }
0x6d: {  	_ =	shalt  }
0x6e: {  	_ =	shalt  }
0x6f: {  	_ =	shalt  }
0x70: {  	_ =	shalt  }
0x71: {  	_ =	shalt  }
0x72: {  	_ =	shalt  }
0x73: {  	_ =	shalt  }
0x74: {  	_ =	shalt  }
0x75: {  	_ =	shalt  }
0x76: {  	_ =	shalt  }
0x77: {  	_ =	shalt  }
0x78: {  	_ =	shalt  }
0x79: {  	_ =	shalt  }
0x7a: {  	_ =	shalt  }
0x7b: {  	_ =	shalt  }
0x7c: {  	_ =	shalt  }
0x7d: {  	_ =	shalt  }
0x7e: {  	_ =	shalt  }
0x7f: {  	_ =	shalt  }
0x80: {  	_ =	shalt  }
0x81: {  	_ =	shalt  }
0x82: {  	_ =	shalt  }
0x83: {  	_ =	shalt  }
0x84: {  	_ =	shalt  }
0x85: {  	_ =	shalt  }
0x86: {  	_ =	shalt  }
0x87: {  	_ =	shalt  }
.Lfunc_end0:
.L_simem_size_0:
called_computation_lowered:
.L_overlay_start_0:
0x88: {  	s2 =	sld [smem:$0x3FD9]  }
0x89: {  	s3 =	sld [smem:$0x3FFE];
	_ =	sdelay $0x1  }
0x8a: {  	s1 =	srdreg.scid  }
0x8b: {  	s0 =	sand.u32 $0x1, s1  }
0x8c: {  	s16 =	sshll.u32 s0, $0xA;
	s2 =	sadd.s32 s3, s2  }
0x8d: {  	s2 =	sadd.s32 s2, s16  }
0x8e: {  	[smem:$0x3FC0] =	sst s2  }
0x8f: {  	_ = 	snop  }
0x90: {  	(tm) =	ssettm $0x1  }
0x91: {  	s17 =	sld [smem:$0x3FFB];
	_ =	sdelay $0x3  }
0x92: {  	_ =	strace s17  }
0x93: {  	s2 =	sld [smem:$0x3FFC];
	_ =	sdelay $0x3  }
0x94: {  	_ =	strace s2  }
0x95: {  	s2 =	sld [smem:$0x3FFD];
	_ =	sdelay $0x3  }
0x96: {  	_ =	strace s2  }
0x97: {  	_ =	strace $0x8FFFFFFF  }
0x98: {  	s18 =	sld [smem:$0x3FDB];
	_ =	sdelay $0x1  }
0x99: {  	s19 =	simm.s32 $_scs_section_size  }
0x9a: {  	s4 =	simm.s32 $_size__tile_overlayer_lowered;
	s5 =	simm.s32 $_tile_overlayer_lowered  }
0x9b: {  	s22 =	simm.s32 $0x1BFF;
	s21 =	sshll.u32 s5, $0x1;
	s2 =	sadd.s32 s19, s18  }
0x9c: {  	s6 =	simm.s32 $0x0;
	s20 =	sshll.u32 s4, $0x1;
	s4 =	sadd.s32 s21, s2  }
0x9d: {  	[timem:s6], [sflag:s22] =	dma.local [hbm:s4], s20  }
0x9e: {  	_ =	swait.ge [sflag:s22], s20  }
0x9f: {  	s3 =	ssub.s32 $0x0, s20;
	[sflag:s22] =	ssyncset.done $0x0  }
0xa0: {  	[sflag:s22] =	ssyncadd.s32 s3;
	_ =	sdelay $0x1  }
0xa1: {  	s23 =	simm.s32 $0x1B8B  }
0xa2: {  	_ =	swait.ge [sflag:s23], $0x1  }
0xa3: {  	[sflag:s23] =	ssyncset.done $0x0  }
0xa4: {  	s25 =	simm.s32 $0x1B8E;
	s24 =	sld [smem:$0x3FFE];
	[sflag:s23] =	ssyncadd.s32 $0xFFFFFFFF  }
0xa5: {  	s26 =	simm.s32 $execute0_lowered;
	[smem:$0x3FD2] =	sst s25  }
0xa6: {  	s4 =	sshll.u32 s26, $0x1;
	_ =	strace $0x80000046;
	[dreg:$0x1] =	wrdreg $0xFFFFFFFF  }
0xa7: {  	s28 =	simm.s32 $_size_execute0_lowered;
	s2 =	sadd.s32 s2, s4;
	[dreg:$0x0] =	wrdreg $0x0  }
0xa8: {  	s4 =	sshll.u32 s28, $0x1;
	[dreg:$0x2] =	wrdreg s2  }
0xa9: {  	[dreg:$0x3] =	wrdreg s4  }
0xaa: {  	[dreg:$0x4] =	wrdreg $0xC0  }
0xab: {  	_ =	task [dreg:s6], $0x5FFFF  }
0xac: {  	[dreg:$0x1] =	wrdreg $0xFFFFFFFF  }
0xad: {  	[dreg:$0x0] =	wrdreg $0x60  }
0xae: {  	[dreg:$0x2] =	wrdreg s24  }
0xaf: {  	[dreg:$0x3] =	wrdreg $0x1800  }
0xb0: {  	[dreg:$0x4] =	wrdreg $0x9  }
0xb1: {  	_ =	task.clear_ibuf [dreg:s6], $0x5FFFF;
	_ =	strace $0x90000046  }
0xb2: {  	s29 =	simm.s32 $0x9;
	_ =	strace $0x80000048  }
0xb3: {  	_ =	swait.ge [sflag:s29], $0x1  }
0xb4: {  	[sflag:s29] =	ssyncadd.s32 $0xFFFFFFFF  }
0xb5: {  	_ =	strace $0x90000048  }
0xb6: {  	_ =	sfence  }
0xb7: {  	s30 =	sld [smem:$0x0];
	_ =	sdelay $0x2  }
0xb8: {  	s31 =	sshll.u32 s1, $0xD;
	s1 =	sshrl.u32 s1, $0x2  }
0xb9: {  	s3 =	sand.u32 $0x4000, s31;
	s1 =	sadd.s32 s1, s30  }
0xba: {  	s0 =	sor.u32 s3, s0;
	s1 =	sshll.u32 s1, $0x11  }
0xbb: {  	s0 =	sor.u32 s1, s0  }
0xbc: {  	s0 =	sadd.s32 $0x8F2B, s0  }
0xbd: {  	[sflag:s0] =	ssyncadd.remote.s32 $0x1  }
0xbe: {  	_ =	sfence.sel $0xFFFF  }
0xbf: {  	[dreg:$0x0] =	wrdreg $0xFFFFFFFF;
	(pc) =	sbr.abs _section_cstart, $3  }
0xc0: {  	[dreg:$0x1] =	wrdreg $0xFFFFFFFF  }
0xc1: {  	_ =	task.clear_ibuf [dreg:s6], $0x2FFFF;
	_ =	strace $0x9FFFFFFF  }
0xc2: {  	(tm) =	ssettm $0x7FFFFFFF  }
0xc3: {  	_ =	shalt  }
tec
execute0_lowered:
.L_overlay_start_1:
0x0: {  	(tag) =	ssettag $0x1  }
0x1: {  	s0 =	srdreg.scid  }
0x2: {  	s1 =	rddreg [dreg:$0x0];
	s22 =	stileid.u32  }
0x3: {  	s2 =	rddreg [dreg:$0x1];
	s3 =	simm.s32 $0x0;
	s6 =	smul.u32 $0x9D00, s22  }
0x4: {  	s28 =	simm.s32 $0x1;
	s4 =	sand.u32 $0x1, s0;
	s7 =	smul.u32 $0x500, s22  }
0x5: {  	s29 =	simm.s32 $0x80;
	s30 =	simm.s32 $0x0;
	s5 =	smul.u32 $0x9D000, s4  }
0x6: {  	[smem:$0x7FF] =	sst s3;
	s23 =	smul.u32 $0x5000, s4;
	s26 =	ssub.s32 $0x2, s4  }
0x7: {  	_ =	strace $0x80000047;
	s8 =	sshrl.u32 s26, $0x1;
	s4 =	sadd.s32 s7, s2  }
0x8: {  	s5 =	sadd.s32 s6, s5;
	s24 =	sadd.s32 s7, s23;
	s6 =	sadd.s32 $0x100, s4  }
0x9: {  	s7 =	sadd.s32 $0x180, s4;
	s9 =	sadd.s32 $0x280, s4;
	s10 =	sadd.s32 $0x300, s4  }
0xa: {  	s11 =	sadd.s32 $0x380, s4;
	s12 =	sadd.s32 $0x400, s4;
	s5 =	sshrl.u32 s5, $0x3  }
0xb: {  	s13 =	sadd.s32 $0x480, s4;
	s25 =	sadd.s32 s5, s1;
	s5 =	sshrl.u32 s24, $0x3  }
0xc: {  	s24 =	ssub.s32 s26, s8;
	s8 =	sadd.s32 $0x200, s4;
	s26 =	simm.s32 $0x100  }
0xd: {  	s1 =	sadd.s32 s5, s1;
	s5 =	sadd.s32 $0x80, s4;
	s24 =	smax.u32 s24, $0x1  }
0xe: {  	s25 =	sadd.s32 $0x1400, s25;
	s31 =	sadd.s32 $0x28800, s1;
	s15 =	sadd.s32 $0x28810, s1  }
0xf: {  	s16 =	sadd.s32 $0x28820, s1;
	s17 =	sadd.s32 $0x28830, s1;
	s18 =	sadd.s32 $0x28840, s1  }
0x10: {  	s19 =	sadd.s32 $0x28850, s1;
	s20 =	sadd.s32 $0x28860, s1;
	s21 =	sadd.s32 $0x28870, s1  }
0x11: {  	v0 =	vimm.f32 $1.000000000e+00;
	v1 =	vimm.f32 $0.0e+00;
	s22 =	sadd.s32 $0x28880, s1;
	s23 =	sadd.s32 $0x28890, s1;
	[dreg:$0x3] =	wrdreg s31  }
.LBB2_1:
0x12: {  	[tilespmem:$0x80] =	vst v0  }
0x13: {  	[tilespmem:$0x100] =	vst v1  }
0x14: {  	[tilespmem:$0x90] =	vst v0  }
0x15: {  	[tilespmem:$0x110] =	vst v1  }
0x16: {  	[tilespmem:$0xA0] =	vst v0  }
0x17: {  	[tilespmem:$0x120] =	vst v1  }
0x18: {  	[tilespmem:$0xB0] =	vst v0  }
0x19: {  	[tilespmem:$0x130] =	vst v1  }
0x1a: {  	[tilespmem:$0xC0] =	vst v0  }
0x1b: {  	[tilespmem:$0x140] =	vst v1  }
0x1c: {  	[tilespmem:$0xD0] =	vst v0  }
0x1d: {  	[tilespmem:$0x150] =	vst v1  }
0x1e: {  	[tilespmem:$0xE0] =	vst v0  }
0x1f: {  	[tilespmem:$0x160] =	vst v1  }
0x20: {  	[tilespmem:$0xF0] =	vst v0  }
0x21: {  	[tilespmem:$0x170] =	vst v1  }
0x22: {  	[spmem:s4] =	stream.linear.scatter [tilespmem:s26], [sflag:$0x1], $0x80, $0x38;
	[tilespmem:$0x680] =	vst v63  }
0x23: {  	_ =	swait.ge [sflag:s28], $0x80  }
0x24: {  	[sflag:s28] =	ssyncset.done $0x0  }
0x25: {  	[sflag:s28] =	ssyncadd.s32 $0xFFFFFF80  }
0x26: {  	[spmem:s5] =	stream.linear.scatter [tilespmem:s26], [sflag:$0x1], $0x80, $0x38;
	[tilespmem:$0x680] =	vst v63  }
0x27: {  	_ =	swait.ge [sflag:s28], $0x80  }
0x28: {  	[sflag:s28] =	ssyncset.done $0x0  }
0x29: {  	[sflag:s28] =	ssyncadd.s32 $0xFFFFFF80  }
0x2a: {  	[spmem:s6] =	stream.linear.scatter [tilespmem:s26], [sflag:$0x1], $0x80, $0x38;
	[tilespmem:$0x680] =	vst v63  }
0x2b: {  	_ =	swait.ge [sflag:s28], $0x80  }
0x2c: {  	[sflag:s28] =	ssyncset.done $0x0  }
0x2d: {  	[sflag:s28] =	ssyncadd.s32 $0xFFFFFF80  }
0x2e: {  	[spmem:s7] =	stream.linear.scatter [tilespmem:s26], [sflag:$0x1], $0x80, $0x38;
	[tilespmem:$0x680] =	vst v63  }
0x2f: {  	_ =	swait.ge [sflag:s28], $0x80  }
0x30: {  	[sflag:s28] =	ssyncset.done $0x0  }
0x31: {  	[sflag:s28] =	ssyncadd.s32 $0xFFFFFF80  }
0x32: {  	[spmem:s8] =	stream.linear.scatter [tilespmem:s26], [sflag:$0x1], $0x80, $0x38;
	[tilespmem:$0x680] =	vst v63  }
0x33: {  	_ =	swait.ge [sflag:s28], $0x80  }
0x34: {  	[sflag:s28] =	ssyncset.done $0x0  }
0x35: {  	[sflag:s28] =	ssyncadd.s32 $0xFFFFFF80  }
0x36: {  	[spmem:s9] =	stream.linear.scatter [tilespmem:s26], [sflag:$0x1], $0x80, $0x38;
	[tilespmem:$0x680] =	vst v63  }
0x37: {  	_ =	swait.ge [sflag:s28], $0x80  }
0x38: {  	[sflag:s28] =	ssyncset.done $0x0  }
0x39: {  	[sflag:s28] =	ssyncadd.s32 $0xFFFFFF80  }
0x3a: {  	[spmem:s10] =	stream.linear.scatter [tilespmem:s26], [sflag:$0x1], $0x80, $0x38;
	[tilespmem:$0x680] =	vst v63  }
0x3b: {  	_ =	swait.ge [sflag:s28], $0x80  }
0x3c: {  	[sflag:s28] =	ssyncset.done $0x0  }
0x3d: {  	[sflag:s28] =	ssyncadd.s32 $0xFFFFFF80  }
0x3e: {  	[spmem:s11] =	stream.linear.scatter [tilespmem:s26], [sflag:$0x1], $0x80, $0x38;
	[tilespmem:$0x680] =	vst v63  }
0x3f: {  	_ =	swait.ge [sflag:s28], $0x80  }
0x40: {  	[sflag:s28] =	ssyncset.done $0x0  }
0x41: {  	[sflag:s28] =	ssyncadd.s32 $0xFFFFFF80  }
0x42: {  	[spmem:s12] =	stream.linear.scatter [tilespmem:s26], [sflag:$0x1], $0x80, $0x38;
	[tilespmem:$0x680] =	vst v63  }
0x43: {  	_ =	swait.ge [sflag:s28], $0x80  }
0x44: {  	[sflag:s28] =	ssyncset.done $0x0  }
0x45: {  	[sflag:s28] =	ssyncadd.s32 $0xFFFFFF80  }
0x46: {  	[spmem:s13] =	stream.linear.scatter [tilespmem:s26], [sflag:$0x1], $0x80, $0x38;
	[tilespmem:$0x680] =	vst v63  }
0x47: {  	_ =	swait.ge [sflag:s28], $0x80  }
0x48: {  	[sflag:s28] =	ssyncset.done $0x0  }
0x49: {  	[sflag:s28] =	ssyncadd.s32 $0xFFFFFF80  }
0x4a: {  	s1 =	sadd.s32 $0x0, s25;
	[bflag:$0x0] =	sbarrier.arrive $0xFFFF  }
0x4b: {  	[tilespmem:s3], [sflag:$0x1] =	stream.linear.gather [hbm4b:s1+s3], $0x80, $0x38;
	[tilespmem:$0x680] =	vst v63  }
0x4c: {  	_ =	swait.ge [sflag:s28], $0x80  }
0x4d: {  	[sflag:s28] =	ssyncset.done $0x0  }
0x4e: {  	[sflag:s28] =	ssyncadd.s32 $0xFFFFFF80  }
0x4f: {  	[spmem:s2] =	stream.indirect.scatter.add.f32 [tilespmem:s29], [sflag:$0x1], $0x1, s3, s29, $0xb8;
	[tilespmem:$0x680] =	vst v63  }
0x50: {  	_ =	swait.ge [sflag:s28], $0x80  }
0x51: {  	s31 =	simm.s32 $0x10;
	s1 =	simm.s32 $0x20;
	[sflag:s28] =	ssyncset.done $0x0  }
.LBB2_2:
0x52: {  	s0 =	sadd.s32 s31, s25  }
0x53: {  	[sflag:s28] =	ssyncadd.s32 $0xFFFFFF80;
	s31 =	smov.u32 s1;
	s14 =	sadd.s32 $0x10, s1  }
0x54: {  	[tilespmem:s3], [sflag:$0x1] =	stream.linear.gather [hbm4b:s0+s3], $0x80, $0x38;
	[tilespmem:$0x680] =	vst v63  }
0x55: {  	p0 =	sne.s32 s1, $0x1390;
	_ =	swait.ge [sflag:s28], $0x80  }
.Ltmp0:
0x56: {  	[sflag:s28] =	ssyncset.done $0x0;
	(pc) =	sbr.rel @p0 .LBB2_2-.Ltmp0, $4  }
0x57: {  	[sflag:s28] =	ssyncadd.s32 $0xFFFFFF80  }
0x58: {  	[spmem:s2] =	stream.indirect.scatter.add.f32 [tilespmem:s29], [sflag:$0x1], $0x1, s3, s29, $0xb8;
	[tilespmem:$0x680] =	vst v63  }
0x59: {  	_ =	swait.ge [sflag:s28], $0x80  }
0x5a: {  	s1 =	smov.u32 s14;
	[sflag:s28] =	ssyncset.done $0x0  }
0x5b: {  	s0 =	sadd.s32 s31, s25;
	[sflag:s28] =	ssyncadd.s32 $0xFFFFFF80  }
0x5c: {  	[tilespmem:s3], [sflag:$0x1] =	stream.linear.gather [hbm4b:s0+s3], $0x80, $0x38;
	[tilespmem:$0x680] =	vst v63  }
0x5d: {  	_ =	swait.ge [sflag:s28], $0x80  }
0x5e: {  	[sflag:s28] =	ssyncset.done $0x0  }
0x5f: {  	[sflag:s28] =	ssyncadd.s32 $0xFFFFFF80  }
0x60: {  	[spmem:s2] =	stream.indirect.scatter.add.f32 [tilespmem:s29], [sflag:$0x1], $0x1, s3, s29, $0xb8;
	[tilespmem:$0x680] =	vst v63  }
0x61: {  	_ =	swait.ge [sflag:s28], $0x80  }
0x62: {  	[sflag:s28] =	ssyncset.done $0x0  }
0x63: {  	[sflag:s28] =	ssyncadd.s32 $0xFFFFFF80  }
0x64: {  	[bflag:$0x0] =	sbarrier.arrive $0xFFFF  }
0x65: {  	[tilespmem:s26], [sflag:$0x1] =	stream.linear.gather [spmem:s4], $0x80, $0x38;
	[tilespmem:$0x680] =	vst v63  }
0x66: {  	_ =	swait.ge [sflag:s28], $0x80  }
0x67: {  	[sflag:s28] =	ssyncset.done $0x0  }
0x68: {  	s31 =	rddreg [dreg:$0x3];
	[sflag:s28] =	ssyncadd.s32 $0xFFFFFF80  }
0x69: {  	[hbm4b:s31+s3] =	stream.linear.scatter [tilespmem:s26], [sflag:$0x1], $0x80, $0x38;
	[tilespmem:$0x680] =	vst v63  }
0x6a: {  	_ =	swait.ge [sflag:s28], $0x80  }
0x6b: {  	[sflag:s28] =	ssyncset.done $0x0  }
0x6c: {  	[sflag:s28] =	ssyncadd.s32 $0xFFFFFF80  }
0x6d: {  	[tilespmem:s26], [sflag:$0x1] =	stream.linear.gather [spmem:s5], $0x80, $0x38;
	[tilespmem:$0x680] =	vst v63  }
0x6e: {  	_ =	swait.ge [sflag:s28], $0x80  }
0x6f: {  	[sflag:s28] =	ssyncset.done $0x0  }
0x70: {  	[sflag:s28] =	ssyncadd.s32 $0xFFFFFF80  }
0x71: {  	[hbm4b:s15+s3] =	stream.linear.scatter [tilespmem:s26], [sflag:$0x1], $0x80, $0x38;
	[tilespmem:$0x680] =	vst v63  }
0x72: {  	_ =	swait.ge [sflag:s28], $0x80  }
0x73: {  	[sflag:s28] =	ssyncset.done $0x0  }
0x74: {  	[sflag:s28] =	ssyncadd.s32 $0xFFFFFF80  }
0x75: {  	[tilespmem:s26], [sflag:$0x1] =	stream.linear.gather [spmem:s6], $0x80, $0x38;
	[tilespmem:$0x680] =	vst v63  }
0x76: {  	_ =	swait.ge [sflag:s28], $0x80  }
0x77: {  	[sflag:s28] =	ssyncset.done $0x0  }
0x78: {  	[sflag:s28] =	ssyncadd.s32 $0xFFFFFF80  }
0x79: {  	[hbm4b:s16+s3] =	stream.linear.scatter [tilespmem:s26], [sflag:$0x1], $0x80, $0x38;
	[tilespmem:$0x680] =	vst v63  }
0x7a: {  	_ =	swait.ge [sflag:s28], $0x80  }
0x7b: {  	[sflag:s28] =	ssyncset.done $0x0  }
0x7c: {  	[sflag:s28] =	ssyncadd.s32 $0xFFFFFF80  }
0x7d: {  	[tilespmem:s26], [sflag:$0x1] =	stream.linear.gather [spmem:s7], $0x80, $0x38;
	[tilespmem:$0x680] =	vst v63  }
0x7e: {  	_ =	swait.ge [sflag:s28], $0x80  }
0x7f: {  	[sflag:s28] =	ssyncset.done $0x0  }
0x80: {  	[sflag:s28] =	ssyncadd.s32 $0xFFFFFF80  }
0x81: {  	[hbm4b:s17+s3] =	stream.linear.scatter [tilespmem:s26], [sflag:$0x1], $0x80, $0x38;
	[tilespmem:$0x680] =	vst v63  }
0x82: {  	_ =	swait.ge [sflag:s28], $0x80  }
0x83: {  	[sflag:s28] =	ssyncset.done $0x0  }
0x84: {  	[sflag:s28] =	ssyncadd.s32 $0xFFFFFF80  }
0x85: {  	[tilespmem:s26], [sflag:$0x1] =	stream.linear.gather [spmem:s8], $0x80, $0x38;
	[tilespmem:$0x680] =	vst v63  }
0x86: {  	_ =	swait.ge [sflag:s28], $0x80  }
0x87: {  	[sflag:s28] =	ssyncset.done $0x0  }
0x88: {  	[sflag:s28] =	ssyncadd.s32 $0xFFFFFF80  }
0x89: {  	[hbm4b:s18+s3] =	stream.linear.scatter [tilespmem:s26], [sflag:$0x1], $0x80, $0x38;
	[tilespmem:$0x680] =	vst v63  }
0x8a: {  	_ =	swait.ge [sflag:s28], $0x80  }
0x8b: {  	[sflag:s28] =	ssyncset.done $0x0  }
0x8c: {  	[sflag:s28] =	ssyncadd.s32 $0xFFFFFF80  }
0x8d: {  	[tilespmem:s26], [sflag:$0x1] =	stream.linear.gather [spmem:s9], $0x80, $0x38;
	[tilespmem:$0x680] =	vst v63  }
0x8e: {  	_ =	swait.ge [sflag:s28], $0x80  }
0x8f: {  	[sflag:s28] =	ssyncset.done $0x0  }
0x90: {  	[sflag:s28] =	ssyncadd.s32 $0xFFFFFF80  }
0x91: {  	[hbm4b:s19+s3] =	stream.linear.scatter [tilespmem:s26], [sflag:$0x1], $0x80, $0x38;
	[tilespmem:$0x680] =	vst v63  }
0x92: {  	_ =	swait.ge [sflag:s28], $0x80  }
0x93: {  	[sflag:s28] =	ssyncset.done $0x0  }
0x94: {  	[sflag:s28] =	ssyncadd.s32 $0xFFFFFF80  }
0x95: {  	[tilespmem:s26], [sflag:$0x1] =	stream.linear.gather [spmem:s10], $0x80, $0x38;
	[tilespmem:$0x680] =	vst v63  }
0x96: {  	_ =	swait.ge [sflag:s28], $0x80  }
0x97: {  	[sflag:s28] =	ssyncset.done $0x0  }
0x98: {  	[sflag:s28] =	ssyncadd.s32 $0xFFFFFF80  }
0x99: {  	[hbm4b:s20+s3] =	stream.linear.scatter [tilespmem:s26], [sflag:$0x1], $0x80, $0x38;
	[tilespmem:$0x680] =	vst v63  }
0x9a: {  	_ =	swait.ge [sflag:s28], $0x80  }
0x9b: {  	[sflag:s28] =	ssyncset.done $0x0  }
0x9c: {  	[sflag:s28] =	ssyncadd.s32 $0xFFFFFF80  }
0x9d: {  	[tilespmem:s26], [sflag:$0x1] =	stream.linear.gather [spmem:s11], $0x80, $0x38;
	[tilespmem:$0x680] =	vst v63  }
0x9e: {  	_ =	swait.ge [sflag:s28], $0x80  }
0x9f: {  	[sflag:s28] =	ssyncset.done $0x0  }
0xa0: {  	[sflag:s28] =	ssyncadd.s32 $0xFFFFFF80  }
0xa1: {  	[hbm4b:s21+s3] =	stream.linear.scatter [tilespmem:s26], [sflag:$0x1], $0x80, $0x38;
	[tilespmem:$0x680] =	vst v63  }
0xa2: {  	_ =	swait.ge [sflag:s28], $0x80  }
0xa3: {  	[sflag:s28] =	ssyncset.done $0x0  }
0xa4: {  	[sflag:s28] =	ssyncadd.s32 $0xFFFFFF80  }
0xa5: {  	[tilespmem:s26], [sflag:$0x1] =	stream.linear.gather [spmem:s12], $0x80, $0x38;
	[tilespmem:$0x680] =	vst v63  }
0xa6: {  	_ =	swait.ge [sflag:s28], $0x80  }
0xa7: {  	[sflag:s28] =	ssyncset.done $0x0  }
0xa8: {  	[sflag:s28] =	ssyncadd.s32 $0xFFFFFF80  }
0xa9: {  	[hbm4b:s22+s3] =	stream.linear.scatter [tilespmem:s26], [sflag:$0x1], $0x80, $0x38;
	[tilespmem:$0x680] =	vst v63  }
0xaa: {  	_ =	swait.ge [sflag:s28], $0x80  }
0xab: {  	[sflag:s28] =	ssyncset.done $0x0  }
0xac: {  	[sflag:s28] =	ssyncadd.s32 $0xFFFFFF80  }
0xad: {  	[tilespmem:s26], [sflag:$0x1] =	stream.linear.gather [spmem:s13], $0x80, $0x38;
	[tilespmem:$0x680] =	vst v63  }
0xae: {  	s30 =	sadd.s32 $0x1, s30;
	_ =	swait.ge [sflag:s28], $0x80  }
0xaf: {  	p0 =	sne.s32 s30, s24;
	[sflag:s28] =	ssyncset.done $0x0  }
.Ltmp1:
0xb0: {  	[sflag:s28] =	ssyncadd.s32 $0xFFFFFF80;
	(pc) =	sbr.rel @p0 .LBB2_1-.Ltmp1, $4  }
0xb1: {  	[hbm4b:s23+s3] =	stream.linear.scatter [tilespmem:s26], [sflag:$0x1], $0x80, $0x38;
	[tilespmem:$0x680] =	vst v63  }
0xb2: {  	_ =	swait.ge [sflag:s28], $0x80  }
0xb3: {  	[sflag:s28] =	ssyncset.done $0x0  }
0xb4: {  	[sflag:s28] =	ssyncadd.s32 $0xFFFFFF80  }
0xb5: {  	_ =	sfence.sel $0x180000  }
0xb6: {  	[bflag:$0x0] =	sbarrier.arrive $0xFFFF  }
0xb7: {  	_ =	strace $0x90000047  }
0xb8: {  	s0 =	stileid.u32;
	[bflag:$0x2] =	sbarrier.arrive $0xFFFF  }
0xb9: {  	p0 =	sne.s32 s0, $0x0;
	s0 =	rddreg [dreg:$0x2]  }
0xba: {  	s0 =	sadd.s32 @!p0 $0x100000, s0  }
0xbb: {  	[sflag:s0] =	ssyncadd.tile.s32 @!p0 $0x1;
	_ =	shalt  }
.Lfunc_end2:
_tile_overlayer_lowered:
.L_overlay_start_2:
0xbc: {  	(tag) =	ssettag $0x2  }
0xbd: {  	s0 =	rddreg [dreg:$0x0];
	s2 =	stileid.u32  }
0xbe: {  	s1 =	rddreg [dreg:$0x1];
	p0 =	sne.s32 s2, $0x0  }
0xbf: {  	s3 =	rddreg [dreg:$0x2];
	[bflag:$0x3] =	sbarrier.arrive $0xFFFF;
	s2 =	simm.s32 @!p0 $0x1C01  }
0xc0: {  	[timem:s3], [sflag:s2] =	dma.local @!p0 [hbm:s0], s1  }
0xc1: {  	s0 =	simm.s32 @!p0 $0x1  }
0xc2: {  	_ =	swait.ge @!p0 [sflag:s0], s1  }
0xc3: {  	s1 =	ssub.s32 @!p0 $0x0, s1;
	[sflag:s0] =	ssyncset.done @!p0 $0x0  }
0xc4: {  	[sflag:s0] =	ssyncadd.s32 @!p0 s1  }
0xc5: {  	[bflag:$0x3] =	sbarrier.arrive $0xFFFF  }
0xc6: {  	_ =	shalt  }

</sc_bundles>
